<compile_context>
chip_gen: v7x
topology: tpu7x:2x2x1
jax: 0.10.2.dev20260603
libtpu: 0.0.44.dev20260713+nightly
codegen_flags: <defaults>
</compile_context>

<pallas_src>
import functools

import jax
import jax.numpy as jnp
from jax import lax
from jax.experimental import pallas as pl
from jax.experimental.pallas import tpu as pltpu
from jax.experimental.pallas import tpu_sc as plsc

_N = 2048
_D = 128
_K = 512
_PIT = 24

_NC = 2
_NS = 16
_L = 16
_E = 32768
_EPT = _E // _NS
_BAND = 512
_ZB = 16384


def _sc_deg_kernel(edge_ref, deg_out, col_v, idx1, val1, zbuf, deg_s):
    cid = lax.axis_index("c")
    sid = lax.axis_index("s")
    e0 = sid * _EPT
    pltpu.sync_copy(edge_ref.at[1, pl.ds(e0, _EPT)], col_v)

    zeros16 = jnp.zeros((_L,), jnp.float32)
    ones16 = jnp.ones((_L,), jnp.float32)
    nslice = _N // _NS

    def zb(i, _):
        zbuf[pl.ds(i * _L, _L)] = zeros16
        return 0
    lax.fori_loop(0, nslice // _L, zb, 0)

    def fill(i, _):
        rr = i // 8
        co = (i % 8) * _L
        idx1[rr, pl.ds(co, _L)] = col_v[pl.ds(i * _L, _L)]
        val1[rr, pl.ds(co, _L)] = ones16
        return 0
    lax.fori_loop(0, _EPT // _L, fill, 0)

    pltpu.sync_copy(zbuf, deg_s.at[pl.ds(sid * nslice, nslice)])
    plsc.subcore_barrier()

    def dstream(j, _):
        pltpu.sync_copy(val1.at[j], deg_s.at[idx1.at[j]], add=True)
        return 0
    lax.fori_loop(0, _NS, dstream, 0)
    plsc.subcore_barrier()

    @pl.when(cid == 0)
    def _():
        pltpu.sync_copy(deg_s.at[pl.ds(sid * nslice, nslice)],
                        deg_out.at[pl.ds(sid * nslice, nslice)])


def _sc_scatter_kernel(edge_ref, dh_ref, out_ref,
                       row_v, col_v, wbuf, dhr, dhc,
                       idx1, val1, idx2, val2, zbuf, band_s):
    cid = lax.axis_index("c")
    sid = lax.axis_index("s")
    e0 = sid * _EPT
    pltpu.sync_copy(edge_ref.at[0, pl.ds(e0, _EPT)], row_v)
    pltpu.sync_copy(edge_ref.at[1, pl.ds(e0, _EPT)], col_v)

    zeros16 = jnp.zeros((_L,), jnp.float32)

    def zb(i, _):
        zbuf[pl.ds(i * _L, _L)] = zeros16
        return 0
    lax.fori_loop(0, _ZB // _L, zb, 0)

    def gchunk(j, _):
        pltpu.sync_copy(dh_ref.at[row_v.at[pl.ds(j * 128, 128)]], dhr.at[j])
        pltpu.sync_copy(dh_ref.at[col_v.at[pl.ds(j * 128, 128)]], dhc.at[j])
        return 0
    lax.fori_loop(0, _NS, gchunk, 0)

    def wchunk(i, _):
        rr = i // 8
        co = (i % 8) * _L
        dr = dhr[rr, pl.ds(co, _L)]
        dc = dhc[rr, pl.ds(co, _L)]
        wbuf[pl.ds(i * _L, _L)] = 0.5 * dr * dc
        return 0
    lax.fori_loop(0, _EPT // _L, wchunk, 0)

    stripe = _BAND * _N // _NS
    for band in range(_N // _BAND):
        lo = band * _BAND
        base = band * (_BAND * _N)

        @pl.when(cid == band // (_N // _BAND // _NC))
        def _():
            def zb2(i, _):
                pltpu.sync_copy(zbuf,
                                band_s.at[pl.ds(sid * stripe + i * _ZB, _ZB)])
                return 0
            lax.fori_loop(0, stripe // _ZB, zb2, 0)
            plsc.subcore_barrier()

            def chunk(i, _):
                r = row_v[pl.ds(i * _L, _L)]
                c = col_v[pl.ds(i * _L, _L)]
                w = wbuf[pl.ds(i * _L, _L)]
                inr = (r >= lo) & (r < lo + _BAND)
                inc = (c >= lo) & (c < lo + _BAND)
                rr = i // 8
                co = (i % 8) * _L
                idx1[rr, pl.ds(co, _L)] = jnp.where(inr, (r - lo) * _N + c, 0)
                val1[rr, pl.ds(co, _L)] = jnp.where(inr, w, 0.0)
                idx2[rr, pl.ds(co, _L)] = jnp.where(inc, (c - lo) * _N + r, 0)
                val2[rr, pl.ds(co, _L)] = jnp.where(inc, w, 0.0)
                return 0
            lax.fori_loop(0, _EPT // _L, chunk, 0)

            def bstream(j, _):
                pltpu.sync_copy(val1.at[j], band_s.at[idx1.at[j]], add=True)
                pltpu.sync_copy(val2.at[j], band_s.at[idx2.at[j]], add=True)
                return 0
            lax.fori_loop(0, _NS, bstream, 0)
            plsc.subcore_barrier()

            pltpu.sync_copy(
                band_s.at[pl.ds(sid * stripe, stripe)],
                out_ref.at[pl.ds(base + sid * stripe, stripe)])


def _sc_mesh():
    return plsc.VectorSubcoreMesh(core_axis_name="c", subcore_axis_name="s",
                                  num_cores=_NC, num_subcores=_NS)


def _sc_build_tsym(edge_index):
    deg = pl.kernel(
        _sc_deg_kernel,
        out_type=jax.ShapeDtypeStruct((_N,), jnp.float32),
        mesh=_sc_mesh(),
        scratch_types=[
            pltpu.VMEM((_EPT,), jnp.int32),
            pltpu.VMEM((_NS, 128), jnp.int32),
            pltpu.VMEM((_NS, 128), jnp.float32),
            pltpu.VMEM((_N // _NS,), jnp.float32),
            pltpu.VMEM_SHARED((_N,), jnp.float32),
        ],
    )(edge_index)
    dh = jnp.where(deg > 0.0, lax.rsqrt(jnp.maximum(deg, 1e-30)), 0.0)
    flat = pl.kernel(
        _sc_scatter_kernel,
        out_type=jax.ShapeDtypeStruct((_N * _N,), jnp.float32),
        mesh=_sc_mesh(),
        scratch_types=[
            pltpu.VMEM((_EPT,), jnp.int32),
            pltpu.VMEM((_EPT,), jnp.int32),
            pltpu.VMEM((_EPT,), jnp.float32),
            pltpu.VMEM((_NS, 128), jnp.float32),
            pltpu.VMEM((_NS, 128), jnp.float32),
            pltpu.VMEM((_NS, 128), jnp.int32),
            pltpu.VMEM((_NS, 128), jnp.float32),
            pltpu.VMEM((_NS, 128), jnp.int32),
            pltpu.VMEM((_NS, 128), jnp.float32),
            pltpu.VMEM((_ZB,), jnp.float32),
            pltpu.VMEM_SHARED((_BAND * _N,), jnp.float32),
        ],
    )(edge_index, dh)
    return flat.reshape(_N, _N)


def _power_kernel(t_ref, v_ref, rho_ref):
    def body(_, v):
        w = jnp.dot(t_ref[...], v, preferred_element_type=jnp.float32)
        nrm = jnp.sqrt(jnp.sum(w * w, axis=0, keepdims=True))
        return w / jnp.maximum(nrm, 1e-30)
    v = body(0, v_ref[...])
    v = lax.fori_loop(0, _PIT - 1, body, v)
    w = jnp.dot(t_ref[...], v, preferred_element_type=jnp.float32)
    nrm = jnp.sqrt(jnp.sum(w * w, axis=0))
    rho_ref[0, 0] = jnp.max(nrm)


def _estimate_rho(ts):
    n = ts.shape[0]
    i = jnp.arange(n, dtype=jnp.float32)
    cols = [jnp.ones((n,), jnp.float32)]
    for p in (1.0, 2.0, 3.0, 5.0, 7.0, 11.0, 13.0):
        cols.append(jnp.sin(0.7318 * p * i + 0.25 * p))
    v0 = jnp.stack(cols, axis=1)
    v0 = v0 / jnp.sqrt(jnp.sum(v0 * v0, axis=0, keepdims=True))
    rho = pl.pallas_call(
        _power_kernel,
        out_shape=jax.ShapeDtypeStruct((1, 1), jnp.float32),
        in_specs=[
            pl.BlockSpec(memory_space=pltpu.VMEM),
            pl.BlockSpec(memory_space=pltpu.VMEM),
        ],
        out_specs=pl.BlockSpec(memory_space=pltpu.SMEM),
    )(ts, v0)
    return rho[0, 0]


def _mv(t_ref, b):
    return jnp.dot(t_ref[...], b, preferred_element_type=jnp.float32)


def _cheb_recurrence(t_ref, v, c_ref, t0, t1, emit):
    t0[...] = v
    t1[...] = _mv(t_ref, v)
    for i in range(4):
        emit(i, c_ref[0, i] * t0[...] + c_ref[1, i] * t1[...], True)

    def body(j, _):
        t0[...] = 2.0 * _mv(t_ref, t1[...]) - t0[...]
        for i in range(4):
            emit(i, c_ref[2 * j, i] * t0[...], False)
        t1[...] = 2.0 * _mv(t_ref, t0[...]) - t1[...]
        for i in range(4):
            emit(i, c_ref[2 * j + 1, i] * t1[...], False)
        return 0

    lax.fori_loop(1, (_K + 2) // 2, body, 0)


def _stage1_kernel(t_ref, v_ref, c_ref, o_ref, t0, t1):
    w = v_ref.shape[1]

    def emit(i, val, init):
        sl = (slice(None), slice(i * w, (i + 1) * w))
        if init:
            o_ref[sl] = val
        else:
            o_ref[sl] += val

    _cheb_recurrence(t_ref, v_ref[...], c_ref, t0, t1, emit)
    for i in range(4):
        sl = (slice(None), slice(i * w, (i + 1) * w))
        o_ref[sl] = jnp.abs(o_ref[sl])


def _stage2_kernel(t_ref, v_ref, c_ref, o_ref, t0, t1):
    def emit(i, val, init):
        if init:
            o_ref[i] = val
        else:
            o_ref[i] += val

    _cheb_recurrence(t_ref, v_ref[...], c_ref, t0, t1, emit)
    for i in range(4):
        o_ref[i] = jnp.abs(o_ref[i])


def _cheb_stage1(ts, v, coefs):
    n, w = v.shape
    return pl.pallas_call(
        _stage1_kernel,
        grid=(1,),
        in_specs=[
            pl.BlockSpec((n, n), lambda j: (0, 0)),
            pl.BlockSpec((n, w), lambda j: (0, 0)),
            pl.BlockSpec(memory_space=pltpu.SMEM),
        ],
        out_specs=pl.BlockSpec((n, 4 * w), lambda j: (0, 0)),
        out_shape=jax.ShapeDtypeStruct((n, 4 * w), jnp.float32),
        scratch_shapes=[
            pltpu.VMEM((n, w), jnp.float32),
            pltpu.VMEM((n, w), jnp.float32),
        ],
    )(ts, v, coefs)


_W2 = 128


def _cheb_stage2(ts, v, coefs):
    n, w = v.shape
    nblk = w // _W2
    return pl.pallas_call(
        _stage2_kernel,
        grid=(nblk,),
        in_specs=[
            pl.BlockSpec((n, n), lambda j: (0, 0)),
            pl.BlockSpec((n, _W2), lambda j: (0, j)),
            pl.BlockSpec(memory_space=pltpu.SMEM),
        ],
        out_specs=pl.BlockSpec((4, n, _W2), lambda j: (0, 0, j)),
        out_shape=jax.ShapeDtypeStruct((4, n, w), jnp.float32),
        scratch_shapes=[
            pltpu.VMEM((n, _W2), jnp.float32),
            pltpu.VMEM((n, _W2), jnp.float32),
        ],
    )(ts, v, coefs)


def kernel(x, edge_index):
    n = x.shape[0]
    d = x.shape[1]
    ts = _sc_build_tsym(edge_index)

    gersh = jnp.max(jnp.sum(jnp.abs(ts), axis=1))
    rho = _estimate_rho(ts)
    dom = jnp.minimum(gersh, jnp.maximum(rho * 1.05, 1.10))

    k = jnp.arange(_K + 1, dtype=jnp.float32)
    xs = jnp.cos(jnp.pi * (k + 0.5) / (_K + 1))
    ls = dom * xs
    l2 = ls * ls
    l4 = l2 * l2
    l8 = l4 * l4
    l16 = l8 * l8
    gvals = jnp.stack([
        jnp.sqrt(jnp.clip(ls - l2, 0.0, None)),
        jnp.sqrt(jnp.clip(l2 - l4, 0.0, None)),
        jnp.sqrt(jnp.clip(l4 - l8, 0.0, None)),
        jnp.sqrt(jnp.clip(l8 - l16, 0.0, None)),
    ], axis=0)
    j = jnp.arange(_K + 1, dtype=jnp.float32)
    cosm = jnp.cos(jnp.pi * j[:, None] * (k[None, :] + 0.5) / (_K + 1))
    coefs = (2.0 / (_K + 1)) * (gvals @ cosm.T)
    coefs = coefs.at[:, 0].mul(0.5)
    coefs = jnp.pad(coefs, ((0, 0), (0, 1)))
    coefs_t = coefs.T

    ts_scaled = ts / dom

    s1_mine = _cheb_stage1(ts_scaled, x, coefs_t)
    s2_3 = _cheb_stage2(ts_scaled, s1_mine, coefs_t)

    s1_ref = s1_mine.reshape(n, 4, d).transpose(0, 2, 1).reshape(n, 4 * d)
    s2_ref = (s2_3.reshape(4, n, 4, d)
              .transpose(1, 3, 2, 0).reshape(n, 16 * d))
    return jnp.concatenate([x, s1_ref, s2_ref], axis=1)

# --- scband reference (transcript-rebuilt; emitter-appended) ---
"""Pipeline reference for scband-fast-scatter-w1-87153476370979 (READ-ONLY COPY).

The authoritative reference and input builder live on the scoring server;
editing this copy changes nothing except your own understanding.
"""

import jax, jax.numpy as jnp
import numpy as np

N_NODES = 2048
D_FEAT = 128
N_EDGES = 32768
ALPHA = 0.0


def setup_inputs(seed: int = 0) -> dict:
    key = jax.random.key(seed)
    k1, k2 = jax.random.split(key)
    x = jax.random.normal(k1, (N_NODES, D_FEAT), dtype=jnp.float32)
    edge_index = jax.random.randint(k2, (2, N_EDGES), 0, N_NODES)
    return {"x": x, "edge_index": edge_index}


def reference(x, edge_index):
    N = x.shape[0]
    row = edge_index[0]
    col = edge_index[1]
    edge_weight = jnp.ones((edge_index.shape[1],), dtype=x.dtype)
    # deg = scatter_add(edge_weight, col, dim_size=num_nodes)
    deg = jnp.zeros((N,), dtype=x.dtype).at[col].add(edge_weight)
    deg_half = deg ** (-0.5)
    deg_half = jnp.where(jnp.isinf(deg_half), 0.0, deg_half)
    edge_weight = deg_half[row] * edge_weight * deg_half[col]
    # to_dense_adj with edge_attr=edge_weight (duplicate edges accumulate)
    T = jnp.zeros((N, N), dtype=x.dtype).at[row, col].add(edge_weight)
    alpha0 = -0.5 + ALPHA
    alpha1 = -0.5 - ALPHA
    deg0 = deg ** (alpha0 + 0.5)
    deg1 = deg ** (alpha1 + 0.5)
    deg0 = jnp.where(jnp.isinf(deg0), 0.0, deg0)
    deg1 = jnp.where(jnp.isinf(deg1), 0.0, deg1)
    L, Q = jnp.linalg.eigh(T)
    f2 = L - L ** 2
    f3 = L ** 2 - L ** 4
    f4 = L ** 4 - L ** 8
    f5 = L ** 8 - L ** 16
    fs = [jnp.sqrt(jnp.clip(f, 0.0, None)) for f in (f2, f3, f4, f5)]

    def apply_wavelet(f, v):
        # diag(deg0) @ Q @ diag(f) @ Q.T @ diag(deg1) @ v
        return deg0[:, None] * (Q @ (f[:, None] * (Q.T @ (deg1[:, None] * v))))

    phi1 = [apply_wavelet(f, x) for f in fs]
    s1 = jnp.abs(jnp.stack(phi1, axis=-1))  # [N, d, 4]
    s1_flat = s1.reshape(N, -1)             # [N, 4d]
    phi2 = [apply_wavelet(f, s1_flat) for f in fs]
    s2 = jnp.abs(jnp.stack(phi2, axis=-1))  # [N, 4d, 4]
    s2_flat = s2.reshape(N, -1)             # [N, 16d]
    out = jnp.concatenate([x, s1_flat, s2_flat], axis=1)  # [N, 21d]
    return out

if __name__ == "__main__":
    import jax
    _d = setup_inputs()
    print(jax.jit(kernel)(*tuple(_d.values())))

</pallas_src>

<mosaic_0001>
#map = affine_map<(d0, d1) -> (0, 0)>
#map1 = affine_map<(d0, d1) -> (0)>
module attributes {stable_mosaic.version = 14 : i64} {
  func.func @_sc_deg_kernel(%arg0: i32, %arg1: i32, %arg2: memref<2x32768xi32, #tpu.memory_space<hbm>>, %arg3: memref<2048xf32, #tpu.memory_space<hbm>>, %arg4: memref<2048xi32, #tpu.memory_space<vmem>>, %arg5: memref<16x128xi32, #tpu.memory_space<vmem>>, %arg6: memref<16x128xf32, #tpu.memory_space<vmem>>, %arg7: memref<128xf32, #tpu.memory_space<vmem>>, %arg8: memref<2048xf32, #tpu.memory_space<vmem_shared>>) attributes {dimension_semantics = [#tpu.dimension_semantics<core_parallel>, #tpu.dimension_semantics<subcore_parallel>], iteration_bounds = array<i64: 2, 16>, scalar_prefetch = 0 : i64, scratch_operands = 5 : i64, tpu.core_type = #tpu.core_type<sc_vector_subcore>, window_params = [{transform_indices = #map}, {transform_indices = #map1}]} {
    %mul3A = arith.constant 2048 : i32
    %mul3A_0 = arith.muli %arg1, %mul3A : i32
    %run_scoped3A = arith.constant 1 : i32
    "tpu.region"() ({
      %run_scoped3A_29 = tpu.sem_alloc : memref<!tpu.dma_semaphore, #tpu.memory_space<semaphore_mem>>
      %dma_start3A = tpu.memref_slice %arg2[%run_scoped3A, %mul3A_0] : memref<2x32768xi32, #tpu.memory_space<hbm>> -> memref<1x2048xi32, #tpu.memory_space<hbm>>
      %dma_start3A_30 = tpu.memref_squeeze %dma_start3A : memref<1x2048xi32, #tpu.memory_space<hbm>> -> memref<2048xi32, #tpu.memory_space<hbm>>
      %dma_start3A_31 = tpu.memref_slice %arg2[%run_scoped3A, %mul3A_0] : memref<2x32768xi32, #tpu.memory_space<hbm>> -> memref<1x2048xi32, #tpu.memory_space<hbm>>
      %dma_start3A_32 = tpu.memref_squeeze %dma_start3A_31 : memref<1x2048xi32, #tpu.memory_space<hbm>> -> memref<2048xi32, #tpu.memory_space<hbm>>
      tpu.enqueue_dma source(%dma_start3A_32 : memref<2048xi32, #tpu.memory_space<hbm>>) target(%arg4 : memref<2048xi32, #tpu.memory_space<vmem>>) target_semaphore(%run_scoped3A_29 : memref<!tpu.dma_semaphore, #tpu.memory_space<semaphore_mem>>)
      %dma_wait3A = tpu.memref_slice %arg2[%run_scoped3A, %mul3A_0] : memref<2x32768xi32, #tpu.memory_space<hbm>> -> memref<1x2048xi32, #tpu.memory_space<hbm>>
      %dma_wait3A_33 = tpu.memref_squeeze %dma_wait3A : memref<1x2048xi32, #tpu.memory_space<hbm>> -> memref<2048xi32, #tpu.memory_space<hbm>>
      %dma_wait3A_34 = tpu.memref_slice %arg2[%run_scoped3A, %mul3A_0] : memref<2x32768xi32, #tpu.memory_space<hbm>> -> memref<1x2048xi32, #tpu.memory_space<hbm>>
      %dma_wait3A_35 = tpu.memref_squeeze %dma_wait3A_34 : memref<1x2048xi32, #tpu.memory_space<hbm>> -> memref<2048xi32, #tpu.memory_space<hbm>>
      tpu.wait_dma2 semaphore(%run_scoped3A_29 : memref<!tpu.dma_semaphore, #tpu.memory_space<semaphore_mem>>) src(%dma_wait3A_35 : memref<2048xi32, #tpu.memory_space<hbm>>) dst(%arg4 : memref<2048xi32, #tpu.memory_space<vmem>>)
      tpu.yield
    }) : () -> ()
    %broadcast_in_dim3A = arith.constant 0.000000e+00 : f32
    %broadcast_in_dim3A_1 = vector.broadcast %broadcast_in_dim3A : f32 to vector<16xf32>
    %broadcast_in_dim3A_2 = arith.constant 1.000000e+00 : f32
    %broadcast_in_dim3A_3 = vector.broadcast %broadcast_in_dim3A_2 : f32 to vector<16xf32>
    %scan3A = arith.constant 0 : i32
    %scan3A_4 = arith.constant 0 : i32
    %scan3A_5 = arith.constant 8 : i32
    %scan3A_6 = arith.addi %scan3A_4, %scan3A_5 : i32
    %scan3A_7 = arith.constant 1 : i32
    %scan3A_8 = scf.for %scan3A_29 = %scan3A_4 to %scan3A_6 step %scan3A_7 iter_args(%scan3A_30 = %scan3A) -> (i32)  : i32 {
      %mul3A_31 = arith.constant 16 : i32
      %mul3A_32 = arith.muli %scan3A_29, %mul3A_31 : i32
      %swap3A = arith.index_cast %mul3A_32 : i32 to index
      %swap3A_33 = tpu.vector_load %arg7[%swap3A] {strides = array<i32>} : memref<128xf32, #tpu.memory_space<vmem>>, vector<16xf32>,
      %swap3A_34 = vector.shape_cast %swap3A_33 : vector<16xf32> to vector<16xf32>
      %swap3A_35 = vector.shape_cast %broadcast_in_dim3A_1 : vector<16xf32> to vector<16xf32>
      tpu.vector_store %arg7[%swap3A], %swap3A_35 {strides = array<i32>} : memref<128xf32, #tpu.memory_space<vmem>>, vector<16xf32>,
      %scan3A_36 = arith.constant 0 : i32
      scf.yield %scan3A_36 : i32
    }
    %scan3A_9 = arith.constant 8 : i32
    %scan3A_10 = arith.constant 0 : i32
    %scan3A_11 = arith.constant 0 : i32
    %scan3A_12 = arith.constant 128 : i32
    %scan3A_13 = arith.addi %scan3A_11, %scan3A_12 : i32
    %scan3A_14 = arith.constant 1 : i32
    %scan3A_15 = scf.for %scan3A_29 = %scan3A_11 to %scan3A_13 step %scan3A_14 iter_args(%scan3A_30 = %scan3A_10) -> (i32)  : i32 {
      %jit3A = arith.constant 8 : i32
      %div3A = arith.divsi %scan3A_29, %jit3A : i32
      %sign3A = arith.constant 0 : i32
      %sign3A_31 = arith.cmpi sgt, %scan3A_29, %sign3A : i32
      %sign3A_32 = arith.extui %sign3A_31 : i1 to i32
      %sign3A_33 = arith.constant 0 : i32
      %sign3A_34 = arith.cmpi slt, %scan3A_29, %sign3A_33 : i32
      %sign3A_35 = arith.extui %sign3A_34 : i1 to i32
      %sign3A_36 = arith.subi %sign3A_32, %sign3A_35 : i32
      %sign3A_37 = arith.constant 0 : i32
      %sign3A_38 = arith.cmpi sgt, %jit3A, %sign3A_37 : i32
      %sign3A_39 = arith.extui %sign3A_38 : i1 to i32
      %sign3A_40 = arith.constant 0 : i32
      %sign3A_41 = arith.cmpi slt, %jit3A, %sign3A_40 : i32
      %sign3A_42 = arith.extui %sign3A_41 : i1 to i32
      %sign3A_43 = arith.subi %sign3A_39, %sign3A_42 : i32
      %ne3A = arith.cmpi ne, %sign3A_36, %sign3A_43 : i32
      %rem3A = arith.remsi %scan3A_29, %jit3A : i32
      %ne3A_44 = arith.constant 0 : i32
      %ne3A_45 = arith.cmpi ne, %rem3A, %ne3A_44 : i32
      %and3A = arith.andi %ne3A, %ne3A_45 : i1
      %sub3A = arith.constant 1 : i32
      %sub3A_46 = arith.subi %div3A, %sub3A : i32
      %select_n3A = arith.select %and3A, %sub3A_46, %div3A : i32
      %jit3A_47 = arith.constant 8 : i32
      %eq3A_48 = arith.constant 0 : i32
      %eq3A_49 = arith.cmpi eq, %jit3A_47, %eq3A_48 : i32
      %jit3A_50 = arith.constant 1 : i32
      %select_n3A_51 = arith.select %eq3A_49, %jit3A_50, %jit3A_47 : i32
      %rem3A_52 = arith.remsi %scan3A_29, %select_n3A_51 : i32
      %ne3A_53 = arith.constant 0 : i32
      %ne3A_54 = arith.cmpi ne, %rem3A_52, %ne3A_53 : i32
      %lt3A = arith.constant 0 : i32
      %lt3A_55 = arith.cmpi slt, %rem3A_52, %lt3A : i32
      %lt3A_56 = arith.constant 0 : i32
      %lt3A_57 = arith.cmpi slt, %select_n3A_51, %lt3A_56 : i32
      %ne3A_58 = arith.xori %lt3A_55, %lt3A_57 : i1
      %and3A_59 = arith.andi %ne3A_58, %ne3A_54 : i1
      %add3A = arith.addi %rem3A_52, %select_n3A_51 : i32
      %select_n3A_60 = arith.select %and3A_59, %add3A, %rem3A_52 : i32
      %mul3A_61 = arith.constant 16 : i32
      %mul3A_62 = arith.muli %select_n3A_60, %mul3A_61 : i32
      %mul3A_63 = arith.constant 16 : i32
      %mul3A_64 = arith.muli %scan3A_29, %mul3A_63 : i32
      %get3A = arith.index_cast %mul3A_64 : i32 to index
      %get3A_65 = tpu.vector_load %arg4[%get3A] {strides = array<i32>} : memref<2048xi32, #tpu.memory_space<vmem>>, vector<16xi32>,
      %get3A_66 = vector.shape_cast %get3A_65 : vector<16xi32> to vector<16xi32>
      %swap3A = arith.index_cast %select_n3A : i32 to index
      %swap3A_67 = arith.index_cast %mul3A_62 : i32 to index
      %swap3A_68 = tpu.vector_load %arg5[%swap3A, %swap3A_67] {strides = array<i32>} : memref<16x128xi32, #tpu.memory_space<vmem>>, vector<1x16xi32>,
      %swap3A_69 = vector.shape_cast %swap3A_68 : vector<1x16xi32> to vector<16xi32>
      %swap3A_70 = vector.shape_cast %get3A_66 : vector<16xi32> to vector<1x16xi32>
      tpu.vector_store %arg5[%swap3A, %swap3A_67], %swap3A_70 {strides = array<i32>} : memref<16x128xi32, #tpu.memory_space<vmem>>, vector<1x16xi32>,
      %swap3A_71 = arith.index_cast %select_n3A : i32 to index
      %swap3A_72 = arith.index_cast %mul3A_62 : i32 to index
      %swap3A_73 = tpu.vector_load %arg6[%swap3A_71, %swap3A_72] {strides = array<i32>} : memref<16x128xf32, #tpu.memory_space<vmem>>, vector<1x16xf32>,
      %swap3A_74 = vector.shape_cast %swap3A_73 : vector<1x16xf32> to vector<16xf32>
      %swap3A_75 = vector.shape_cast %broadcast_in_dim3A_3 : vector<16xf32> to vector<1x16xf32>
      tpu.vector_store %arg6[%swap3A_71, %swap3A_72], %swap3A_75 {strides = array<i32>} : memref<16x128xf32, #tpu.memory_space<vmem>>, vector<1x16xf32>,
      %scan3A_76 = arith.constant 0 : i32
      scf.yield %scan3A_76 : i32
    }
    %scan3A_16 = arith.constant 128 : i32
    %mul3A_17 = arith.constant 128 : i32
    %mul3A_18 = arith.muli %arg1, %mul3A_17 : i32
    "tpu.region"() ({
      %run_scoped3A_29 = tpu.sem_alloc : memref<!tpu.dma_semaphore, #tpu.memory_space<semaphore_mem>>
      %dma_start3A = tpu.memref_slice %arg8[%mul3A_18] : memref<2048xf32, #tpu.memory_space<vmem_shared>> -> memref<128xf32, #tpu.memory_space<vmem_shared>>
      %dma_start3A_30 = tpu.memref_slice %arg8[%mul3A_18] : memref<2048xf32, #tpu.memory_space<vmem_shared>> -> memref<128xf32, #tpu.memory_space<vmem_shared>>
      tpu.enqueue_dma source(%arg7 : memref<128xf32, #tpu.memory_space<vmem>>) target(%dma_start3A_30 : memref<128xf32, #tpu.memory_space<vmem_shared>>) target_semaphore(%run_scoped3A_29 : memref<!tpu.dma_semaphore, #tpu.memory_space<semaphore_mem>>)
      %dma_wait3A = tpu.memref_slice %arg8[%mul3A_18] : memref<2048xf32, #tpu.memory_space<vmem_shared>> -> memref<128xf32, #tpu.memory_space<vmem_shared>>
      %dma_wait3A_31 = tpu.memref_slice %arg8[%mul3A_18] : memref<2048xf32, #tpu.memory_space<vmem_shared>> -> memref<128xf32, #tpu.memory_space<vmem_shared>>
      tpu.wait_dma2 semaphore(%run_scoped3A_29 : memref<!tpu.dma_semaphore, #tpu.memory_space<semaphore_mem>>) src(%arg7 : memref<128xf32, #tpu.memory_space<vmem>>) dst(%dma_wait3A_31 : memref<128xf32, #tpu.memory_space<vmem_shared>>)
      tpu.yield
    }) : () -> ()
    %barrier3A = arith.constant 0 : index
    tpu.barrier barrier_id(%barrier3A)
    %scan3A_19 = arith.constant 0 : i32
    %scan3A_20 = arith.constant 0 : i32
    %scan3A_21 = arith.constant 16 : i32
    %scan3A_22 = arith.addi %scan3A_20, %scan3A_21 : i32
    %scan3A_23 = arith.constant 1 : i32
    %scan3A_24 = scf.for %scan3A_29 = %scan3A_20 to %scan3A_22 step %scan3A_23 iter_args(%scan3A_30 = %scan3A_19) -> (i32)  : i32 {
      "tpu.region"() ({
        %run_scoped3A_32 = tpu.sem_alloc : memref<!tpu.dma_semaphore, #tpu.memory_space<semaphore_mem>>
        %dma_start3A = arith.constant 0 : i32
        %dma_start3A_33 = tpu.memref_slice %arg6[%scan3A_29, %dma_start3A] : memref<16x128xf32, #tpu.memory_space<vmem>> -> memref<1x128xf32, #tpu.memory_space<vmem>>
        %dma_start3A_34 = tpu.memref_squeeze %dma_start3A_33 : memref<1x128xf32, #tpu.memory_space<vmem>> -> memref<128xf32, #tpu.memory_space<vmem>>
        %dma_start3A_35 = arith.constant 0 : i32
        %dma_start3A_36 = tpu.memref_slice %arg5[%scan3A_29, %dma_start3A_35] : memref<16x128xi32, #tpu.memory_space<vmem>> -> memref<1x128xi32, #tpu.memory_space<vmem>>
        %dma_start3A_37 = tpu.memref_squeeze %dma_start3A_36 : memref<1x128xi32, #tpu.memory_space<vmem>> -> memref<128xi32, #tpu.memory_space<vmem>>
        %dma_start3A_38 = arith.constant 0 : i32
        %dma_start3A_39 = tpu.memref_slice %arg8[%dma_start3A_38] : memref<2048xf32, #tpu.memory_space<vmem_shared>> -> memref<2048xf32, #tpu.memory_space<vmem_shared>>
        tpu.enqueue_indirect_dma source(%dma_start3A_34 : memref<128xf32, #tpu.memory_space<vmem>>) target(%dma_start3A_39 : memref<2048xf32, #tpu.memory_space<vmem_shared>>) offsets(%dma_start3A_37 : memref<128xi32, #tpu.memory_space<vmem>>) semaphore(%run_scoped3A_32 : memref<!tpu.dma_semaphore, #tpu.memory_space<semaphore_mem>>) {add = true}
        %dma_wait3A = arith.constant 0 : i32
        %dma_wait3A_40 = tpu.memref_slice %arg6[%scan3A_29, %dma_wait3A] : memref<16x128xf32, #tpu.memory_space<vmem>> -> memref<1x128xf32, #tpu.memory_space<vmem>>
        %dma_wait3A_41 = tpu.memref_squeeze %dma_wait3A_40 : memref<1x128xf32, #tpu.memory_space<vmem>> -> memref<128xf32, #tpu.memory_space<vmem>>
        %dma_wait3A_42 = arith.constant 0 : i32
        %dma_wait3A_43 = tpu.memref_slice %arg5[%scan3A_29, %dma_wait3A_42] : memref<16x128xi32, #tpu.memory_space<vmem>> -> memref<1x128xi32, #tpu.memory_space<vmem>>
        %dma_wait3A_44 = tpu.memref_squeeze %dma_wait3A_43 : memref<1x128xi32, #tpu.memory_space<vmem>> -> memref<128xi32, #tpu.memory_space<vmem>>
        %dma_wait3A_45 = arith.constant 0 : i32
        %dma_wait3A_46 = tpu.memref_slice %arg8[%dma_wait3A_45] : memref<2048xf32, #tpu.memory_space<vmem_shared>> -> memref<2048xf32, #tpu.memory_space<vmem_shared>>
        tpu.wait_indirect_dma semaphore(%run_scoped3A_32 : memref<!tpu.dma_semaphore, #tpu.memory_space<semaphore_mem>>) src(%dma_wait3A_41 : memref<128xf32, #tpu.memory_space<vmem>>) dst(%dma_wait3A_46 : memref<2048xf32, #tpu.memory_space<vmem_shared>>)
        tpu.yield
      }) : () -> ()
      %scan3A_31 = arith.constant 0 : i32
      scf.yield %scan3A_31 : i32
    }
    %scan3A_25 = arith.constant 16 : i32
    %barrier3A_26 = arith.constant 0 : index
    tpu.barrier barrier_id(%barrier3A_26)
    %eq3A = arith.constant 0 : i32
    %eq3A_27 = arith.cmpi eq, %arg0, %eq3A : i32
    %convert_element_type3A = arith.extui %eq3A_27 : i1 to i32
    %cond3A = arith.constant 0 : i32
    %cond3A_28 = arith.cmpi ne, %convert_element_type3A, %cond3A : i32
    scf.if %cond3A_28 {
      %mul3A_29 = arith.constant 128 : i32
      %mul3A_30 = arith.muli %arg1, %mul3A_29 : i32
      %mul3A_31 = arith.constant 128 : i32
      %mul3A_32 = arith.muli %arg1, %mul3A_31 : i32
      "tpu.region"() ({
        %run_scoped3A_33 = tpu.sem_alloc : memref<!tpu.dma_semaphore, #tpu.memory_space<semaphore_mem>>
        %dma_start3A = tpu.memref_slice %arg3[%mul3A_32] : memref<2048xf32, #tpu.memory_space<hbm>> -> memref<128xf32, #tpu.memory_space<hbm>>
        %dma_start3A_34 = tpu.memref_slice %arg8[%mul3A_30] : memref<2048xf32, #tpu.memory_space<vmem_shared>> -> memref<128xf32, #tpu.memory_space<vmem_shared>>
        tpu.enqueue_dma source(%dma_start3A_34 : memref<128xf32, #tpu.memory_space<vmem_shared>>) target(%dma_start3A : memref<128xf32, #tpu.memory_space<hbm>>) target_semaphore(%run_scoped3A_33 : memref<!tpu.dma_semaphore, #tpu.memory_space<semaphore_mem>>)
        %dma_wait3A = tpu.memref_slice %arg3[%mul3A_32] : memref<2048xf32, #tpu.memory_space<hbm>> -> memref<128xf32, #tpu.memory_space<hbm>>
        %dma_wait3A_35 = tpu.memref_slice %arg8[%mul3A_30] : memref<2048xf32, #tpu.memory_space<vmem_shared>> -> memref<128xf32, #tpu.memory_space<vmem_shared>>
        tpu.wait_dma2 semaphore(%run_scoped3A_33 : memref<!tpu.dma_semaphore, #tpu.memory_space<semaphore_mem>>) src(%dma_wait3A_35 : memref<128xf32, #tpu.memory_space<vmem_shared>>) dst(%dma_wait3A : memref<128xf32, #tpu.memory_space<hbm>>)
        tpu.yield
      }) : () -> ()
    } else {
    }
    return
  }
}

#map = affine_map<(d0, d1) -> (0, 0)>
#map1 = affine_map<(d0, d1) -> (0)>
module attributes {stable_mosaic.version = 14 : i64} {
  func.func @_sc_scatter_kernel(%arg0: i32, %arg1: i32, %arg2: memref<2x32768xi32, #tpu.memory_space<hbm>>, %arg3: memref<2048xf32, #tpu.memory_space<hbm>>, %arg4: memref<4194304xf32, #tpu.memory_space<hbm>>, %arg5: memref<2048xi32, #tpu.memory_space<vmem>>, %arg6: memref<2048xi32, #tpu.memory_space<vmem>>, %arg7: memref<2048xf32, #tpu.memory_space<vmem>>, %arg8: memref<16x128xf32, #tpu.memory_space<vmem>>, %arg9: memref<16x128xf32, #tpu.memory_space<vmem>>, %arg10: memref<16x128xi32, #tpu.memory_space<vmem>>, %arg11: memref<16x128xf32, #tpu.memory_space<vmem>>, %arg12: memref<16x128xi32, #tpu.memory_space<vmem>>, %arg13: memref<16x128xf32, #tpu.memory_space<vmem>>, %arg14: memref<16384xf32, #tpu.memory_space<vmem>>, %arg15: memref<1048576xf32, #tpu.memory_space<vmem_shared>>) attributes {dimension_semantics = [#tpu.dimension_semantics<core_parallel>, #tpu.dimension_semantics<subcore_parallel>], iteration_bounds = array<i64: 2, 16>, scalar_prefetch = 0 : i64, scratch_operands = 11 : i64, tpu.core_type = #tpu.core_type<sc_vector_subcore>, window_params = [{transform_indices = #map}, {transform_indices = #map1}, {transform_indices = #map1}]} {
    %mul3A = arith.constant 2048 : i32
    %mul3A_0 = arith.muli %arg1, %mul3A : i32
    %run_scoped3A = arith.constant 0 : i32
    "tpu.region"() ({
      %run_scoped3A_40 = tpu.sem_alloc : memref<!tpu.dma_semaphore, #tpu.memory_space<semaphore_mem>>
      %dma_start3A = tpu.memref_slice %arg2[%run_scoped3A, %mul3A_0] : memref<2x32768xi32, #tpu.memory_space<hbm>> -> memref<1x2048xi32, #tpu.memory_space<hbm>>
      %dma_start3A_41 = tpu.memref_squeeze %dma_start3A : memref<1x2048xi32, #tpu.memory_space<hbm>> -> memref<2048xi32, #tpu.memory_space<hbm>>
      %dma_start3A_42 = tpu.memref_slice %arg2[%run_scoped3A, %mul3A_0] : memref<2x32768xi32, #tpu.memory_space<hbm>> -> memref<1x2048xi32, #tpu.memory_space<hbm>>
      %dma_start3A_43 = tpu.memref_squeeze %dma_start3A_42 : memref<1x2048xi32, #tpu.memory_space<hbm>> -> memref<2048xi32, #tpu.memory_space<hbm>>
      tpu.enqueue_dma source(%dma_start3A_43 : memref<2048xi32, #tpu.memory_space<hbm>>) target(%arg5 : memref<2048xi32, #tpu.memory_space<vmem>>) target_semaphore(%run_scoped3A_40 : memref<!tpu.dma_semaphore, #tpu.memory_space<semaphore_mem>>)
      %dma_wait3A = tpu.memref_slice %arg2[%run_scoped3A, %mul3A_0] : memref<2x32768xi32, #tpu.memory_space<hbm>> -> memref<1x2048xi32, #tpu.memory_space<hbm>>
      %dma_wait3A_44 = tpu.memref_squeeze %dma_wait3A : memref<1x2048xi32, #tpu.memory_space<hbm>> -> memref<2048xi32, #tpu.memory_space<hbm>>
      %dma_wait3A_45 = tpu.memref_slice %arg2[%run_scoped3A, %mul3A_0] : memref<2x32768xi32, #tpu.memory_space<hbm>> -> memref<1x2048xi32, #tpu.memory_space<hbm>>
      %dma_wait3A_46 = tpu.memref_squeeze %dma_wait3A_45 : memref<1x2048xi32, #tpu.memory_space<hbm>> -> memref<2048xi32, #tpu.memory_space<hbm>>
      tpu.wait_dma2 semaphore(%run_scoped3A_40 : memref<!tpu.dma_semaphore, #tpu.memory_space<semaphore_mem>>) src(%dma_wait3A_46 : memref<2048xi32, #tpu.memory_space<hbm>>) dst(%arg5 : memref<2048xi32, #tpu.memory_space<vmem>>)
      tpu.yield
    }) : () -> ()
    %run_scoped3A_1 = arith.constant 1 : i32
    "tpu.region"() ({
      %run_scoped3A_40 = tpu.sem_alloc : memref<!tpu.dma_semaphore, #tpu.memory_space<semaphore_mem>>
      %dma_start3A = tpu.memref_slice %arg2[%run_scoped3A_1, %mul3A_0] : memref<2x32768xi32, #tpu.memory_space<hbm>> -> memref<1x2048xi32, #tpu.memory_space<hbm>>
      %dma_start3A_41 = tpu.memref_squeeze %dma_start3A : memref<1x2048xi32, #tpu.memory_space<hbm>> -> memref<2048xi32, #tpu.memory_space<hbm>>
      %dma_start3A_42 = tpu.memref_slice %arg2[%run_scoped3A_1, %mul3A_0] : memref<2x32768xi32, #tpu.memory_space<hbm>> -> memref<1x2048xi32, #tpu.memory_space<hbm>>
      %dma_start3A_43 = tpu.memref_squeeze %dma_start3A_42 : memref<1x2048xi32, #tpu.memory_space<hbm>> -> memref<2048xi32, #tpu.memory_space<hbm>>
      tpu.enqueue_dma source(%dma_start3A_43 : memref<2048xi32, #tpu.memory_space<hbm>>) target(%arg6 : memref<2048xi32, #tpu.memory_space<vmem>>) target_semaphore(%run_scoped3A_40 : memref<!tpu.dma_semaphore, #tpu.memory_space<semaphore_mem>>)
      %dma_wait3A = tpu.memref_slice %arg2[%run_scoped3A_1, %mul3A_0] : memref<2x32768xi32, #tpu.memory_space<hbm>> -> memref<1x2048xi32, #tpu.memory_space<hbm>>
      %dma_wait3A_44 = tpu.memref_squeeze %dma_wait3A : memref<1x2048xi32, #tpu.memory_space<hbm>> -> memref<2048xi32, #tpu.memory_space<hbm>>
      %dma_wait3A_45 = tpu.memref_slice %arg2[%run_scoped3A_1, %mul3A_0] : memref<2x32768xi32, #tpu.memory_space<hbm>> -> memref<1x2048xi32, #tpu.memory_space<hbm>>
      %dma_wait3A_46 = tpu.memref_squeeze %dma_wait3A_45 : memref<1x2048xi32, #tpu.memory_space<hbm>> -> memref<2048xi32, #tpu.memory_space<hbm>>
      tpu.wait_dma2 semaphore(%run_scoped3A_40 : memref<!tpu.dma_semaphore, #tpu.memory_space<semaphore_mem>>) src(%dma_wait3A_46 : memref<2048xi32, #tpu.memory_space<hbm>>) dst(%arg6 : memref<2048xi32, #tpu.memory_space<vmem>>)
      tpu.yield
    }) : () -> ()
    %broadcast_in_dim3A = arith.constant 0.000000e+00 : f32
    %broadcast_in_dim3A_2 = vector.broadcast %broadcast_in_dim3A : f32 to vector<16xf32>
    %scan3A = arith.constant 0 : i32
    %scan3A_3 = arith.constant 0 : i32
    %scan3A_4 = arith.constant 1024 : i32
    %scan3A_5 = arith.addi %scan3A_3, %scan3A_4 : i32
    %scan3A_6 = arith.constant 1 : i32
    %scan3A_7 = scf.for %scan3A_40 = %scan3A_3 to %scan3A_5 step %scan3A_6 iter_args(%scan3A_41 = %scan3A) -> (i32)  : i32 {
      %mul3A_42 = arith.constant 16 : i32
      %mul3A_43 = arith.muli %scan3A_40, %mul3A_42 : i32
      %swap3A = arith.index_cast %mul3A_43 : i32 to index
      %swap3A_44 = tpu.vector_load %arg14[%swap3A] {strides = array<i32>} : memref<16384xf32, #tpu.memory_space<vmem>>, vector<16xf32>,
      %swap3A_45 = vector.shape_cast %swap3A_44 : vector<16xf32> to vector<16xf32>
      %swap3A_46 = vector.shape_cast %broadcast_in_dim3A_2 : vector<16xf32> to vector<16xf32>
      tpu.vector_store %arg14[%swap3A], %swap3A_46 {strides = array<i32>} : memref<16384xf32, #tpu.memory_space<vmem>>, vector<16xf32>,
      %scan3A_47 = arith.constant 0 : i32
      scf.yield %scan3A_47 : i32
    }
    %scan3A_8 = arith.constant 1024 : i32
    %scan3A_9 = arith.constant 0 : i32
    %scan3A_10 = arith.constant 0 : i32
    %scan3A_11 = arith.constant 16 : i32
    %scan3A_12 = arith.addi %scan3A_10, %scan3A_11 : i32
    %scan3A_13 = arith.constant 1 : i32
    %scan3A_14 = scf.for %scan3A_40 = %scan3A_10 to %scan3A_12 step %scan3A_13 iter_args(%scan3A_41 = %scan3A_9) -> (i32)  : i32 {
      %mul3A_42 = arith.constant 128 : i32
      %mul3A_43 = arith.muli %scan3A_40, %mul3A_42 : i32
      "tpu.region"() ({
        %run_scoped3A_47 = tpu.sem_alloc : memref<!tpu.dma_semaphore, #tpu.memory_space<semaphore_mem>>
        %dma_start3A = arith.constant 0 : i32
        %dma_start3A_48 = tpu.memref_slice %arg8[%scan3A_40, %dma_start3A] : memref<16x128xf32, #tpu.memory_space<vmem>> -> memref<1x128xf32, #tpu.memory_space<vmem>>
        %dma_start3A_49 = tpu.memref_squeeze %dma_start3A_48 : memref<1x128xf32, #tpu.memory_space<vmem>> -> memref<128xf32, #tpu.memory_space<vmem>>
        %dma_start3A_50 = tpu.memref_slice %arg5[%mul3A_43] : memref<2048xi32, #tpu.memory_space<vmem>> -> memref<128xi32, #tpu.memory_space<vmem>>
        %dma_start3A_51 = arith.constant 0 : i32
        %dma_start3A_52 = tpu.memref_slice %arg3[%dma_start3A_51] : memref<2048xf32, #tpu.memory_space<hbm>> -> memref<2048xf32, #tpu.memory_space<hbm>>
        tpu.enqueue_indirect_dma source(%dma_start3A_52 : memref<2048xf32, #tpu.memory_space<hbm>>) target(%dma_start3A_49 : memref<128xf32, #tpu.memory_space<vmem>>) offsets(%dma_start3A_50 : memref<128xi32, #tpu.memory_space<vmem>>) semaphore(%run_scoped3A_47 : memref<!tpu.dma_semaphore, #tpu.memory_space<semaphore_mem>>)
        %dma_wait3A = arith.constant 0 : i32
        %dma_wait3A_53 = tpu.memref_slice %arg8[%scan3A_40, %dma_wait3A] : memref<16x128xf32, #tpu.memory_space<vmem>> -> memref<1x128xf32, #tpu.memory_space<vmem>>
        %dma_wait3A_54 = tpu.memref_squeeze %dma_wait3A_53 : memref<1x128xf32, #tpu.memory_space<vmem>> -> memref<128xf32, #tpu.memory_space<vmem>>
        %dma_wait3A_55 = tpu.memref_slice %arg5[%mul3A_43] : memref<2048xi32, #tpu.memory_space<vmem>> -> memref<128xi32, #tpu.memory_space<vmem>>
        %dma_wait3A_56 = arith.constant 0 : i32
        %dma_wait3A_57 = tpu.memref_slice %arg3[%dma_wait3A_56] : memref<2048xf32, #tpu.memory_space<hbm>> -> memref<2048xf32, #tpu.memory_space<hbm>>
        tpu.wait_indirect_dma semaphore(%run_scoped3A_47 : memref<!tpu.dma_semaphore, #tpu.memory_space<semaphore_mem>>) src(%dma_wait3A_57 : memref<2048xf32, #tpu.memory_space<hbm>>) dst(%dma_wait3A_54 : memref<128xf32, #tpu.memory_space<vmem>>)
        tpu.yield
      }) : () -> ()
      %mul3A_44 = arith.constant 128 : i32
      %mul3A_45 = arith.muli %scan3A_40, %mul3A_44 : i32
      "tpu.region"() ({
        %run_scoped3A_47 = tpu.sem_alloc : memref<!tpu.dma_semaphore, #tpu.memory_space<semaphore_mem>>
        %dma_start3A = arith.constant 0 : i32
        %dma_start3A_48 = tpu.memref_slice %arg9[%scan3A_40, %dma_start3A] : memref<16x128xf32, #tpu.memory_space<vmem>> -> memref<1x128xf32, #tpu.memory_space<vmem>>
        %dma_start3A_49 = tpu.memref_squeeze %dma_start3A_48 : memref<1x128xf32, #tpu.memory_space<vmem>> -> memref<128xf32, #tpu.memory_space<vmem>>
        %dma_start3A_50 = tpu.memref_slice %arg6[%mul3A_45] : memref<2048xi32, #tpu.memory_space<vmem>> -> memref<128xi32, #tpu.memory_space<vmem>>
        %dma_start3A_51 = arith.constant 0 : i32
        %dma_start3A_52 = tpu.memref_slice %arg3[%dma_start3A_51] : memref<2048xf32, #tpu.memory_space<hbm>> -> memref<2048xf32, #tpu.memory_space<hbm>>
        tpu.enqueue_indirect_dma source(%dma_start3A_52 : memref<2048xf32, #tpu.memory_space<hbm>>) target(%dma_start3A_49 : memref<128xf32, #tpu.memory_space<vmem>>) offsets(%dma_start3A_50 : memref<128xi32, #tpu.memory_space<vmem>>) semaphore(%run_scoped3A_47 : memref<!tpu.dma_semaphore, #tpu.memory_space<semaphore_mem>>)
        %dma_wait3A = arith.constant 0 : i32
        %dma_wait3A_53 = tpu.memref_slice %arg9[%scan3A_40, %dma_wait3A] : memref<16x128xf32, #tpu.memory_space<vmem>> -> memref<1x128xf32, #tpu.memory_space<vmem>>
        %dma_wait3A_54 = tpu.memref_squeeze %dma_wait3A_53 : memref<1x128xf32, #tpu.memory_space<vmem>> -> memref<128xf32, #tpu.memory_space<vmem>>
        %dma_wait3A_55 = tpu.memref_slice %arg6[%mul3A_45] : memref<2048xi32, #tpu.memory_space<vmem>> -> memref<128xi32, #tpu.memory_space<vmem>>
        %dma_wait3A_56 = arith.constant 0 : i32
        %dma_wait3A_57 = tpu.memref_slice %arg3[%dma_wait3A_56] : memref<2048xf32, #tpu.memory_space<hbm>> -> memref<2048xf32, #tpu.memory_space<hbm>>
        tpu.wait_indirect_dma semaphore(%run_scoped3A_47 : memref<!tpu.dma_semaphore, #tpu.memory_space<semaphore_mem>>) src(%dma_wait3A_57 : memref<2048xf32, #tpu.memory_space<hbm>>) dst(%dma_wait3A_54 : memref<128xf32, #tpu.memory_space<vmem>>)
        tpu.yield
      }) : () -> ()
      %scan3A_46 = arith.constant 0 : i32
      scf.yield %scan3A_46 : i32
    }
    %scan3A_15 = arith.constant 16 : i32
    %scan3A_16 = arith.constant 0 : i32
    %scan3A_17 = arith.constant 0 : i32
    %scan3A_18 = arith.constant 128 : i32
    %scan3A_19 = arith.addi %scan3A_17, %scan3A_18 : i32
    %scan3A_20 = arith.constant 1 : i32
    %scan3A_21 = scf.for %scan3A_40 = %scan3A_17 to %scan3A_19 step %scan3A_20 iter_args(%scan3A_41 = %scan3A_16) -> (i32)  : i32 {
      %jit3A = arith.constant 8 : i32
      %div3A = arith.divsi %scan3A_40, %jit3A : i32
      %sign3A = arith.constant 0 : i32
      %sign3A_42 = arith.cmpi sgt, %scan3A_40, %sign3A : i32
      %sign3A_43 = arith.extui %sign3A_42 : i1 to i32
      %sign3A_44 = arith.constant 0 : i32
      %sign3A_45 = arith.cmpi slt, %scan3A_40, %sign3A_44 : i32
      %sign3A_46 = arith.extui %sign3A_45 : i1 to i32
      %sign3A_47 = arith.subi %sign3A_43, %sign3A_46 : i32
      %sign3A_48 = arith.constant 0 : i32
      %sign3A_49 = arith.cmpi sgt, %jit3A, %sign3A_48 : i32
      %sign3A_50 = arith.extui %sign3A_49 : i1 to i32
      %sign3A_51 = arith.constant 0 : i32
      %sign3A_52 = arith.cmpi slt, %jit3A, %sign3A_51 : i32
      %sign3A_53 = arith.extui %sign3A_52 : i1 to i32
      %sign3A_54 = arith.subi %sign3A_50, %sign3A_53 : i32
      %ne3A = arith.cmpi ne, %sign3A_47, %sign3A_54 : i32
      %rem3A = arith.remsi %scan3A_40, %jit3A : i32
      %ne3A_55 = arith.constant 0 : i32
      %ne3A_56 = arith.cmpi ne, %rem3A, %ne3A_55 : i32
      %and3A = arith.andi %ne3A, %ne3A_56 : i1
      %sub3A = arith.constant 1 : i32
      %sub3A_57 = arith.subi %div3A, %sub3A : i32
      %select_n3A = arith.select %and3A, %sub3A_57, %div3A : i32
      %jit3A_58 = arith.constant 8 : i32
      %eq3A_59 = arith.constant 0 : i32
      %eq3A_60 = arith.cmpi eq, %jit3A_58, %eq3A_59 : i32
      %jit3A_61 = arith.constant 1 : i32
      %select_n3A_62 = arith.select %eq3A_60, %jit3A_61, %jit3A_58 : i32
      %rem3A_63 = arith.remsi %scan3A_40, %select_n3A_62 : i32
      %ne3A_64 = arith.constant 0 : i32
      %ne3A_65 = arith.cmpi ne, %rem3A_63, %ne3A_64 : i32
      %lt3A = arith.constant 0 : i32
      %lt3A_66 = arith.cmpi slt, %rem3A_63, %lt3A : i32
      %lt3A_67 = arith.constant 0 : i32
      %lt3A_68 = arith.cmpi slt, %select_n3A_62, %lt3A_67 : i32
      %ne3A_69 = arith.xori %lt3A_66, %lt3A_68 : i1
      %and3A_70 = arith.andi %ne3A_69, %ne3A_65 : i1
      %add3A = arith.addi %rem3A_63, %select_n3A_62 : i32
      %select_n3A_71 = arith.select %and3A_70, %add3A, %rem3A_63 : i32
      %mul3A_72 = arith.constant 16 : i32
      %mul3A_73 = arith.muli %select_n3A_71, %mul3A_72 : i32
      %get3A = arith.index_cast %select_n3A : i32 to index
      %get3A_74 = arith.index_cast %mul3A_73 : i32 to index
      %get3A_75 = tpu.vector_load %arg8[%get3A, %get3A_74] {strides = array<i32>} : memref<16x128xf32, #tpu.memory_space<vmem>>, vector<1x16xf32>,
      %get3A_76 = vector.shape_cast %get3A_75 : vector<1x16xf32> to vector<16xf32>
      %get3A_77 = arith.index_cast %select_n3A : i32 to index
      %get3A_78 = arith.index_cast %mul3A_73 : i32 to index
      %get3A_79 = tpu.vector_load %arg9[%get3A_77, %get3A_78] {strides = array<i32>} : memref<16x128xf32, #tpu.memory_space<vmem>>, vector<1x16xf32>,
      %get3A_80 = vector.shape_cast %get3A_79 : vector<1x16xf32> to vector<16xf32>
      %mul3A_81 = arith.constant 5.000000e-01 : f32
      %mul3A_82 = vector.broadcast %mul3A_81 : f32 to vector<16xf32>
      %mul3A_83 = arith.mulf %mul3A_82, %get3A_76 : vector<16xf32>
      %mul3A_84 = arith.mulf %mul3A_83, %get3A_80 : vector<16xf32>
      %mul3A_85 = arith.constant 16 : i32
      %mul3A_86 = arith.muli %scan3A_40, %mul3A_85 : i32
      %swap3A = arith.index_cast %mul3A_86 : i32 to index
      %swap3A_87 = tpu.vector_load %arg7[%swap3A] {strides = array<i32>} : memref<2048xf32, #tpu.memory_space<vmem>>, vector<16xf32>,
      %swap3A_88 = vector.shape_cast %swap3A_87 : vector<16xf32> to vector<16xf32>
      %swap3A_89 = vector.shape_cast %mul3A_84 : vector<16xf32> to vector<16xf32>
      tpu.vector_store %arg7[%swap3A], %swap3A_89 {strides = array<i32>} : memref<2048xf32, #tpu.memory_space<vmem>>, vector<16xf32>,
      %scan3A_90 = arith.constant 0 : i32
      scf.yield %scan3A_90 : i32
    }
    %scan3A_22 = arith.constant 128 : i32
    %eq3A = arith.constant 0 : i32
    %eq3A_23 = arith.cmpi eq, %arg0, %eq3A : i32
    %convert_element_type3A = arith.extui %eq3A_23 : i1 to i32
    %cond3A = arith.constant 0 : i32
    %cond3A_24 = arith.cmpi ne, %convert_element_type3A, %cond3A : i32
    scf.if %cond3A_24 {
      %scan3A_40 = arith.constant 0 : i32
      %scan3A_41 = arith.constant 0 : i32
      %scan3A_42 = arith.constant 4 : i32
      %scan3A_43 = arith.addi %scan3A_41, %scan3A_42 : i32
      %scan3A_44 = arith.constant 1 : i32
      %scan3A_45 = scf.for %scan3A_67 = %scan3A_41 to %scan3A_43 step %scan3A_44 iter_args(%scan3A_68 = %scan3A_40) -> (i32)  : i32 {
        %mul3A_69 = arith.constant 65536 : i32
        %mul3A_70 = arith.muli %arg1, %mul3A_69 : i32
        %mul3A_71 = arith.constant 16384 : i32
        %mul3A_72 = arith.muli %scan3A_67, %mul3A_71 : i32
        %add3A_73 = arith.addi %mul3A_70, %mul3A_72 : i32
        "tpu.region"() ({
          %run_scoped3A_75 = tpu.sem_alloc : memref<!tpu.dma_semaphore, #tpu.memory_space<semaphore_mem>>
          %dma_start3A = tpu.memref_slice %arg15[%add3A_73] : memref<1048576xf32, #tpu.memory_space<vmem_shared>> -> memref<16384xf32, #tpu.memory_space<vmem_shared>>
          %dma_start3A_76 = tpu.memref_slice %arg15[%add3A_73] : memref<1048576xf32, #tpu.memory_space<vmem_shared>> -> memref<16384xf32, #tpu.memory_space<vmem_shared>>
          tpu.enqueue_dma source(%arg14 : memref<16384xf32, #tpu.memory_space<vmem>>) target(%dma_start3A_76 : memref<16384xf32, #tpu.memory_space<vmem_shared>>) target_semaphore(%run_scoped3A_75 : memref<!tpu.dma_semaphore, #tpu.memory_space<semaphore_mem>>)
          %dma_wait3A = tpu.memref_slice %arg15[%add3A_73] : memref<1048576xf32, #tpu.memory_space<vmem_shared>> -> memref<16384xf32, #tpu.memory_space<vmem_shared>>
          %dma_wait3A_77 = tpu.memref_slice %arg15[%add3A_73] : memref<1048576xf32, #tpu.memory_space<vmem_shared>> -> memref<16384xf32, #tpu.memory_space<vmem_shared>>
          tpu.wait_dma2 semaphore(%run_scoped3A_75 : memref<!tpu.dma_semaphore, #tpu.memory_space<semaphore_mem>>) src(%arg14 : memref<16384xf32, #tpu.memory_space<vmem>>) dst(%dma_wait3A_77 : memref<16384xf32, #tpu.memory_space<vmem_shared>>)
          tpu.yield
        }) : () -> ()
        %scan3A_74 = arith.constant 0 : i32
        scf.yield %scan3A_74 : i32
      }
      %scan3A_46 = arith.constant 4 : i32
      %barrier3A = arith.constant 0 : index
      tpu.barrier barrier_id(%barrier3A)
      %scan3A_47 = arith.constant 0 : i32
      %scan3A_48 = arith.constant 0 : i32
      %scan3A_49 = arith.constant 128 : i32
      %scan3A_50 = arith.addi %scan3A_48, %scan3A_49 : i32
      %scan3A_51 = arith.constant 1 : i32
      %scan3A_52 = scf.for %scan3A_67 = %scan3A_48 to %scan3A_50 step %scan3A_51 iter_args(%scan3A_68 = %scan3A_47) -> (i32)  : i32 {
        %mul3A_69 = arith.constant 16 : i32
        %mul3A_70 = arith.muli %scan3A_67, %mul3A_69 : i32
        %get3A = arith.index_cast %mul3A_70 : i32 to index
        %get3A_71 = tpu.vector_load %arg5[%get3A] {strides = array<i32>} : memref<2048xi32, #tpu.memory_space<vmem>>, vector<16xi32>,
        %get3A_72 = vector.shape_cast %get3A_71 : vector<16xi32> to vector<16xi32>
        %mul3A_73 = arith.constant 16 : i32
        %mul3A_74 = arith.muli %scan3A_67, %mul3A_73 : i32
        %get3A_75 = arith.index_cast %mul3A_74 : i32 to index
        %get3A_76 = tpu.vector_load %arg6[%get3A_75] {strides = array<i32>} : memref<2048xi32, #tpu.memory_space<vmem>>, vector<16xi32>,
        %get3A_77 = vector.shape_cast %get3A_76 : vector<16xi32> to vector<16xi32>
        %mul3A_78 = arith.constant 16 : i32
        %mul3A_79 = arith.muli %scan3A_67, %mul3A_78 : i32
        %get3A_80 = arith.index_cast %mul3A_79 : i32 to index
        %get3A_81 = tpu.vector_load %arg7[%get3A_80] {strides = array<i32>} : memref<2048xf32, #tpu.memory_space<vmem>>, vector<16xf32>,
        %get3A_82 = vector.shape_cast %get3A_81 : vector<16xf32> to vector<16xf32>
        %ge3A = arith.constant 0 : i32
        %ge3A_83 = vector.broadcast %ge3A : i32 to vector<16xi32>
        %ge3A_84 = arith.cmpi sge, %get3A_72, %ge3A_83 : vector<16xi32>
        %lt3A = arith.constant 512 : i32
        %lt3A_85 = vector.broadcast %lt3A : i32 to vector<16xi32>
        %lt3A_86 = arith.cmpi slt, %get3A_72, %lt3A_85 : vector<16xi32>
        %and3A = arith.andi %ge3A_84, %lt3A_86 : vector<16xi1>
        %ge3A_87 = arith.constant 0 : i32
        %ge3A_88 = vector.broadcast %ge3A_87 : i32 to vector<16xi32>
        %ge3A_89 = arith.cmpi sge, %get3A_77, %ge3A_88 : vector<16xi32>
        %lt3A_90 = arith.constant 512 : i32
        %lt3A_91 = vector.broadcast %lt3A_90 : i32 to vector<16xi32>
        %lt3A_92 = arith.cmpi slt, %get3A_77, %lt3A_91 : vector<16xi32>
        %and3A_93 = arith.andi %ge3A_89, %lt3A_92 : vector<16xi1>
        %jit3A = arith.constant 8 : i32
        %div3A = arith.divsi %scan3A_67, %jit3A : i32
        %sign3A = arith.constant 0 : i32
        %sign3A_94 = arith.cmpi sgt, %scan3A_67, %sign3A : i32
        %sign3A_95 = arith.extui %sign3A_94 : i1 to i32
        %sign3A_96 = arith.constant 0 : i32
        %sign3A_97 = arith.cmpi slt, %scan3A_67, %sign3A_96 : i32
        %sign3A_98 = arith.extui %sign3A_97 : i1 to i32
        %sign3A_99 = arith.subi %sign3A_95, %sign3A_98 : i32
        %sign3A_100 = arith.constant 0 : i32
        %sign3A_101 = arith.cmpi sgt, %jit3A, %sign3A_100 : i32
        %sign3A_102 = arith.extui %sign3A_101 : i1 to i32
        %sign3A_103 = arith.constant 0 : i32
        %sign3A_104 = arith.cmpi slt, %jit3A, %sign3A_103 : i32
        %sign3A_105 = arith.extui %sign3A_104 : i1 to i32
        %sign3A_106 = arith.subi %sign3A_102, %sign3A_105 : i32
        %ne3A = arith.cmpi ne, %sign3A_99, %sign3A_106 : i32
        %rem3A = arith.remsi %scan3A_67, %jit3A : i32
        %ne3A_107 = arith.constant 0 : i32
        %ne3A_108 = arith.cmpi ne, %rem3A, %ne3A_107 : i32
        %and3A_109 = arith.andi %ne3A, %ne3A_108 : i1
        %sub3A = arith.constant 1 : i32
        %sub3A_110 = arith.subi %div3A, %sub3A : i32
        %select_n3A = arith.select %and3A_109, %sub3A_110, %div3A : i32
        %jit3A_111 = arith.constant 8 : i32
        %eq3A_112 = arith.constant 0 : i32
        %eq3A_113 = arith.cmpi eq, %jit3A_111, %eq3A_112 : i32
        %jit3A_114 = arith.constant 1 : i32
        %select_n3A_115 = arith.select %eq3A_113, %jit3A_114, %jit3A_111 : i32
        %rem3A_116 = arith.remsi %scan3A_67, %select_n3A_115 : i32
        %ne3A_117 = arith.constant 0 : i32
        %ne3A_118 = arith.cmpi ne, %rem3A_116, %ne3A_117 : i32
        %lt3A_119 = arith.constant 0 : i32
        %lt3A_120 = arith.cmpi slt, %rem3A_116, %lt3A_119 : i32
        %lt3A_121 = arith.constant 0 : i32
        %lt3A_122 = arith.cmpi slt, %select_n3A_115, %lt3A_121 : i32
        %ne3A_123 = arith.xori %lt3A_120, %lt3A_122 : i1
        %and3A_124 = arith.andi %ne3A_123, %ne3A_118 : i1
        %add3A_125 = arith.addi %rem3A_116, %select_n3A_115 : i32
        %select_n3A_126 = arith.select %and3A_124, %add3A_125, %rem3A_116 : i32
        %mul3A_127 = arith.constant 16 : i32
        %mul3A_128 = arith.muli %select_n3A_126, %mul3A_127 : i32
        %sub3A_129 = arith.constant 0 : i32
        %sub3A_130 = vector.broadcast %sub3A_129 : i32 to vector<16xi32>
        %sub3A_131 = arith.subi %get3A_72, %sub3A_130 : vector<16xi32>
        %mul3A_132 = arith.constant 2048 : i32
        %mul3A_133 = vector.broadcast %mul3A_132 : i32 to vector<16xi32>
        %mul3A_134 = arith.muli %sub3A_131, %mul3A_133 : vector<16xi32>
        %add3A_135 = arith.addi %mul3A_134, %get3A_77 : vector<16xi32>
        %jit3A_136 = arith.constant 0 : i32
        %broadcast_in_dim3A_137 = vector.broadcast %jit3A_136 : i32 to vector<16xi32>
        %select_n3A_138 = arith.select %and3A, %add3A_135, %broadcast_in_dim3A_137 : vector<16xi1>, vector<16xi32>
        %swap3A = arith.index_cast %select_n3A : i32 to index
        %swap3A_139 = arith.index_cast %mul3A_128 : i32 to index
        %swap3A_140 = tpu.vector_load %arg10[%swap3A, %swap3A_139] {strides = array<i32>} : memref<16x128xi32, #tpu.memory_space<vmem>>, vector<1x16xi32>,
        %swap3A_141 = vector.shape_cast %swap3A_140 : vector<1x16xi32> to vector<16xi32>
        %swap3A_142 = vector.shape_cast %select_n3A_138 : vector<16xi32> to vector<1x16xi32>
        tpu.vector_store %arg10[%swap3A, %swap3A_139], %swap3A_142 {strides = array<i32>} : memref<16x128xi32, #tpu.memory_space<vmem>>, vector<1x16xi32>,
        %jit3A_143 = arith.constant 0.000000e+00 : f32
        %broadcast_in_dim3A_144 = vector.broadcast %jit3A_143 : f32 to vector<16xf32>
        %select_n3A_145 = arith.select %and3A, %get3A_82, %broadcast_in_dim3A_144 : vector<16xi1>, vector<16xf32>
        %swap3A_146 = arith.index_cast %select_n3A : i32 to index
        %swap3A_147 = arith.index_cast %mul3A_128 : i32 to index
        %swap3A_148 = tpu.vector_load %arg11[%swap3A_146, %swap3A_147] {strides = array<i32>} : memref<16x128xf32, #tpu.memory_space<vmem>>, vector<1x16xf32>,
        %swap3A_149 = vector.shape_cast %swap3A_148 : vector<1x16xf32> to vector<16xf32>
        %swap3A_150 = vector.shape_cast %select_n3A_145 : vector<16xf32> to vector<1x16xf32>
        tpu.vector_store %arg11[%swap3A_146, %swap3A_147], %swap3A_150 {strides = array<i32>} : memref<16x128xf32, #tpu.memory_space<vmem>>, vector<1x16xf32>,
        %sub3A_151 = arith.constant 0 : i32
        %sub3A_152 = vector.broadcast %sub3A_151 : i32 to vector<16xi32>
        %sub3A_153 = arith.subi %get3A_77, %sub3A_152 : vector<16xi32>
        %mul3A_154 = arith.constant 2048 : i32
        %mul3A_155 = vector.broadcast %mul3A_154 : i32 to vector<16xi32>
        %mul3A_156 = arith.muli %sub3A_153, %mul3A_155 : vector<16xi32>
        %add3A_157 = arith.addi %mul3A_156, %get3A_72 : vector<16xi32>
        %jit3A_158 = arith.constant 0 : i32
        %broadcast_in_dim3A_159 = vector.broadcast %jit3A_158 : i32 to vector<16xi32>
        %select_n3A_160 = arith.select %and3A_93, %add3A_157, %broadcast_in_dim3A_159 : vector<16xi1>, vector<16xi32>
        %swap3A_161 = arith.index_cast %select_n3A : i32 to index
        %swap3A_162 = arith.index_cast %mul3A_128 : i32 to index
        %swap3A_163 = tpu.vector_load %arg12[%swap3A_161, %swap3A_162] {strides = array<i32>} : memref<16x128xi32, #tpu.memory_space<vmem>>, vector<1x16xi32>,
        %swap3A_164 = vector.shape_cast %swap3A_163 : vector<1x16xi32> to vector<16xi32>
        %swap3A_165 = vector.shape_cast %select_n3A_160 : vector<16xi32> to vector<1x16xi32>
        tpu.vector_store %arg12[%swap3A_161, %swap3A_162], %swap3A_165 {strides = array<i32>} : memref<16x128xi32, #tpu.memory_space<vmem>>, vector<1x16xi32>,
        %jit3A_166 = arith.constant 0.000000e+00 : f32
        %broadcast_in_dim3A_167 = vector.broadcast %jit3A_166 : f32 to vector<16xf32>
        %select_n3A_168 = arith.select %and3A_93, %get3A_82, %broadcast_in_dim3A_167 : vector<16xi1>, vector<16xf32>
        %swap3A_169 = arith.index_cast %select_n3A : i32 to index
        %swap3A_170 = arith.index_cast %mul3A_128 : i32 to index
        %swap3A_171 = tpu.vector_load %arg13[%swap3A_169, %swap3A_170] {strides = array<i32>} : memref<16x128xf32, #tpu.memory_space<vmem>>, vector<1x16xf32>,
        %swap3A_172 = vector.shape_cast %swap3A_171 : vector<1x16xf32> to vector<16xf32>
        %swap3A_173 = vector.shape_cast %select_n3A_168 : vector<16xf32> to vector<1x16xf32>
        tpu.vector_store %arg13[%swap3A_169, %swap3A_170], %swap3A_173 {strides = array<i32>} : memref<16x128xf32, #tpu.memory_space<vmem>>, vector<1x16xf32>,
        %scan3A_174 = arith.constant 0 : i32
        scf.yield %scan3A_174 : i32
      }
      %scan3A_53 = arith.constant 128 : i32
      %scan3A_54 = arith.constant 0 : i32
      %scan3A_55 = arith.constant 0 : i32
      %scan3A_56 = arith.constant 16 : i32
      %scan3A_57 = arith.addi %scan3A_55, %scan3A_56 : i32
      %scan3A_58 = arith.constant 1 : i32
      %scan3A_59 = scf.for %scan3A_67 = %scan3A_55 to %scan3A_57 step %scan3A_58 iter_args(%scan3A_68 = %scan3A_54) -> (i32)  : i32 {
        "tpu.region"() ({
          %run_scoped3A_70 = tpu.sem_alloc : memref<!tpu.dma_semaphore, #tpu.memory_space<semaphore_mem>>
          %dma_start3A = arith.constant 0 : i32
          %dma_start3A_71 = tpu.memref_slice %arg11[%scan3A_67, %dma_start3A] : memref<16x128xf32, #tpu.memory_space<vmem>> -> memref<1x128xf32, #tpu.memory_space<vmem>>
          %dma_start3A_72 = tpu.memref_squeeze %dma_start3A_71 : memref<1x128xf32, #tpu.memory_space<vmem>> -> memref<128xf32, #tpu.memory_space<vmem>>
          %dma_start3A_73 = arith.constant 0 : i32
          %dma_start3A_74 = tpu.memref_slice %arg10[%scan3A_67, %dma_start3A_73] : memref<16x128xi32, #tpu.memory_space<vmem>> -> memref<1x128xi32, #tpu.memory_space<vmem>>
          %dma_start3A_75 = tpu.memref_squeeze %dma_start3A_74 : memref<1x128xi32, #tpu.memory_space<vmem>> -> memref<128xi32, #tpu.memory_space<vmem>>
          %dma_start3A_76 = arith.constant 0 : i32
          %dma_start3A_77 = tpu.memref_slice %arg15[%dma_start3A_76] : memref<1048576xf32, #tpu.memory_space<vmem_shared>> -> memref<1048576xf32, #tpu.memory_space<vmem_shared>>
          tpu.enqueue_indirect_dma source(%dma_start3A_72 : memref<128xf32, #tpu.memory_space<vmem>>) target(%dma_start3A_77 : memref<1048576xf32, #tpu.memory_space<vmem_shared>>) offsets(%dma_start3A_75 : memref<128xi32, #tpu.memory_space<vmem>>) semaphore(%run_scoped3A_70 : memref<!tpu.dma_semaphore, #tpu.memory_space<semaphore_mem>>) {add = true}
          %dma_wait3A = arith.constant 0 : i32
          %dma_wait3A_78 = tpu.memref_slice %arg11[%scan3A_67, %dma_wait3A] : memref<16x128xf32, #tpu.memory_space<vmem>> -> memref<1x128xf32, #tpu.memory_space<vmem>>
          %dma_wait3A_79 = tpu.memref_squeeze %dma_wait3A_78 : memref<1x128xf32, #tpu.memory_space<vmem>> -> memref<128xf32, #tpu.memory_space<vmem>>
          %dma_wait3A_80 = arith.constant 0 : i32
          %dma_wait3A_81 = tpu.memref_slice %arg10[%scan3A_67, %dma_wait3A_80] : memref<16x128xi32, #tpu.memory_space<vmem>> -> memref<1x128xi32, #tpu.memory_space<vmem>>
          %dma_wait3A_82 = tpu.memref_squeeze %dma_wait3A_81 : memref<1x128xi32, #tpu.memory_space<vmem>> -> memref<128xi32, #tpu.memory_space<vmem>>
          %dma_wait3A_83 = arith.constant 0 : i32
          %dma_wait3A_84 = tpu.memref_slice %arg15[%dma_wait3A_83] : memref<1048576xf32, #tpu.memory_space<vmem_shared>> -> memref<1048576xf32, #tpu.memory_space<vmem_shared>>
          tpu.wait_indirect_dma semaphore(%run_scoped3A_70 : memref<!tpu.dma_semaphore, #tpu.memory_space<semaphore_mem>>) src(%dma_wait3A_79 : memref<128xf32, #tpu.memory_space<vmem>>) dst(%dma_wait3A_84 : memref<1048576xf32, #tpu.memory_space<vmem_shared>>)
          tpu.yield
        }) : () -> ()
        "tpu.region"() ({
          %run_scoped3A_70 = tpu.sem_alloc : memref<!tpu.dma_semaphore, #tpu.memory_space<semaphore_mem>>
          %dma_start3A = arith.constant 0 : i32
          %dma_start3A_71 = tpu.memref_slice %arg13[%scan3A_67, %dma_start3A] : memref<16x128xf32, #tpu.memory_space<vmem>> -> memref<1x128xf32, #tpu.memory_space<vmem>>
          %dma_start3A_72 = tpu.memref_squeeze %dma_start3A_71 : memref<1x128xf32, #tpu.memory_space<vmem>> -> memref<128xf32, #tpu.memory_space<vmem>>
          %dma_start3A_73 = arith.constant 0 : i32
          %dma_start3A_74 = tpu.memref_slice %arg12[%scan3A_67, %dma_start3A_73] : memref<16x128xi32, #tpu.memory_space<vmem>> -> memref<1x128xi32, #tpu.memory_space<vmem>>
          %dma_start3A_75 = tpu.memref_squeeze %dma_start3A_74 : memref<1x128xi32, #tpu.memory_space<vmem>> -> memref<128xi32, #tpu.memory_space<vmem>>
          %dma_start3A_76 = arith.constant 0 : i32
          %dma_start3A_77 = tpu.memref_slice %arg15[%dma_start3A_76] : memref<1048576xf32, #tpu.memory_space<vmem_shared>> -> memref<1048576xf32, #tpu.memory_space<vmem_shared>>
          tpu.enqueue_indirect_dma source(%dma_start3A_72 : memref<128xf32, #tpu.memory_space<vmem>>) target(%dma_start3A_77 : memref<1048576xf32, #tpu.memory_space<vmem_shared>>) offsets(%dma_start3A_75 : memref<128xi32, #tpu.memory_space<vmem>>) semaphore(%run_scoped3A_70 : memref<!tpu.dma_semaphore, #tpu.memory_space<semaphore_mem>>) {add = true}
          %dma_wait3A = arith.constant 0 : i32
          %dma_wait3A_78 = tpu.memref_slice %arg13[%scan3A_67, %dma_wait3A] : memref<16x128xf32, #tpu.memory_space<vmem>> -> memref<1x128xf32, #tpu.memory_space<vmem>>
          %dma_wait3A_79 = tpu.memref_squeeze %dma_wait3A_78 : memref<1x128xf32, #tpu.memory_space<vmem>> -> memref<128xf32, #tpu.memory_space<vmem>>
          %dma_wait3A_80 = arith.constant 0 : i32
          %dma_wait3A_81 = tpu.memref_slice %arg12[%scan3A_67, %dma_wait3A_80] : memref<16x128xi32, #tpu.memory_space<vmem>> -> memref<1x128xi32, #tpu.memory_space<vmem>>
          %dma_wait3A_82 = tpu.memref_squeeze %dma_wait3A_81 : memref<1x128xi32, #tpu.memory_space<vmem>> -> memref<128xi32, #tpu.memory_space<vmem>>
          %dma_wait3A_83 = arith.constant 0 : i32
          %dma_wait3A_84 = tpu.memref_slice %arg15[%dma_wait3A_83] : memref<1048576xf32, #tpu.memory_space<vmem_shared>> -> memref<1048576xf32, #tpu.memory_space<vmem_shared>>
          tpu.wait_indirect_dma semaphore(%run_scoped3A_70 : memref<!tpu.dma_semaphore, #tpu.memory_space<semaphore_mem>>) src(%dma_wait3A_79 : memref<128xf32, #tpu.memory_space<vmem>>) dst(%dma_wait3A_84 : memref<1048576xf32, #tpu.memory_space<vmem_shared>>)
          tpu.yield
        }) : () -> ()
        %scan3A_69 = arith.constant 0 : i32
        scf.yield %scan3A_69 : i32
      }
      %scan3A_60 = arith.constant 16 : i32
      %barrier3A_61 = arith.constant 0 : index
      tpu.barrier barrier_id(%barrier3A_61)
      %mul3A_62 = arith.constant 65536 : i32
      %mul3A_63 = arith.muli %arg1, %mul3A_62 : i32
      %mul3A_64 = arith.constant 65536 : i32
      %mul3A_65 = arith.muli %arg1, %mul3A_64 : i32
      %add3A = arith.constant 0 : i32
      %add3A_66 = arith.addi %add3A, %mul3A_65 : i32
      "tpu.region"() ({
        %run_scoped3A_67 = tpu.sem_alloc : memref<!tpu.dma_semaphore, #tpu.memory_space<semaphore_mem>>
        %dma_start3A = tpu.memref_slice %arg4[%add3A_66] : memref<4194304xf32, #tpu.memory_space<hbm>> -> memref<65536xf32, #tpu.memory_space<hbm>>
        %dma_start3A_68 = tpu.memref_slice %arg15[%mul3A_63] : memref<1048576xf32, #tpu.memory_space<vmem_shared>> -> memref<65536xf32, #tpu.memory_space<vmem_shared>>
        tpu.enqueue_dma source(%dma_start3A_68 : memref<65536xf32, #tpu.memory_space<vmem_shared>>) target(%dma_start3A : memref<65536xf32, #tpu.memory_space<hbm>>) target_semaphore(%run_scoped3A_67 : memref<!tpu.dma_semaphore, #tpu.memory_space<semaphore_mem>>)
        %dma_wait3A = tpu.memref_slice %arg4[%add3A_66] : memref<4194304xf32, #tpu.memory_space<hbm>> -> memref<65536xf32, #tpu.memory_space<hbm>>
        %dma_wait3A_69 = tpu.memref_slice %arg15[%mul3A_63] : memref<1048576xf32, #tpu.memory_space<vmem_shared>> -> memref<65536xf32, #tpu.memory_space<vmem_shared>>
        tpu.wait_dma2 semaphore(%run_scoped3A_67 : memref<!tpu.dma_semaphore, #tpu.memory_space<semaphore_mem>>) src(%dma_wait3A_69 : memref<65536xf32, #tpu.memory_space<vmem_shared>>) dst(%dma_wait3A : memref<65536xf32, #tpu.memory_space<hbm>>)
        tpu.yield
      }) : () -> ()
    } else {
    }
    %eq3A_25 = arith.constant 0 : i32
    %eq3A_26 = arith.cmpi eq, %arg0, %eq3A_25 : i32
    %convert_element_type3A_27 = arith.extui %eq3A_26 : i1 to i32
    %cond3A_28 = arith.constant 0 : i32
    %cond3A_29 = arith.cmpi ne, %convert_element_type3A_27, %cond3A_28 : i32
    scf.if %cond3A_29 {
      %scan3A_40 = arith.constant 0 : i32
      %scan3A_41 = arith.constant 0 : i32
      %scan3A_42 = arith.constant 4 : i32
      %scan3A_43 = arith.addi %scan3A_41, %scan3A_42 : i32
      %scan3A_44 = arith.constant 1 : i32
      %scan3A_45 = scf.for %scan3A_67 = %scan3A_41 to %scan3A_43 step %scan3A_44 iter_args(%scan3A_68 = %scan3A_40) -> (i32)  : i32 {
        %mul3A_69 = arith.constant 65536 : i32
        %mul3A_70 = arith.muli %arg1, %mul3A_69 : i32
        %mul3A_71 = arith.constant 16384 : i32
        %mul3A_72 = arith.muli %scan3A_67, %mul3A_71 : i32
        %add3A_73 = arith.addi %mul3A_70, %mul3A_72 : i32
        "tpu.region"() ({
          %run_scoped3A_75 = tpu.sem_alloc : memref<!tpu.dma_semaphore, #tpu.memory_space<semaphore_mem>>
          %dma_start3A = tpu.memref_slice %arg15[%add3A_73] : memref<1048576xf32, #tpu.memory_space<vmem_shared>> -> memref<16384xf32, #tpu.memory_space<vmem_shared>>
          %dma_start3A_76 = tpu.memref_slice %arg15[%add3A_73] : memref<1048576xf32, #tpu.memory_space<vmem_shared>> -> memref<16384xf32, #tpu.memory_space<vmem_shared>>
          tpu.enqueue_dma source(%arg14 : memref<16384xf32, #tpu.memory_space<vmem>>) target(%dma_start3A_76 : memref<16384xf32, #tpu.memory_space<vmem_shared>>) target_semaphore(%run_scoped3A_75 : memref<!tpu.dma_semaphore, #tpu.memory_space<semaphore_mem>>)
          %dma_wait3A = tpu.memref_slice %arg15[%add3A_73] : memref<1048576xf32, #tpu.memory_space<vmem_shared>> -> memref<16384xf32, #tpu.memory_space<vmem_shared>>
          %dma_wait3A_77 = tpu.memref_slice %arg15[%add3A_73] : memref<1048576xf32, #tpu.memory_space<vmem_shared>> -> memref<16384xf32, #tpu.memory_space<vmem_shared>>
          tpu.wait_dma2 semaphore(%run_scoped3A_75 : memref<!tpu.dma_semaphore, #tpu.memory_space<semaphore_mem>>) src(%arg14 : memref<16384xf32, #tpu.memory_space<vmem>>) dst(%dma_wait3A_77 : memref<16384xf32, #tpu.memory_space<vmem_shared>>)
          tpu.yield
        }) : () -> ()
        %scan3A_74 = arith.constant 0 : i32
        scf.yield %scan3A_74 : i32
      }
      %scan3A_46 = arith.constant 4 : i32
      %barrier3A = arith.constant 0 : index
      tpu.barrier barrier_id(%barrier3A)
      %scan3A_47 = arith.constant 0 : i32
      %scan3A_48 = arith.constant 0 : i32
      %scan3A_49 = arith.constant 128 : i32
      %scan3A_50 = arith.addi %scan3A_48, %scan3A_49 : i32
      %scan3A_51 = arith.constant 1 : i32
      %scan3A_52 = scf.for %scan3A_67 = %scan3A_48 to %scan3A_50 step %scan3A_51 iter_args(%scan3A_68 = %scan3A_47) -> (i32)  : i32 {
        %mul3A_69 = arith.constant 16 : i32
        %mul3A_70 = arith.muli %scan3A_67, %mul3A_69 : i32
        %get3A = arith.index_cast %mul3A_70 : i32 to index
        %get3A_71 = tpu.vector_load %arg5[%get3A] {strides = array<i32>} : memref<2048xi32, #tpu.memory_space<vmem>>, vector<16xi32>,
        %get3A_72 = vector.shape_cast %get3A_71 : vector<16xi32> to vector<16xi32>
        %mul3A_73 = arith.constant 16 : i32
        %mul3A_74 = arith.muli %scan3A_67, %mul3A_73 : i32
        %get3A_75 = arith.index_cast %mul3A_74 : i32 to index
        %get3A_76 = tpu.vector_load %arg6[%get3A_75] {strides = array<i32>} : memref<2048xi32, #tpu.memory_space<vmem>>, vector<16xi32>,
        %get3A_77 = vector.shape_cast %get3A_76 : vector<16xi32> to vector<16xi32>
        %mul3A_78 = arith.constant 16 : i32
        %mul3A_79 = arith.muli %scan3A_67, %mul3A_78 : i32
        %get3A_80 = arith.index_cast %mul3A_79 : i32 to index
        %get3A_81 = tpu.vector_load %arg7[%get3A_80] {strides = array<i32>} : memref<2048xf32, #tpu.memory_space<vmem>>, vector<16xf32>,
        %get3A_82 = vector.shape_cast %get3A_81 : vector<16xf32> to vector<16xf32>
        %ge3A = arith.constant 512 : i32
        %ge3A_83 = vector.broadcast %ge3A : i32 to vector<16xi32>
        %ge3A_84 = arith.cmpi sge, %get3A_72, %ge3A_83 : vector<16xi32>
        %lt3A = arith.constant 1024 : i32
        %lt3A_85 = vector.broadcast %lt3A : i32 to vector<16xi32>
        %lt3A_86 = arith.cmpi slt, %get3A_72, %lt3A_85 : vector<16xi32>
        %and3A = arith.andi %ge3A_84, %lt3A_86 : vector<16xi1>
        %ge3A_87 = arith.constant 512 : i32
        %ge3A_88 = vector.broadcast %ge3A_87 : i32 to vector<16xi32>
        %ge3A_89 = arith.cmpi sge, %get3A_77, %ge3A_88 : vector<16xi32>
        %lt3A_90 = arith.constant 1024 : i32
        %lt3A_91 = vector.broadcast %lt3A_90 : i32 to vector<16xi32>
        %lt3A_92 = arith.cmpi slt, %get3A_77, %lt3A_91 : vector<16xi32>
        %and3A_93 = arith.andi %ge3A_89, %lt3A_92 : vector<16xi1>
        %jit3A = arith.constant 8 : i32
        %div3A = arith.divsi %scan3A_67, %jit3A : i32
        %sign3A = arith.constant 0 : i32
        %sign3A_94 = arith.cmpi sgt, %scan3A_67, %sign3A : i32
        %sign3A_95 = arith.extui %sign3A_94 : i1 to i32
        %sign3A_96 = arith.constant 0 : i32
        %sign3A_97 = arith.cmpi slt, %scan3A_67, %sign3A_96 : i32
        %sign3A_98 = arith.extui %sign3A_97 : i1 to i32
        %sign3A_99 = arith.subi %sign3A_95, %sign3A_98 : i32
        %sign3A_100 = arith.constant 0 : i32
        %sign3A_101 = arith.cmpi sgt, %jit3A, %sign3A_100 : i32
        %sign3A_102 = arith.extui %sign3A_101 : i1 to i32
        %sign3A_103 = arith.constant 0 : i32
        %sign3A_104 = arith.cmpi slt, %jit3A, %sign3A_103 : i32
        %sign3A_105 = arith.extui %sign3A_104 : i1 to i32
        %sign3A_106 = arith.subi %sign3A_102, %sign3A_105 : i32
        %ne3A = arith.cmpi ne, %sign3A_99, %sign3A_106 : i32
        %rem3A = arith.remsi %scan3A_67, %jit3A : i32
        %ne3A_107 = arith.constant 0 : i32
        %ne3A_108 = arith.cmpi ne, %rem3A, %ne3A_107 : i32
        %and3A_109 = arith.andi %ne3A, %ne3A_108 : i1
        %sub3A = arith.constant 1 : i32
        %sub3A_110 = arith.subi %div3A, %sub3A : i32
        %select_n3A = arith.select %and3A_109, %sub3A_110, %div3A : i32
        %jit3A_111 = arith.constant 8 : i32
        %eq3A_112 = arith.constant 0 : i32
        %eq3A_113 = arith.cmpi eq, %jit3A_111, %eq3A_112 : i32
        %jit3A_114 = arith.constant 1 : i32
        %select_n3A_115 = arith.select %eq3A_113, %jit3A_114, %jit3A_111 : i32
        %rem3A_116 = arith.remsi %scan3A_67, %select_n3A_115 : i32
        %ne3A_117 = arith.constant 0 : i32
        %ne3A_118 = arith.cmpi ne, %rem3A_116, %ne3A_117 : i32
        %lt3A_119 = arith.constant 0 : i32
        %lt3A_120 = arith.cmpi slt, %rem3A_116, %lt3A_119 : i32
        %lt3A_121 = arith.constant 0 : i32
        %lt3A_122 = arith.cmpi slt, %select_n3A_115, %lt3A_121 : i32
        %ne3A_123 = arith.xori %lt3A_120, %lt3A_122 : i1
        %and3A_124 = arith.andi %ne3A_123, %ne3A_118 : i1
        %add3A_125 = arith.addi %rem3A_116, %select_n3A_115 : i32
        %select_n3A_126 = arith.select %and3A_124, %add3A_125, %rem3A_116 : i32
        %mul3A_127 = arith.constant 16 : i32
        %mul3A_128 = arith.muli %select_n3A_126, %mul3A_127 : i32
        %sub3A_129 = arith.constant 512 : i32
        %sub3A_130 = vector.broadcast %sub3A_129 : i32 to vector<16xi32>
        %sub3A_131 = arith.subi %get3A_72, %sub3A_130 : vector<16xi32>
        %mul3A_132 = arith.constant 2048 : i32
        %mul3A_133 = vector.broadcast %mul3A_132 : i32 to vector<16xi32>
        %mul3A_134 = arith.muli %sub3A_131, %mul3A_133 : vector<16xi32>
        %add3A_135 = arith.addi %mul3A_134, %get3A_77 : vector<16xi32>
        %jit3A_136 = arith.constant 0 : i32
        %broadcast_in_dim3A_137 = vector.broadcast %jit3A_136 : i32 to vector<16xi32>
        %select_n3A_138 = arith.select %and3A, %add3A_135, %broadcast_in_dim3A_137 : vector<16xi1>, vector<16xi32>
        %swap3A = arith.index_cast %select_n3A : i32 to index
        %swap3A_139 = arith.index_cast %mul3A_128 : i32 to index
        %swap3A_140 = tpu.vector_load %arg10[%swap3A, %swap3A_139] {strides = array<i32>} : memref<16x128xi32, #tpu.memory_space<vmem>>, vector<1x16xi32>,
        %swap3A_141 = vector.shape_cast %swap3A_140 : vector<1x16xi32> to vector<16xi32>
        %swap3A_142 = vector.shape_cast %select_n3A_138 : vector<16xi32> to vector<1x16xi32>
        tpu.vector_store %arg10[%swap3A, %swap3A_139], %swap3A_142 {strides = array<i32>} : memref<16x128xi32, #tpu.memory_space<vmem>>, vector<1x16xi32>,
        %jit3A_143 = arith.constant 0.000000e+00 : f32
        %broadcast_in_dim3A_144 = vector.broadcast %jit3A_143 : f32 to vector<16xf32>
        %select_n3A_145 = arith.select %and3A, %get3A_82, %broadcast_in_dim3A_144 : vector<16xi1>, vector<16xf32>
        %swap3A_146 = arith.index_cast %select_n3A : i32 to index
        %swap3A_147 = arith.index_cast %mul3A_128 : i32 to index
        %swap3A_148 = tpu.vector_load %arg11[%swap3A_146, %swap3A_147] {strides = array<i32>} : memref<16x128xf32, #tpu.memory_space<vmem>>, vector<1x16xf32>,
        %swap3A_149 = vector.shape_cast %swap3A_148 : vector<1x16xf32> to vector<16xf32>
        %swap3A_150 = vector.shape_cast %select_n3A_145 : vector<16xf32> to vector<1x16xf32>
        tpu.vector_store %arg11[%swap3A_146, %swap3A_147], %swap3A_150 {strides = array<i32>} : memref<16x128xf32, #tpu.memory_space<vmem>>, vector<1x16xf32>,
        %sub3A_151 = arith.constant 512 : i32
        %sub3A_152 = vector.broadcast %sub3A_151 : i32 to vector<16xi32>
        %sub3A_153 = arith.subi %get3A_77, %sub3A_152 : vector<16xi32>
        %mul3A_154 = arith.constant 2048 : i32
        %mul3A_155 = vector.broadcast %mul3A_154 : i32 to vector<16xi32>
        %mul3A_156 = arith.muli %sub3A_153, %mul3A_155 : vector<16xi32>
        %add3A_157 = arith.addi %mul3A_156, %get3A_72 : vector<16xi32>
        %jit3A_158 = arith.constant 0 : i32
        %broadcast_in_dim3A_159 = vector.broadcast %jit3A_158 : i32 to vector<16xi32>
        %select_n3A_160 = arith.select %and3A_93, %add3A_157, %broadcast_in_dim3A_159 : vector<16xi1>, vector<16xi32>
        %swap3A_161 = arith.index_cast %select_n3A : i32 to index
        %swap3A_162 = arith.index_cast %mul3A_128 : i32 to index
        %swap3A_163 = tpu.vector_load %arg12[%swap3A_161, %swap3A_162] {strides = array<i32>} : memref<16x128xi32, #tpu.memory_space<vmem>>, vector<1x16xi32>,
        %swap3A_164 = vector.shape_cast %swap3A_163 : vector<1x16xi32> to vector<16xi32>
        %swap3A_165 = vector.shape_cast %select_n3A_160 : vector<16xi32> to vector<1x16xi32>
        tpu.vector_store %arg12[%swap3A_161, %swap3A_162], %swap3A_165 {strides = array<i32>} : memref<16x128xi32, #tpu.memory_space<vmem>>, vector<1x16xi32>,
        %jit3A_166 = arith.constant 0.000000e+00 : f32
        %broadcast_in_dim3A_167 = vector.broadcast %jit3A_166 : f32 to vector<16xf32>
        %select_n3A_168 = arith.select %and3A_93, %get3A_82, %broadcast_in_dim3A_167 : vector<16xi1>, vector<16xf32>
        %swap3A_169 = arith.index_cast %select_n3A : i32 to index
        %swap3A_170 = arith.index_cast %mul3A_128 : i32 to index
        %swap3A_171 = tpu.vector_load %arg13[%swap3A_169, %swap3A_170] {strides = array<i32>} : memref<16x128xf32, #tpu.memory_space<vmem>>, vector<1x16xf32>,
        %swap3A_172 = vector.shape_cast %swap3A_171 : vector<1x16xf32> to vector<16xf32>
        %swap3A_173 = vector.shape_cast %select_n3A_168 : vector<16xf32> to vector<1x16xf32>
        tpu.vector_store %arg13[%swap3A_169, %swap3A_170], %swap3A_173 {strides = array<i32>} : memref<16x128xf32, #tpu.memory_space<vmem>>, vector<1x16xf32>,
        %scan3A_174 = arith.constant 0 : i32
        scf.yield %scan3A_174 : i32
      }
      %scan3A_53 = arith.constant 128 : i32
      %scan3A_54 = arith.constant 0 : i32
      %scan3A_55 = arith.constant 0 : i32
      %scan3A_56 = arith.constant 16 : i32
      %scan3A_57 = arith.addi %scan3A_55, %scan3A_56 : i32
      %scan3A_58 = arith.constant 1 : i32
      %scan3A_59 = scf.for %scan3A_67 = %scan3A_55 to %scan3A_57 step %scan3A_58 iter_args(%scan3A_68 = %scan3A_54) -> (i32)  : i32 {
        "tpu.region"() ({
          %run_scoped3A_70 = tpu.sem_alloc : memref<!tpu.dma_semaphore, #tpu.memory_space<semaphore_mem>>
          %dma_start3A = arith.constant 0 : i32
          %dma_start3A_71 = tpu.memref_slice %arg11[%scan3A_67, %dma_start3A] : memref<16x128xf32, #tpu.memory_space<vmem>> -> memref<1x128xf32, #tpu.memory_space<vmem>>
          %dma_start3A_72 = tpu.memref_squeeze %dma_start3A_71 : memref<1x128xf32, #tpu.memory_space<vmem>> -> memref<128xf32, #tpu.memory_space<vmem>>
          %dma_start3A_73 = arith.constant 0 : i32
          %dma_start3A_74 = tpu.memref_slice %arg10[%scan3A_67, %dma_start3A_73] : memref<16x128xi32, #tpu.memory_space<vmem>> -> memref<1x128xi32, #tpu.memory_space<vmem>>
          %dma_start3A_75 = tpu.memref_squeeze %dma_start3A_74 : memref<1x128xi32, #tpu.memory_space<vmem>> -> memref<128xi32, #tpu.memory_space<vmem>>
          %dma_start3A_76 = arith.constant 0 : i32
          %dma_start3A_77 = tpu.memref_slice %arg15[%dma_start3A_76] : memref<1048576xf32, #tpu.memory_space<vmem_shared>> -> memref<1048576xf32, #tpu.memory_space<vmem_shared>>
          tpu.enqueue_indirect_dma source(%dma_start3A_72 : memref<128xf32, #tpu.memory_space<vmem>>) target(%dma_start3A_77 : memref<1048576xf32, #tpu.memory_space<vmem_shared>>) offsets(%dma_start3A_75 : memref<128xi32, #tpu.memory_space<vmem>>) semaphore(%run_scoped3A_70 : memref<!tpu.dma_semaphore, #tpu.memory_space<semaphore_mem>>) {add = true}
          %dma_wait3A = arith.constant 0 : i32
          %dma_wait3A_78 = tpu.memref_slice %arg11[%scan3A_67, %dma_wait3A] : memref<16x128xf32, #tpu.memory_space<vmem>> -> memref<1x128xf32, #tpu.memory_space<vmem>>
          %dma_wait3A_79 = tpu.memref_squeeze %dma_wait3A_78 : memref<1x128xf32, #tpu.memory_space<vmem>> -> memref<128xf32, #tpu.memory_space<vmem>>
          %dma_wait3A_80 = arith.constant 0 : i32
          %dma_wait3A_81 = tpu.memref_slice %arg10[%scan3A_67, %dma_wait3A_80] : memref<16x128xi32, #tpu.memory_space<vmem>> -> memref<1x128xi32, #tpu.memory_space<vmem>>
          %dma_wait3A_82 = tpu.memref_squeeze %dma_wait3A_81 : memref<1x128xi32, #tpu.memory_space<vmem>> -> memref<128xi32, #tpu.memory_space<vmem>>
          %dma_wait3A_83 = arith.constant 0 : i32
          %dma_wait3A_84 = tpu.memref_slice %arg15[%dma_wait3A_83] : memref<1048576xf32, #tpu.memory_space<vmem_shared>> -> memref<1048576xf32, #tpu.memory_space<vmem_shared>>
          tpu.wait_indirect_dma semaphore(%run_scoped3A_70 : memref<!tpu.dma_semaphore, #tpu.memory_space<semaphore_mem>>) src(%dma_wait3A_79 : memref<128xf32, #tpu.memory_space<vmem>>) dst(%dma_wait3A_84 : memref<1048576xf32, #tpu.memory_space<vmem_shared>>)
          tpu.yield
        }) : () -> ()
        "tpu.region"() ({
          %run_scoped3A_70 = tpu.sem_alloc : memref<!tpu.dma_semaphore, #tpu.memory_space<semaphore_mem>>
          %dma_start3A = arith.constant 0 : i32
          %dma_start3A_71 = tpu.memref_slice %arg13[%scan3A_67, %dma_start3A] : memref<16x128xf32, #tpu.memory_space<vmem>> -> memref<1x128xf32, #tpu.memory_space<vmem>>
          %dma_start3A_72 = tpu.memref_squeeze %dma_start3A_71 : memref<1x128xf32, #tpu.memory_space<vmem>> -> memref<128xf32, #tpu.memory_space<vmem>>
          %dma_start3A_73 = arith.constant 0 : i32
          %dma_start3A_74 = tpu.memref_slice %arg12[%scan3A_67, %dma_start3A_73] : memref<16x128xi32, #tpu.memory_space<vmem>> -> memref<1x128xi32, #tpu.memory_space<vmem>>
          %dma_start3A_75 = tpu.memref_squeeze %dma_start3A_74 : memref<1x128xi32, #tpu.memory_space<vmem>> -> memref<128xi32, #tpu.memory_space<vmem>>
          %dma_start3A_76 = arith.constant 0 : i32
          %dma_start3A_77 = tpu.memref_slice %arg15[%dma_start3A_76] : memref<1048576xf32, #tpu.memory_space<vmem_shared>> -> memref<1048576xf32, #tpu.memory_space<vmem_shared>>
          tpu.enqueue_indirect_dma source(%dma_start3A_72 : memref<128xf32, #tpu.memory_space<vmem>>) target(%dma_start3A_77 : memref<1048576xf32, #tpu.memory_space<vmem_shared>>) offsets(%dma_start3A_75 : memref<128xi32, #tpu.memory_space<vmem>>) semaphore(%run_scoped3A_70 : memref<!tpu.dma_semaphore, #tpu.memory_space<semaphore_mem>>) {add = true}
          %dma_wait3A = arith.constant 0 : i32
          %dma_wait3A_78 = tpu.memref_slice %arg13[%scan3A_67, %dma_wait3A] : memref<16x128xf32, #tpu.memory_space<vmem>> -> memref<1x128xf32, #tpu.memory_space<vmem>>
          %dma_wait3A_79 = tpu.memref_squeeze %dma_wait3A_78 : memref<1x128xf32, #tpu.memory_space<vmem>> -> memref<128xf32, #tpu.memory_space<vmem>>
          %dma_wait3A_80 = arith.constant 0 : i32
          %dma_wait3A_81 = tpu.memref_slice %arg12[%scan3A_67, %dma_wait3A_80] : memref<16x128xi32, #tpu.memory_space<vmem>> -> memref<1x128xi32, #tpu.memory_space<vmem>>
          %dma_wait3A_82 = tpu.memref_squeeze %dma_wait3A_81 : memref<1x128xi32, #tpu.memory_space<vmem>> -> memref<128xi32, #tpu.memory_space<vmem>>
          %dma_wait3A_83 = arith.constant 0 : i32
          %dma_wait3A_84 = tpu.memref_slice %arg15[%dma_wait3A_83] : memref<1048576xf32, #tpu.memory_space<vmem_shared>> -> memref<1048576xf32, #tpu.memory_space<vmem_shared>>
          tpu.wait_indirect_dma semaphore(%run_scoped3A_70 : memref<!tpu.dma_semaphore, #tpu.memory_space<semaphore_mem>>) src(%dma_wait3A_79 : memref<128xf32, #tpu.memory_space<vmem>>) dst(%dma_wait3A_84 : memref<1048576xf32, #tpu.memory_space<vmem_shared>>)
          tpu.yield
        }) : () -> ()
        %scan3A_69 = arith.constant 0 : i32
        scf.yield %scan3A_69 : i32
      }
      %scan3A_60 = arith.constant 16 : i32
      %barrier3A_61 = arith.constant 0 : index
      tpu.barrier barrier_id(%barrier3A_61)
      %mul3A_62 = arith.constant 65536 : i32
      %mul3A_63 = arith.muli %arg1, %mul3A_62 : i32
      %mul3A_64 = arith.constant 65536 : i32
      %mul3A_65 = arith.muli %arg1, %mul3A_64 : i32
      %add3A = arith.constant 1048576 : i32
      %add3A_66 = arith.addi %add3A, %mul3A_65 : i32
      "tpu.region"() ({
        %run_scoped3A_67 = tpu.sem_alloc : memref<!tpu.dma_semaphore, #tpu.memory_space<semaphore_mem>>
        %dma_start3A = tpu.memref_slice %arg4[%add3A_66] : memref<4194304xf32, #tpu.memory_space<hbm>> -> memref<65536xf32, #tpu.memory_space<hbm>>
        %dma_start3A_68 = tpu.memref_slice %arg15[%mul3A_63] : memref<1048576xf32, #tpu.memory_space<vmem_shared>> -> memref<65536xf32, #tpu.memory_space<vmem_shared>>
        tpu.enqueue_dma source(%dma_start3A_68 : memref<65536xf32, #tpu.memory_space<vmem_shared>>) target(%dma_start3A : memref<65536xf32, #tpu.memory_space<hbm>>) target_semaphore(%run_scoped3A_67 : memref<!tpu.dma_semaphore, #tpu.memory_space<semaphore_mem>>)
        %dma_wait3A = tpu.memref_slice %arg4[%add3A_66] : memref<4194304xf32, #tpu.memory_space<hbm>> -> memref<65536xf32, #tpu.memory_space<hbm>>
        %dma_wait3A_69 = tpu.memref_slice %arg15[%mul3A_63] : memref<1048576xf32, #tpu.memory_space<vmem_shared>> -> memref<65536xf32, #tpu.memory_space<vmem_shared>>
        tpu.wait_dma2 semaphore(%run_scoped3A_67 : memref<!tpu.dma_semaphore, #tpu.memory_space<semaphore_mem>>) src(%dma_wait3A_69 : memref<65536xf32, #tpu.memory_space<vmem_shared>>) dst(%dma_wait3A : memref<65536xf32, #tpu.memory_space<hbm>>)
        tpu.yield
      }) : () -> ()
    } else {
    }
    %eq3A_30 = arith.constant 1 : i32
    %eq3A_31 = arith.cmpi eq, %arg0, %eq3A_30 : i32
    %convert_element_type3A_32 = arith.extui %eq3A_31 : i1 to i32
    %cond3A_33 = arith.constant 0 : i32
    %cond3A_34 = arith.cmpi ne, %convert_element_type3A_32, %cond3A_33 : i32
    scf.if %cond3A_34 {
      %scan3A_40 = arith.constant 0 : i32
      %scan3A_41 = arith.constant 0 : i32
      %scan3A_42 = arith.constant 4 : i32
      %scan3A_43 = arith.addi %scan3A_41, %scan3A_42 : i32
      %scan3A_44 = arith.constant 1 : i32
      %scan3A_45 = scf.for %scan3A_67 = %scan3A_41 to %scan3A_43 step %scan3A_44 iter_args(%scan3A_68 = %scan3A_40) -> (i32)  : i32 {
        %mul3A_69 = arith.constant 65536 : i32
        %mul3A_70 = arith.muli %arg1, %mul3A_69 : i32
        %mul3A_71 = arith.constant 16384 : i32
        %mul3A_72 = arith.muli %scan3A_67, %mul3A_71 : i32
        %add3A_73 = arith.addi %mul3A_70, %mul3A_72 : i32
        "tpu.region"() ({
          %run_scoped3A_75 = tpu.sem_alloc : memref<!tpu.dma_semaphore, #tpu.memory_space<semaphore_mem>>
          %dma_start3A = tpu.memref_slice %arg15[%add3A_73] : memref<1048576xf32, #tpu.memory_space<vmem_shared>> -> memref<16384xf32, #tpu.memory_space<vmem_shared>>
          %dma_start3A_76 = tpu.memref_slice %arg15[%add3A_73] : memref<1048576xf32, #tpu.memory_space<vmem_shared>> -> memref<16384xf32, #tpu.memory_space<vmem_shared>>
          tpu.enqueue_dma source(%arg14 : memref<16384xf32, #tpu.memory_space<vmem>>) target(%dma_start3A_76 : memref<16384xf32, #tpu.memory_space<vmem_shared>>) target_semaphore(%run_scoped3A_75 : memref<!tpu.dma_semaphore, #tpu.memory_space<semaphore_mem>>)
          %dma_wait3A = tpu.memref_slice %arg15[%add3A_73] : memref<1048576xf32, #tpu.memory_space<vmem_shared>> -> memref<16384xf32, #tpu.memory_space<vmem_shared>>
          %dma_wait3A_77 = tpu.memref_slice %arg15[%add3A_73] : memref<1048576xf32, #tpu.memory_space<vmem_shared>> -> memref<16384xf32, #tpu.memory_space<vmem_shared>>
          tpu.wait_dma2 semaphore(%run_scoped3A_75 : memref<!tpu.dma_semaphore, #tpu.memory_space<semaphore_mem>>) src(%arg14 : memref<16384xf32, #tpu.memory_space<vmem>>) dst(%dma_wait3A_77 : memref<16384xf32, #tpu.memory_space<vmem_shared>>)
          tpu.yield
        }) : () -> ()
        %scan3A_74 = arith.constant 0 : i32
        scf.yield %scan3A_74 : i32
      }
      %scan3A_46 = arith.constant 4 : i32
      %barrier3A = arith.constant 0 : index
      tpu.barrier barrier_id(%barrier3A)
      %scan3A_47 = arith.constant 0 : i32
      %scan3A_48 = arith.constant 0 : i32
      %scan3A_49 = arith.constant 128 : i32
      %scan3A_50 = arith.addi %scan3A_48, %scan3A_49 : i32
      %scan3A_51 = arith.constant 1 : i32
      %scan3A_52 = scf.for %scan3A_67 = %scan3A_48 to %scan3A_50 step %scan3A_51 iter_args(%scan3A_68 = %scan3A_47) -> (i32)  : i32 {
        %mul3A_69 = arith.constant 16 : i32
        %mul3A_70 = arith.muli %scan3A_67, %mul3A_69 : i32
        %get3A = arith.index_cast %mul3A_70 : i32 to index
        %get3A_71 = tpu.vector_load %arg5[%get3A] {strides = array<i32>} : memref<2048xi32, #tpu.memory_space<vmem>>, vector<16xi32>,
        %get3A_72 = vector.shape_cast %get3A_71 : vector<16xi32> to vector<16xi32>
        %mul3A_73 = arith.constant 16 : i32
        %mul3A_74 = arith.muli %scan3A_67, %mul3A_73 : i32
        %get3A_75 = arith.index_cast %mul3A_74 : i32 to index
        %get3A_76 = tpu.vector_load %arg6[%get3A_75] {strides = array<i32>} : memref<2048xi32, #tpu.memory_space<vmem>>, vector<16xi32>,
        %get3A_77 = vector.shape_cast %get3A_76 : vector<16xi32> to vector<16xi32>
        %mul3A_78 = arith.constant 16 : i32
        %mul3A_79 = arith.muli %scan3A_67, %mul3A_78 : i32
        %get3A_80 = arith.index_cast %mul3A_79 : i32 to index
        %get3A_81 = tpu.vector_load %arg7[%get3A_80] {strides = array<i32>} : memref<2048xf32, #tpu.memory_space<vmem>>, vector<16xf32>,
        %get3A_82 = vector.shape_cast %get3A_81 : vector<16xf32> to vector<16xf32>
        %ge3A = arith.constant 1024 : i32
        %ge3A_83 = vector.broadcast %ge3A : i32 to vector<16xi32>
        %ge3A_84 = arith.cmpi sge, %get3A_72, %ge3A_83 : vector<16xi32>
        %lt3A = arith.constant 1536 : i32
        %lt3A_85 = vector.broadcast %lt3A : i32 to vector<16xi32>
        %lt3A_86 = arith.cmpi slt, %get3A_72, %lt3A_85 : vector<16xi32>
        %and3A = arith.andi %ge3A_84, %lt3A_86 : vector<16xi1>
        %ge3A_87 = arith.constant 1024 : i32
        %ge3A_88 = vector.broadcast %ge3A_87 : i32 to vector<16xi32>
        %ge3A_89 = arith.cmpi sge, %get3A_77, %ge3A_88 : vector<16xi32>
        %lt3A_90 = arith.constant 1536 : i32
        %lt3A_91 = vector.broadcast %lt3A_90 : i32 to vector<16xi32>
        %lt3A_92 = arith.cmpi slt, %get3A_77, %lt3A_91 : vector<16xi32>
        %and3A_93 = arith.andi %ge3A_89, %lt3A_92 : vector<16xi1>
        %jit3A = arith.constant 8 : i32
        %div3A = arith.divsi %scan3A_67, %jit3A : i32
        %sign3A = arith.constant 0 : i32
        %sign3A_94 = arith.cmpi sgt, %scan3A_67, %sign3A : i32
        %sign3A_95 = arith.extui %sign3A_94 : i1 to i32
        %sign3A_96 = arith.constant 0 : i32
        %sign3A_97 = arith.cmpi slt, %scan3A_67, %sign3A_96 : i32
        %sign3A_98 = arith.extui %sign3A_97 : i1 to i32
        %sign3A_99 = arith.subi %sign3A_95, %sign3A_98 : i32
        %sign3A_100 = arith.constant 0 : i32
        %sign3A_101 = arith.cmpi sgt, %jit3A, %sign3A_100 : i32
        %sign3A_102 = arith.extui %sign3A_101 : i1 to i32
        %sign3A_103 = arith.constant 0 : i32
        %sign3A_104 = arith.cmpi slt, %jit3A, %sign3A_103 : i32
        %sign3A_105 = arith.extui %sign3A_104 : i1 to i32
        %sign3A_106 = arith.subi %sign3A_102, %sign3A_105 : i32
        %ne3A = arith.cmpi ne, %sign3A_99, %sign3A_106 : i32
        %rem3A = arith.remsi %scan3A_67, %jit3A : i32
        %ne3A_107 = arith.constant 0 : i32
        %ne3A_108 = arith.cmpi ne, %rem3A, %ne3A_107 : i32
        %and3A_109 = arith.andi %ne3A, %ne3A_108 : i1
        %sub3A = arith.constant 1 : i32
        %sub3A_110 = arith.subi %div3A, %sub3A : i32
        %select_n3A = arith.select %and3A_109, %sub3A_110, %div3A : i32
        %jit3A_111 = arith.constant 8 : i32
        %eq3A_112 = arith.constant 0 : i32
        %eq3A_113 = arith.cmpi eq, %jit3A_111, %eq3A_112 : i32
        %jit3A_114 = arith.constant 1 : i32
        %select_n3A_115 = arith.select %eq3A_113, %jit3A_114, %jit3A_111 : i32
        %rem3A_116 = arith.remsi %scan3A_67, %select_n3A_115 : i32
        %ne3A_117 = arith.constant 0 : i32
        %ne3A_118 = arith.cmpi ne, %rem3A_116, %ne3A_117 : i32
        %lt3A_119 = arith.constant 0 : i32
        %lt3A_120 = arith.cmpi slt, %rem3A_116, %lt3A_119 : i32
        %lt3A_121 = arith.constant 0 : i32
        %lt3A_122 = arith.cmpi slt, %select_n3A_115, %lt3A_121 : i32
        %ne3A_123 = arith.xori %lt3A_120, %lt3A_122 : i1
        %and3A_124 = arith.andi %ne3A_123, %ne3A_118 : i1
        %add3A_125 = arith.addi %rem3A_116, %select_n3A_115 : i32
        %select_n3A_126 = arith.select %and3A_124, %add3A_125, %rem3A_116 : i32
        %mul3A_127 = arith.constant 16 : i32
        %mul3A_128 = arith.muli %select_n3A_126, %mul3A_127 : i32
        %sub3A_129 = arith.constant 1024 : i32
        %sub3A_130 = vector.broadcast %sub3A_129 : i32 to vector<16xi32>
        %sub3A_131 = arith.subi %get3A_72, %sub3A_130 : vector<16xi32>
        %mul3A_132 = arith.constant 2048 : i32
        %mul3A_133 = vector.broadcast %mul3A_132 : i32 to vector<16xi32>
        %mul3A_134 = arith.muli %sub3A_131, %mul3A_133 : vector<16xi32>
        %add3A_135 = arith.addi %mul3A_134, %get3A_77 : vector<16xi32>
        %jit3A_136 = arith.constant 0 : i32
        %broadcast_in_dim3A_137 = vector.broadcast %jit3A_136 : i32 to vector<16xi32>
        %select_n3A_138 = arith.select %and3A, %add3A_135, %broadcast_in_dim3A_137 : vector<16xi1>, vector<16xi32>
        %swap3A = arith.index_cast %select_n3A : i32 to index
        %swap3A_139 = arith.index_cast %mul3A_128 : i32 to index
        %swap3A_140 = tpu.vector_load %arg10[%swap3A, %swap3A_139] {strides = array<i32>} : memref<16x128xi32, #tpu.memory_space<vmem>>, vector<1x16xi32>,
        %swap3A_141 = vector.shape_cast %swap3A_140 : vector<1x16xi32> to vector<16xi32>
        %swap3A_142 = vector.shape_cast %select_n3A_138 : vector<16xi32> to vector<1x16xi32>
        tpu.vector_store %arg10[%swap3A, %swap3A_139], %swap3A_142 {strides = array<i32>} : memref<16x128xi32, #tpu.memory_space<vmem>>, vector<1x16xi32>,
        %jit3A_143 = arith.constant 0.000000e+00 : f32
        %broadcast_in_dim3A_144 = vector.broadcast %jit3A_143 : f32 to vector<16xf32>
        %select_n3A_145 = arith.select %and3A, %get3A_82, %broadcast_in_dim3A_144 : vector<16xi1>, vector<16xf32>
        %swap3A_146 = arith.index_cast %select_n3A : i32 to index
        %swap3A_147 = arith.index_cast %mul3A_128 : i32 to index
        %swap3A_148 = tpu.vector_load %arg11[%swap3A_146, %swap3A_147] {strides = array<i32>} : memref<16x128xf32, #tpu.memory_space<vmem>>, vector<1x16xf32>,
        %swap3A_149 = vector.shape_cast %swap3A_148 : vector<1x16xf32> to vector<16xf32>
        %swap3A_150 = vector.shape_cast %select_n3A_145 : vector<16xf32> to vector<1x16xf32>
        tpu.vector_store %arg11[%swap3A_146, %swap3A_147], %swap3A_150 {strides = array<i32>} : memref<16x128xf32, #tpu.memory_space<vmem>>, vector<1x16xf32>,
        %sub3A_151 = arith.constant 1024 : i32
        %sub3A_152 = vector.broadcast %sub3A_151 : i32 to vector<16xi32>
        %sub3A_153 = arith.subi %get3A_77, %sub3A_152 : vector<16xi32>
        %mul3A_154 = arith.constant 2048 : i32
        %mul3A_155 = vector.broadcast %mul3A_154 : i32 to vector<16xi32>
        %mul3A_156 = arith.muli %sub3A_153, %mul3A_155 : vector<16xi32>
        %add3A_157 = arith.addi %mul3A_156, %get3A_72 : vector<16xi32>
        %jit3A_158 = arith.constant 0 : i32
        %broadcast_in_dim3A_159 = vector.broadcast %jit3A_158 : i32 to vector<16xi32>
        %select_n3A_160 = arith.select %and3A_93, %add3A_157, %broadcast_in_dim3A_159 : vector<16xi1>, vector<16xi32>
        %swap3A_161 = arith.index_cast %select_n3A : i32 to index
        %swap3A_162 = arith.index_cast %mul3A_128 : i32 to index
        %swap3A_163 = tpu.vector_load %arg12[%swap3A_161, %swap3A_162] {strides = array<i32>} : memref<16x128xi32, #tpu.memory_space<vmem>>, vector<1x16xi32>,
        %swap3A_164 = vector.shape_cast %swap3A_163 : vector<1x16xi32> to vector<16xi32>
        %swap3A_165 = vector.shape_cast %select_n3A_160 : vector<16xi32> to vector<1x16xi32>
        tpu.vector_store %arg12[%swap3A_161, %swap3A_162], %swap3A_165 {strides = array<i32>} : memref<16x128xi32, #tpu.memory_space<vmem>>, vector<1x16xi32>,
        %jit3A_166 = arith.constant 0.000000e+00 : f32
        %broadcast_in_dim3A_167 = vector.broadcast %jit3A_166 : f32 to vector<16xf32>
        %select_n3A_168 = arith.select %and3A_93, %get3A_82, %broadcast_in_dim3A_167 : vector<16xi1>, vector<16xf32>
        %swap3A_169 = arith.index_cast %select_n3A : i32 to index
        %swap3A_170 = arith.index_cast %mul3A_128 : i32 to index
        %swap3A_171 = tpu.vector_load %arg13[%swap3A_169, %swap3A_170] {strides = array<i32>} : memref<16x128xf32, #tpu.memory_space<vmem>>, vector<1x16xf32>,
        %swap3A_172 = vector.shape_cast %swap3A_171 : vector<1x16xf32> to vector<16xf32>
        %swap3A_173 = vector.shape_cast %select_n3A_168 : vector<16xf32> to vector<1x16xf32>
        tpu.vector_store %arg13[%swap3A_169, %swap3A_170], %swap3A_173 {strides = array<i32>} : memref<16x128xf32, #tpu.memory_space<vmem>>, vector<1x16xf32>,
        %scan3A_174 = arith.constant 0 : i32
        scf.yield %scan3A_174 : i32
      }
      %scan3A_53 = arith.constant 128 : i32
      %scan3A_54 = arith.constant 0 : i32
      %scan3A_55 = arith.constant 0 : i32
      %scan3A_56 = arith.constant 16 : i32
      %scan3A_57 = arith.addi %scan3A_55, %scan3A_56 : i32
      %scan3A_58 = arith.constant 1 : i32
      %scan3A_59 = scf.for %scan3A_67 = %scan3A_55 to %scan3A_57 step %scan3A_58 iter_args(%scan3A_68 = %scan3A_54) -> (i32)  : i32 {
        "tpu.region"() ({
          %run_scoped3A_70 = tpu.sem_alloc : memref<!tpu.dma_semaphore, #tpu.memory_space<semaphore_mem>>
          %dma_start3A = arith.constant 0 : i32
          %dma_start3A_71 = tpu.memref_slice %arg11[%scan3A_67, %dma_start3A] : memref<16x128xf32, #tpu.memory_space<vmem>> -> memref<1x128xf32, #tpu.memory_space<vmem>>
          %dma_start3A_72 = tpu.memref_squeeze %dma_start3A_71 : memref<1x128xf32, #tpu.memory_space<vmem>> -> memref<128xf32, #tpu.memory_space<vmem>>
          %dma_start3A_73 = arith.constant 0 : i32
          %dma_start3A_74 = tpu.memref_slice %arg10[%scan3A_67, %dma_start3A_73] : memref<16x128xi32, #tpu.memory_space<vmem>> -> memref<1x128xi32, #tpu.memory_space<vmem>>
          %dma_start3A_75 = tpu.memref_squeeze %dma_start3A_74 : memref<1x128xi32, #tpu.memory_space<vmem>> -> memref<128xi32, #tpu.memory_space<vmem>>
          %dma_start3A_76 = arith.constant 0 : i32
          %dma_start3A_77 = tpu.memref_slice %arg15[%dma_start3A_76] : memref<1048576xf32, #tpu.memory_space<vmem_shared>> -> memref<1048576xf32, #tpu.memory_space<vmem_shared>>
          tpu.enqueue_indirect_dma source(%dma_start3A_72 : memref<128xf32, #tpu.memory_space<vmem>>) target(%dma_start3A_77 : memref<1048576xf32, #tpu.memory_space<vmem_shared>>) offsets(%dma_start3A_75 : memref<128xi32, #tpu.memory_space<vmem>>) semaphore(%run_scoped3A_70 : memref<!tpu.dma_semaphore, #tpu.memory_space<semaphore_mem>>) {add = true}
          %dma_wait3A = arith.constant 0 : i32
          %dma_wait3A_78 = tpu.memref_slice %arg11[%scan3A_67, %dma_wait3A] : memref<16x128xf32, #tpu.memory_space<vmem>> -> memref<1x128xf32, #tpu.memory_space<vmem>>
          %dma_wait3A_79 = tpu.memref_squeeze %dma_wait3A_78 : memref<1x128xf32, #tpu.memory_space<vmem>> -> memref<128xf32, #tpu.memory_space<vmem>>
          %dma_wait3A_80 = arith.constant 0 : i32
          %dma_wait3A_81 = tpu.memref_slice %arg10[%scan3A_67, %dma_wait3A_80] : memref<16x128xi32, #tpu.memory_space<vmem>> -> memref<1x128xi32, #tpu.memory_space<vmem>>
          %dma_wait3A_82 = tpu.memref_squeeze %dma_wait3A_81 : memref<1x128xi32, #tpu.memory_space<vmem>> -> memref<128xi32, #tpu.memory_space<vmem>>
          %dma_wait3A_83 = arith.constant 0 : i32
          %dma_wait3A_84 = tpu.memref_slice %arg15[%dma_wait3A_83] : memref<1048576xf32, #tpu.memory_space<vmem_shared>> -> memref<1048576xf32, #tpu.memory_space<vmem_shared>>
          tpu.wait_indirect_dma semaphore(%run_scoped3A_70 : memref<!tpu.dma_semaphore, #tpu.memory_space<semaphore_mem>>) src(%dma_wait3A_79 : memref<128xf32, #tpu.memory_space<vmem>>) dst(%dma_wait3A_84 : memref<1048576xf32, #tpu.memory_space<vmem_shared>>)
          tpu.yield
        }) : () -> ()
        "tpu.region"() ({
          %run_scoped3A_70 = tpu.sem_alloc : memref<!tpu.dma_semaphore, #tpu.memory_space<semaphore_mem>>
          %dma_start3A = arith.constant 0 : i32
          %dma_start3A_71 = tpu.memref_slice %arg13[%scan3A_67, %dma_start3A] : memref<16x128xf32, #tpu.memory_space<vmem>> -> memref<1x128xf32, #tpu.memory_space<vmem>>
          %dma_start3A_72 = tpu.memref_squeeze %dma_start3A_71 : memref<1x128xf32, #tpu.memory_space<vmem>> -> memref<128xf32, #tpu.memory_space<vmem>>
          %dma_start3A_73 = arith.constant 0 : i32
          %dma_start3A_74 = tpu.memref_slice %arg12[%scan3A_67, %dma_start3A_73] : memref<16x128xi32, #tpu.memory_space<vmem>> -> memref<1x128xi32, #tpu.memory_space<vmem>>
          %dma_start3A_75 = tpu.memref_squeeze %dma_start3A_74 : memref<1x128xi32, #tpu.memory_space<vmem>> -> memref<128xi32, #tpu.memory_space<vmem>>
          %dma_start3A_76 = arith.constant 0 : i32
          %dma_start3A_77 = tpu.memref_slice %arg15[%dma_start3A_76] : memref<1048576xf32, #tpu.memory_space<vmem_shared>> -> memref<1048576xf32, #tpu.memory_space<vmem_shared>>
          tpu.enqueue_indirect_dma source(%dma_start3A_72 : memref<128xf32, #tpu.memory_space<vmem>>) target(%dma_start3A_77 : memref<1048576xf32, #tpu.memory_space<vmem_shared>>) offsets(%dma_start3A_75 : memref<128xi32, #tpu.memory_space<vmem>>) semaphore(%run_scoped3A_70 : memref<!tpu.dma_semaphore, #tpu.memory_space<semaphore_mem>>) {add = true}
          %dma_wait3A = arith.constant 0 : i32
          %dma_wait3A_78 = tpu.memref_slice %arg13[%scan3A_67, %dma_wait3A] : memref<16x128xf32, #tpu.memory_space<vmem>> -> memref<1x128xf32, #tpu.memory_space<vmem>>
          %dma_wait3A_79 = tpu.memref_squeeze %dma_wait3A_78 : memref<1x128xf32, #tpu.memory_space<vmem>> -> memref<128xf32, #tpu.memory_space<vmem>>
          %dma_wait3A_80 = arith.constant 0 : i32
          %dma_wait3A_81 = tpu.memref_slice %arg12[%scan3A_67, %dma_wait3A_80] : memref<16x128xi32, #tpu.memory_space<vmem>> -> memref<1x128xi32, #tpu.memory_space<vmem>>
          %dma_wait3A_82 = tpu.memref_squeeze %dma_wait3A_81 : memref<1x128xi32, #tpu.memory_space<vmem>> -> memref<128xi32, #tpu.memory_space<vmem>>
          %dma_wait3A_83 = arith.constant 0 : i32
          %dma_wait3A_84 = tpu.memref_slice %arg15[%dma_wait3A_83] : memref<1048576xf32, #tpu.memory_space<vmem_shared>> -> memref<1048576xf32, #tpu.memory_space<vmem_shared>>
          tpu.wait_indirect_dma semaphore(%run_scoped3A_70 : memref<!tpu.dma_semaphore, #tpu.memory_space<semaphore_mem>>) src(%dma_wait3A_79 : memref<128xf32, #tpu.memory_space<vmem>>) dst(%dma_wait3A_84 : memref<1048576xf32, #tpu.memory_space<vmem_shared>>)
          tpu.yield
        }) : () -> ()
        %scan3A_69 = arith.constant 0 : i32
        scf.yield %scan3A_69 : i32
      }
      %scan3A_60 = arith.constant 16 : i32
      %barrier3A_61 = arith.constant 0 : index
      tpu.barrier barrier_id(%barrier3A_61)
      %mul3A_62 = arith.constant 65536 : i32
      %mul3A_63 = arith.muli %arg1, %mul3A_62 : i32
      %mul3A_64 = arith.constant 65536 : i32
      %mul3A_65 = arith.muli %arg1, %mul3A_64 : i32
      %add3A = arith.constant 2097152 : i32
      %add3A_66 = arith.addi %add3A, %mul3A_65 : i32
      "tpu.region"() ({
        %run_scoped3A_67 = tpu.sem_alloc : memref<!tpu.dma_semaphore, #tpu.memory_space<semaphore_mem>>
        %dma_start3A = tpu.memref_slice %arg4[%add3A_66] : memref<4194304xf32, #tpu.memory_space<hbm>> -> memref<65536xf32, #tpu.memory_space<hbm>>
        %dma_start3A_68 = tpu.memref_slice %arg15[%mul3A_63] : memref<1048576xf32, #tpu.memory_space<vmem_shared>> -> memref<65536xf32, #tpu.memory_space<vmem_shared>>
        tpu.enqueue_dma source(%dma_start3A_68 : memref<65536xf32, #tpu.memory_space<vmem_shared>>) target(%dma_start3A : memref<65536xf32, #tpu.memory_space<hbm>>) target_semaphore(%run_scoped3A_67 : memref<!tpu.dma_semaphore, #tpu.memory_space<semaphore_mem>>)
        %dma_wait3A = tpu.memref_slice %arg4[%add3A_66] : memref<4194304xf32, #tpu.memory_space<hbm>> -> memref<65536xf32, #tpu.memory_space<hbm>>
        %dma_wait3A_69 = tpu.memref_slice %arg15[%mul3A_63] : memref<1048576xf32, #tpu.memory_space<vmem_shared>> -> memref<65536xf32, #tpu.memory_space<vmem_shared>>
        tpu.wait_dma2 semaphore(%run_scoped3A_67 : memref<!tpu.dma_semaphore, #tpu.memory_space<semaphore_mem>>) src(%dma_wait3A_69 : memref<65536xf32, #tpu.memory_space<vmem_shared>>) dst(%dma_wait3A : memref<65536xf32, #tpu.memory_space<hbm>>)
        tpu.yield
      }) : () -> ()
    } else {
    }
    %eq3A_35 = arith.constant 1 : i32
    %eq3A_36 = arith.cmpi eq, %arg0, %eq3A_35 : i32
    %convert_element_type3A_37 = arith.extui %eq3A_36 : i1 to i32
    %cond3A_38 = arith.constant 0 : i32
    %cond3A_39 = arith.cmpi ne, %convert_element_type3A_37, %cond3A_38 : i32
    scf.if %cond3A_39 {
      %scan3A_40 = arith.constant 0 : i32
      %scan3A_41 = arith.constant 0 : i32
      %scan3A_42 = arith.constant 4 : i32
      %scan3A_43 = arith.addi %scan3A_41, %scan3A_42 : i32
      %scan3A_44 = arith.constant 1 : i32
      %scan3A_45 = scf.for %scan3A_67 = %scan3A_41 to %scan3A_43 step %scan3A_44 iter_args(%scan3A_68 = %scan3A_40) -> (i32)  : i32 {
        %mul3A_69 = arith.constant 65536 : i32
        %mul3A_70 = arith.muli %arg1, %mul3A_69 : i32
        %mul3A_71 = arith.constant 16384 : i32
        %mul3A_72 = arith.muli %scan3A_67, %mul3A_71 : i32
        %add3A_73 = arith.addi %mul3A_70, %mul3A_72 : i32
        "tpu.region"() ({
          %run_scoped3A_75 = tpu.sem_alloc : memref<!tpu.dma_semaphore, #tpu.memory_space<semaphore_mem>>
          %dma_start3A = tpu.memref_slice %arg15[%add3A_73] : memref<1048576xf32, #tpu.memory_space<vmem_shared>> -> memref<16384xf32, #tpu.memory_space<vmem_shared>>
          %dma_start3A_76 = tpu.memref_slice %arg15[%add3A_73] : memref<1048576xf32, #tpu.memory_space<vmem_shared>> -> memref<16384xf32, #tpu.memory_space<vmem_shared>>
          tpu.enqueue_dma source(%arg14 : memref<16384xf32, #tpu.memory_space<vmem>>) target(%dma_start3A_76 : memref<16384xf32, #tpu.memory_space<vmem_shared>>) target_semaphore(%run_scoped3A_75 : memref<!tpu.dma_semaphore, #tpu.memory_space<semaphore_mem>>)
          %dma_wait3A = tpu.memref_slice %arg15[%add3A_73] : memref<1048576xf32, #tpu.memory_space<vmem_shared>> -> memref<16384xf32, #tpu.memory_space<vmem_shared>>
          %dma_wait3A_77 = tpu.memref_slice %arg15[%add3A_73] : memref<1048576xf32, #tpu.memory_space<vmem_shared>> -> memref<16384xf32, #tpu.memory_space<vmem_shared>>
          tpu.wait_dma2 semaphore(%run_scoped3A_75 : memref<!tpu.dma_semaphore, #tpu.memory_space<semaphore_mem>>) src(%arg14 : memref<16384xf32, #tpu.memory_space<vmem>>) dst(%dma_wait3A_77 : memref<16384xf32, #tpu.memory_space<vmem_shared>>)
          tpu.yield
        }) : () -> ()
        %scan3A_74 = arith.constant 0 : i32
        scf.yield %scan3A_74 : i32
      }
      %scan3A_46 = arith.constant 4 : i32
      %barrier3A = arith.constant 0 : index
      tpu.barrier barrier_id(%barrier3A)
      %scan3A_47 = arith.constant 0 : i32
      %scan3A_48 = arith.constant 0 : i32
      %scan3A_49 = arith.constant 128 : i32
      %scan3A_50 = arith.addi %scan3A_48, %scan3A_49 : i32
      %scan3A_51 = arith.constant 1 : i32
      %scan3A_52 = scf.for %scan3A_67 = %scan3A_48 to %scan3A_50 step %scan3A_51 iter_args(%scan3A_68 = %scan3A_47) -> (i32)  : i32 {
        %mul3A_69 = arith.constant 16 : i32
        %mul3A_70 = arith.muli %scan3A_67, %mul3A_69 : i32
        %get3A = arith.index_cast %mul3A_70 : i32 to index
        %get3A_71 = tpu.vector_load %arg5[%get3A] {strides = array<i32>} : memref<2048xi32, #tpu.memory_space<vmem>>, vector<16xi32>,
        %get3A_72 = vector.shape_cast %get3A_71 : vector<16xi32> to vector<16xi32>
        %mul3A_73 = arith.constant 16 : i32
        %mul3A_74 = arith.muli %scan3A_67, %mul3A_73 : i32
        %get3A_75 = arith.index_cast %mul3A_74 : i32 to index
        %get3A_76 = tpu.vector_load %arg6[%get3A_75] {strides = array<i32>} : memref<2048xi32, #tpu.memory_space<vmem>>, vector<16xi32>,
        %get3A_77 = vector.shape_cast %get3A_76 : vector<16xi32> to vector<16xi32>
        %mul3A_78 = arith.constant 16 : i32
        %mul3A_79 = arith.muli %scan3A_67, %mul3A_78 : i32
        %get3A_80 = arith.index_cast %mul3A_79 : i32 to index
        %get3A_81 = tpu.vector_load %arg7[%get3A_80] {strides = array<i32>} : memref<2048xf32, #tpu.memory_space<vmem>>, vector<16xf32>,
        %get3A_82 = vector.shape_cast %get3A_81 : vector<16xf32> to vector<16xf32>
        %ge3A = arith.constant 1536 : i32
        %ge3A_83 = vector.broadcast %ge3A : i32 to vector<16xi32>
        %ge3A_84 = arith.cmpi sge, %get3A_72, %ge3A_83 : vector<16xi32>
        %lt3A = arith.constant 2048 : i32
        %lt3A_85 = vector.broadcast %lt3A : i32 to vector<16xi32>
        %lt3A_86 = arith.cmpi slt, %get3A_72, %lt3A_85 : vector<16xi32>
        %and3A = arith.andi %ge3A_84, %lt3A_86 : vector<16xi1>
        %ge3A_87 = arith.constant 1536 : i32
        %ge3A_88 = vector.broadcast %ge3A_87 : i32 to vector<16xi32>
        %ge3A_89 = arith.cmpi sge, %get3A_77, %ge3A_88 : vector<16xi32>
        %lt3A_90 = arith.constant 2048 : i32
        %lt3A_91 = vector.broadcast %lt3A_90 : i32 to vector<16xi32>
        %lt3A_92 = arith.cmpi slt, %get3A_77, %lt3A_91 : vector<16xi32>
        %and3A_93 = arith.andi %ge3A_89, %lt3A_92 : vector<16xi1>
        %jit3A = arith.constant 8 : i32
        %div3A = arith.divsi %scan3A_67, %jit3A : i32
        %sign3A = arith.constant 0 : i32
        %sign3A_94 = arith.cmpi sgt, %scan3A_67, %sign3A : i32
        %sign3A_95 = arith.extui %sign3A_94 : i1 to i32
        %sign3A_96 = arith.constant 0 : i32
        %sign3A_97 = arith.cmpi slt, %scan3A_67, %sign3A_96 : i32
        %sign3A_98 = arith.extui %sign3A_97 : i1 to i32
        %sign3A_99 = arith.subi %sign3A_95, %sign3A_98 : i32
        %sign3A_100 = arith.constant 0 : i32
        %sign3A_101 = arith.cmpi sgt, %jit3A, %sign3A_100 : i32
        %sign3A_102 = arith.extui %sign3A_101 : i1 to i32
        %sign3A_103 = arith.constant 0 : i32
        %sign3A_104 = arith.cmpi slt, %jit3A, %sign3A_103 : i32
        %sign3A_105 = arith.extui %sign3A_104 : i1 to i32
        %sign3A_106 = arith.subi %sign3A_102, %sign3A_105 : i32
        %ne3A = arith.cmpi ne, %sign3A_99, %sign3A_106 : i32
        %rem3A = arith.remsi %scan3A_67, %jit3A : i32
        %ne3A_107 = arith.constant 0 : i32
        %ne3A_108 = arith.cmpi ne, %rem3A, %ne3A_107 : i32
        %and3A_109 = arith.andi %ne3A, %ne3A_108 : i1
        %sub3A = arith.constant 1 : i32
        %sub3A_110 = arith.subi %div3A, %sub3A : i32
        %select_n3A = arith.select %and3A_109, %sub3A_110, %div3A : i32
        %jit3A_111 = arith.constant 8 : i32
        %eq3A_112 = arith.constant 0 : i32
        %eq3A_113 = arith.cmpi eq, %jit3A_111, %eq3A_112 : i32
        %jit3A_114 = arith.constant 1 : i32
        %select_n3A_115 = arith.select %eq3A_113, %jit3A_114, %jit3A_111 : i32
        %rem3A_116 = arith.remsi %scan3A_67, %select_n3A_115 : i32
        %ne3A_117 = arith.constant 0 : i32
        %ne3A_118 = arith.cmpi ne, %rem3A_116, %ne3A_117 : i32
        %lt3A_119 = arith.constant 0 : i32
        %lt3A_120 = arith.cmpi slt, %rem3A_116, %lt3A_119 : i32
        %lt3A_121 = arith.constant 0 : i32
        %lt3A_122 = arith.cmpi slt, %select_n3A_115, %lt3A_121 : i32
        %ne3A_123 = arith.xori %lt3A_120, %lt3A_122 : i1
        %and3A_124 = arith.andi %ne3A_123, %ne3A_118 : i1
        %add3A_125 = arith.addi %rem3A_116, %select_n3A_115 : i32
        %select_n3A_126 = arith.select %and3A_124, %add3A_125, %rem3A_116 : i32
        %mul3A_127 = arith.constant 16 : i32
        %mul3A_128 = arith.muli %select_n3A_126, %mul3A_127 : i32
        %sub3A_129 = arith.constant 1536 : i32
        %sub3A_130 = vector.broadcast %sub3A_129 : i32 to vector<16xi32>
        %sub3A_131 = arith.subi %get3A_72, %sub3A_130 : vector<16xi32>
        %mul3A_132 = arith.constant 2048 : i32
        %mul3A_133 = vector.broadcast %mul3A_132 : i32 to vector<16xi32>
        %mul3A_134 = arith.muli %sub3A_131, %mul3A_133 : vector<16xi32>
        %add3A_135 = arith.addi %mul3A_134, %get3A_77 : vector<16xi32>
        %jit3A_136 = arith.constant 0 : i32
        %broadcast_in_dim3A_137 = vector.broadcast %jit3A_136 : i32 to vector<16xi32>
        %select_n3A_138 = arith.select %and3A, %add3A_135, %broadcast_in_dim3A_137 : vector<16xi1>, vector<16xi32>
        %swap3A = arith.index_cast %select_n3A : i32 to index
        %swap3A_139 = arith.index_cast %mul3A_128 : i32 to index
        %swap3A_140 = tpu.vector_load %arg10[%swap3A, %swap3A_139] {strides = array<i32>} : memref<16x128xi32, #tpu.memory_space<vmem>>, vector<1x16xi32>,
        %swap3A_141 = vector.shape_cast %swap3A_140 : vector<1x16xi32> to vector<16xi32>
        %swap3A_142 = vector.shape_cast %select_n3A_138 : vector<16xi32> to vector<1x16xi32>
        tpu.vector_store %arg10[%swap3A, %swap3A_139], %swap3A_142 {strides = array<i32>} : memref<16x128xi32, #tpu.memory_space<vmem>>, vector<1x16xi32>,
        %jit3A_143 = arith.constant 0.000000e+00 : f32
        %broadcast_in_dim3A_144 = vector.broadcast %jit3A_143 : f32 to vector<16xf32>
        %select_n3A_145 = arith.select %and3A, %get3A_82, %broadcast_in_dim3A_144 : vector<16xi1>, vector<16xf32>
        %swap3A_146 = arith.index_cast %select_n3A : i32 to index
        %swap3A_147 = arith.index_cast %mul3A_128 : i32 to index
        %swap3A_148 = tpu.vector_load %arg11[%swap3A_146, %swap3A_147] {strides = array<i32>} : memref<16x128xf32, #tpu.memory_space<vmem>>, vector<1x16xf32>,
        %swap3A_149 = vector.shape_cast %swap3A_148 : vector<1x16xf32> to vector<16xf32>
        %swap3A_150 = vector.shape_cast %select_n3A_145 : vector<16xf32> to vector<1x16xf32>
        tpu.vector_store %arg11[%swap3A_146, %swap3A_147], %swap3A_150 {strides = array<i32>} : memref<16x128xf32, #tpu.memory_space<vmem>>, vector<1x16xf32>,
        %sub3A_151 = arith.constant 1536 : i32
        %sub3A_152 = vector.broadcast %sub3A_151 : i32 to vector<16xi32>
        %sub3A_153 = arith.subi %get3A_77, %sub3A_152 : vector<16xi32>
        %mul3A_154 = arith.constant 2048 : i32
        %mul3A_155 = vector.broadcast %mul3A_154 : i32 to vector<16xi32>
        %mul3A_156 = arith.muli %sub3A_153, %mul3A_155 : vector<16xi32>
        %add3A_157 = arith.addi %mul3A_156, %get3A_72 : vector<16xi32>
        %jit3A_158 = arith.constant 0 : i32
        %broadcast_in_dim3A_159 = vector.broadcast %jit3A_158 : i32 to vector<16xi32>
        %select_n3A_160 = arith.select %and3A_93, %add3A_157, %broadcast_in_dim3A_159 : vector<16xi1>, vector<16xi32>
        %swap3A_161 = arith.index_cast %select_n3A : i32 to index
        %swap3A_162 = arith.index_cast %mul3A_128 : i32 to index
        %swap3A_163 = tpu.vector_load %arg12[%swap3A_161, %swap3A_162] {strides = array<i32>} : memref<16x128xi32, #tpu.memory_space<vmem>>, vector<1x16xi32>,
        %swap3A_164 = vector.shape_cast %swap3A_163 : vector<1x16xi32> to vector<16xi32>
        %swap3A_165 = vector.shape_cast %select_n3A_160 : vector<16xi32> to vector<1x16xi32>
        tpu.vector_store %arg12[%swap3A_161, %swap3A_162], %swap3A_165 {strides = array<i32>} : memref<16x128xi32, #tpu.memory_space<vmem>>, vector<1x16xi32>,
        %jit3A_166 = arith.constant 0.000000e+00 : f32
        %broadcast_in_dim3A_167 = vector.broadcast %jit3A_166 : f32 to vector<16xf32>
        %select_n3A_168 = arith.select %and3A_93, %get3A_82, %broadcast_in_dim3A_167 : vector<16xi1>, vector<16xf32>
        %swap3A_169 = arith.index_cast %select_n3A : i32 to index
        %swap3A_170 = arith.index_cast %mul3A_128 : i32 to index
        %swap3A_171 = tpu.vector_load %arg13[%swap3A_169, %swap3A_170] {strides = array<i32>} : memref<16x128xf32, #tpu.memory_space<vmem>>, vector<1x16xf32>,
        %swap3A_172 = vector.shape_cast %swap3A_171 : vector<1x16xf32> to vector<16xf32>
        %swap3A_173 = vector.shape_cast %select_n3A_168 : vector<16xf32> to vector<1x16xf32>
        tpu.vector_store %arg13[%swap3A_169, %swap3A_170], %swap3A_173 {strides = array<i32>} : memref<16x128xf32, #tpu.memory_space<vmem>>, vector<1x16xf32>,
        %scan3A_174 = arith.constant 0 : i32
        scf.yield %scan3A_174 : i32
      }
      %scan3A_53 = arith.constant 128 : i32
      %scan3A_54 = arith.constant 0 : i32
      %scan3A_55 = arith.constant 0 : i32
      %scan3A_56 = arith.constant 16 : i32
      %scan3A_57 = arith.addi %scan3A_55, %scan3A_56 : i32
      %scan3A_58 = arith.constant 1 : i32
      %scan3A_59 = scf.for %scan3A_67 = %scan3A_55 to %scan3A_57 step %scan3A_58 iter_args(%scan3A_68 = %scan3A_54) -> (i32)  : i32 {
        "tpu.region"() ({
          %run_scoped3A_70 = tpu.sem_alloc : memref<!tpu.dma_semaphore, #tpu.memory_space<semaphore_mem>>
          %dma_start3A = arith.constant 0 : i32
          %dma_start3A_71 = tpu.memref_slice %arg11[%scan3A_67, %dma_start3A] : memref<16x128xf32, #tpu.memory_space<vmem>> -> memref<1x128xf32, #tpu.memory_space<vmem>>
          %dma_start3A_72 = tpu.memref_squeeze %dma_start3A_71 : memref<1x128xf32, #tpu.memory_space<vmem>> -> memref<128xf32, #tpu.memory_space<vmem>>
          %dma_start3A_73 = arith.constant 0 : i32
          %dma_start3A_74 = tpu.memref_slice %arg10[%scan3A_67, %dma_start3A_73] : memref<16x128xi32, #tpu.memory_space<vmem>> -> memref<1x128xi32, #tpu.memory_space<vmem>>
          %dma_start3A_75 = tpu.memref_squeeze %dma_start3A_74 : memref<1x128xi32, #tpu.memory_space<vmem>> -> memref<128xi32, #tpu.memory_space<vmem>>
          %dma_start3A_76 = arith.constant 0 : i32
          %dma_start3A_77 = tpu.memref_slice %arg15[%dma_start3A_76] : memref<1048576xf32, #tpu.memory_space<vmem_shared>> -> memref<1048576xf32, #tpu.memory_space<vmem_shared>>
          tpu.enqueue_indirect_dma source(%dma_start3A_72 : memref<128xf32, #tpu.memory_space<vmem>>) target(%dma_start3A_77 : memref<1048576xf32, #tpu.memory_space<vmem_shared>>) offsets(%dma_start3A_75 : memref<128xi32, #tpu.memory_space<vmem>>) semaphore(%run_scoped3A_70 : memref<!tpu.dma_semaphore, #tpu.memory_space<semaphore_mem>>) {add = true}
          %dma_wait3A = arith.constant 0 : i32
          %dma_wait3A_78 = tpu.memref_slice %arg11[%scan3A_67, %dma_wait3A] : memref<16x128xf32, #tpu.memory_space<vmem>> -> memref<1x128xf32, #tpu.memory_space<vmem>>
          %dma_wait3A_79 = tpu.memref_squeeze %dma_wait3A_78 : memref<1x128xf32, #tpu.memory_space<vmem>> -> memref<128xf32, #tpu.memory_space<vmem>>
          %dma_wait3A_80 = arith.constant 0 : i32
          %dma_wait3A_81 = tpu.memref_slice %arg10[%scan3A_67, %dma_wait3A_80] : memref<16x128xi32, #tpu.memory_space<vmem>> -> memref<1x128xi32, #tpu.memory_space<vmem>>
          %dma_wait3A_82 = tpu.memref_squeeze %dma_wait3A_81 : memref<1x128xi32, #tpu.memory_space<vmem>> -> memref<128xi32, #tpu.memory_space<vmem>>
          %dma_wait3A_83 = arith.constant 0 : i32
          %dma_wait3A_84 = tpu.memref_slice %arg15[%dma_wait3A_83] : memref<1048576xf32, #tpu.memory_space<vmem_shared>> -> memref<1048576xf32, #tpu.memory_space<vmem_shared>>
          tpu.wait_indirect_dma semaphore(%run_scoped3A_70 : memref<!tpu.dma_semaphore, #tpu.memory_space<semaphore_mem>>) src(%dma_wait3A_79 : memref<128xf32, #tpu.memory_space<vmem>>) dst(%dma_wait3A_84 : memref<1048576xf32, #tpu.memory_space<vmem_shared>>)
          tpu.yield
        }) : () -> ()
        "tpu.region"() ({
          %run_scoped3A_70 = tpu.sem_alloc : memref<!tpu.dma_semaphore, #tpu.memory_space<semaphore_mem>>
          %dma_start3A = arith.constant 0 : i32
          %dma_start3A_71 = tpu.memref_slice %arg13[%scan3A_67, %dma_start3A] : memref<16x128xf32, #tpu.memory_space<vmem>> -> memref<1x128xf32, #tpu.memory_space<vmem>>
          %dma_start3A_72 = tpu.memref_squeeze %dma_start3A_71 : memref<1x128xf32, #tpu.memory_space<vmem>> -> memref<128xf32, #tpu.memory_space<vmem>>
          %dma_start3A_73 = arith.constant 0 : i32
          %dma_start3A_74 = tpu.memref_slice %arg12[%scan3A_67, %dma_start3A_73] : memref<16x128xi32, #tpu.memory_space<vmem>> -> memref<1x128xi32, #tpu.memory_space<vmem>>
          %dma_start3A_75 = tpu.memref_squeeze %dma_start3A_74 : memref<1x128xi32, #tpu.memory_space<vmem>> -> memref<128xi32, #tpu.memory_space<vmem>>
          %dma_start3A_76 = arith.constant 0 : i32
          %dma_start3A_77 = tpu.memref_slice %arg15[%dma_start3A_76] : memref<1048576xf32, #tpu.memory_space<vmem_shared>> -> memref<1048576xf32, #tpu.memory_space<vmem_shared>>
          tpu.enqueue_indirect_dma source(%dma_start3A_72 : memref<128xf32, #tpu.memory_space<vmem>>) target(%dma_start3A_77 : memref<1048576xf32, #tpu.memory_space<vmem_shared>>) offsets(%dma_start3A_75 : memref<128xi32, #tpu.memory_space<vmem>>) semaphore(%run_scoped3A_70 : memref<!tpu.dma_semaphore, #tpu.memory_space<semaphore_mem>>) {add = true}
          %dma_wait3A = arith.constant 0 : i32
          %dma_wait3A_78 = tpu.memref_slice %arg13[%scan3A_67, %dma_wait3A] : memref<16x128xf32, #tpu.memory_space<vmem>> -> memref<1x128xf32, #tpu.memory_space<vmem>>
          %dma_wait3A_79 = tpu.memref_squeeze %dma_wait3A_78 : memref<1x128xf32, #tpu.memory_space<vmem>> -> memref<128xf32, #tpu.memory_space<vmem>>
          %dma_wait3A_80 = arith.constant 0 : i32
          %dma_wait3A_81 = tpu.memref_slice %arg12[%scan3A_67, %dma_wait3A_80] : memref<16x128xi32, #tpu.memory_space<vmem>> -> memref<1x128xi32, #tpu.memory_space<vmem>>
          %dma_wait3A_82 = tpu.memref_squeeze %dma_wait3A_81 : memref<1x128xi32, #tpu.memory_space<vmem>> -> memref<128xi32, #tpu.memory_space<vmem>>
          %dma_wait3A_83 = arith.constant 0 : i32
          %dma_wait3A_84 = tpu.memref_slice %arg15[%dma_wait3A_83] : memref<1048576xf32, #tpu.memory_space<vmem_shared>> -> memref<1048576xf32, #tpu.memory_space<vmem_shared>>
          tpu.wait_indirect_dma semaphore(%run_scoped3A_70 : memref<!tpu.dma_semaphore, #tpu.memory_space<semaphore_mem>>) src(%dma_wait3A_79 : memref<128xf32, #tpu.memory_space<vmem>>) dst(%dma_wait3A_84 : memref<1048576xf32, #tpu.memory_space<vmem_shared>>)
          tpu.yield
        }) : () -> ()
        %scan3A_69 = arith.constant 0 : i32
        scf.yield %scan3A_69 : i32
      }
      %scan3A_60 = arith.constant 16 : i32
      %barrier3A_61 = arith.constant 0 : index
      tpu.barrier barrier_id(%barrier3A_61)
      %mul3A_62 = arith.constant 65536 : i32
      %mul3A_63 = arith.muli %arg1, %mul3A_62 : i32
      %mul3A_64 = arith.constant 65536 : i32
      %mul3A_65 = arith.muli %arg1, %mul3A_64 : i32
      %add3A = arith.constant 3145728 : i32
      %add3A_66 = arith.addi %add3A, %mul3A_65 : i32
      "tpu.region"() ({
        %run_scoped3A_67 = tpu.sem_alloc : memref<!tpu.dma_semaphore, #tpu.memory_space<semaphore_mem>>
        %dma_start3A = tpu.memref_slice %arg4[%add3A_66] : memref<4194304xf32, #tpu.memory_space<hbm>> -> memref<65536xf32, #tpu.memory_space<hbm>>
        %dma_start3A_68 = tpu.memref_slice %arg15[%mul3A_63] : memref<1048576xf32, #tpu.memory_space<vmem_shared>> -> memref<65536xf32, #tpu.memory_space<vmem_shared>>
        tpu.enqueue_dma source(%dma_start3A_68 : memref<65536xf32, #tpu.memory_space<vmem_shared>>) target(%dma_start3A : memref<65536xf32, #tpu.memory_space<hbm>>) target_semaphore(%run_scoped3A_67 : memref<!tpu.dma_semaphore, #tpu.memory_space<semaphore_mem>>)
        %dma_wait3A = tpu.memref_slice %arg4[%add3A_66] : memref<4194304xf32, #tpu.memory_space<hbm>> -> memref<65536xf32, #tpu.memory_space<hbm>>
        %dma_wait3A_69 = tpu.memref_slice %arg15[%mul3A_63] : memref<1048576xf32, #tpu.memory_space<vmem_shared>> -> memref<65536xf32, #tpu.memory_space<vmem_shared>>
        tpu.wait_dma2 semaphore(%run_scoped3A_67 : memref<!tpu.dma_semaphore, #tpu.memory_space<semaphore_mem>>) src(%dma_wait3A_69 : memref<65536xf32, #tpu.memory_space<vmem_shared>>) dst(%dma_wait3A : memref<65536xf32, #tpu.memory_space<hbm>>)
        tpu.yield
      }) : () -> ()
    } else {
    }
    return
  }
}

module attributes {stable_mosaic.version = 14 : i64} {
  func.func @_power_kernel(%arg0: memref<2048x2048xf32, #tpu.memory_space<vmem>>, %arg1: memref<2048x8xf32, #tpu.memory_space<vmem>>, %arg2: memref<1x1xf32, #tpu.memory_space<smem>>) attributes {dimension_semantics = [], scalar_prefetch = 0 : i64, scratch_operands = 0 : i64, tpu.core_type = #tpu.core_type<tc>} {
    %get3A = arith.constant 0 : index
    %get3A_0 = arith.constant 0 : index
    %get3A_1 = vector.load %arg1[%get3A, %get3A_0] : memref<2048x8xf32, #tpu.memory_space<vmem>>, vector<2048x8xf32>
    %get3A_2 = arith.constant 0 : index
    %get3A_3 = arith.constant 0 : index
    %get3A_4 = vector.load %arg0[%get3A_2, %get3A_3] : memref<2048x2048xf32, #tpu.memory_space<vmem>>, vector<2048x2048xf32>
    %dot_general3A = arith.constant dense<0.000000e+00> : vector<2048x8xf32>
    %dot_general3A_5 = tpu.matmul %get3A_4, %get3A_1, %dot_general3A {dimension_numbers = #tpu.dot_dimension_numbers<[1], [0], [0], [1], [0, 0, 1, 1], [], []>, transpose_lhs_hint = false} : vector<2048x2048xf32>, vector<2048x8xf32>, vector<2048x8xf32> -> vector<2048x8xf32>
    %mul3A = arith.mulf %dot_general3A_5, %dot_general3A_5 : vector<2048x8xf32>
    %reduce_sum3A = arith.constant dense<0.000000e+00> : vector<8xf32>
    %reduce_sum3A_6 = vector.multi_reduction <add>, %mul3A, %reduce_sum3A [0] : vector<2048x8xf32> to vector<8xf32>
    %broadcast_in_dim3A = vector.shape_cast %reduce_sum3A_6 : vector<8xf32> to vector<1x8xf32>
    %sqrt3A = math.sqrt %broadcast_in_dim3A : vector<1x8xf32>
    %max3A = arith.constant 1.000000e-30 : f32
    %max3A_7 = vector.broadcast %max3A : f32 to vector<1x8xf32>
    %max3A_8 = arith.maximumf %sqrt3A, %max3A_7 : vector<1x8xf32>
    %div3A = vector.broadcast %max3A_8 : vector<1x8xf32> to vector<2048x8xf32>
    %div3A_9 = arith.divf %dot_general3A_5, %div3A : vector<2048x8xf32>
    %scan3A = arith.constant 0 : i32
    %scan3A_10 = arith.constant 23 : i32
    %scan3A_11 = arith.addi %scan3A, %scan3A_10 : i32
    %scan3A_12 = arith.constant 1 : i32
    %scan3A_13 = scf.for %scan3A_29 = %scan3A to %scan3A_11 step %scan3A_12 iter_args(%scan3A_30 = %div3A_9) -> (vector<2048x8xf32>)  : i32 {
      %get3A_31 = arith.constant 0 : index
      %get3A_32 = arith.constant 0 : index
      %get3A_33 = vector.load %arg0[%get3A_31, %get3A_32] : memref<2048x2048xf32, #tpu.memory_space<vmem>>, vector<2048x2048xf32>
      %dot_general3A_34 = arith.constant dense<0.000000e+00> : vector<2048x8xf32>
      %dot_general3A_35 = tpu.matmul %get3A_33, %scan3A_30, %dot_general3A_34 {dimension_numbers = #tpu.dot_dimension_numbers<[1], [0], [0], [1], [0, 0, 1, 1], [], []>, transpose_lhs_hint = false} : vector<2048x2048xf32>, vector<2048x8xf32>, vector<2048x8xf32> -> vector<2048x8xf32>
      %mul3A_36 = arith.mulf %dot_general3A_35, %dot_general3A_35 : vector<2048x8xf32>
      %reduce_sum3A_37 = arith.constant dense<0.000000e+00> : vector<8xf32>
      %reduce_sum3A_38 = vector.multi_reduction <add>, %mul3A_36, %reduce_sum3A_37 [0] : vector<2048x8xf32> to vector<8xf32>
      %broadcast_in_dim3A_39 = vector.shape_cast %reduce_sum3A_38 : vector<8xf32> to vector<1x8xf32>
      %sqrt3A_40 = math.sqrt %broadcast_in_dim3A_39 : vector<1x8xf32>
      %max3A_41 = arith.constant 1.000000e-30 : f32
      %max3A_42 = vector.broadcast %max3A_41 : f32 to vector<1x8xf32>
      %max3A_43 = arith.maximumf %sqrt3A_40, %max3A_42 : vector<1x8xf32>
      %div3A_44 = vector.broadcast %max3A_43 : vector<1x8xf32> to vector<2048x8xf32>
      %div3A_45 = arith.divf %dot_general3A_35, %div3A_44 : vector<2048x8xf32>
      scf.yield %div3A_45 : vector<2048x8xf32>
    }
    %get3A_14 = arith.constant 0 : index
    %get3A_15 = arith.constant 0 : index
    %get3A_16 = vector.load %arg0[%get3A_14, %get3A_15] : memref<2048x2048xf32, #tpu.memory_space<vmem>>, vector<2048x2048xf32>
    %dot_general3A_17 = arith.constant dense<0.000000e+00> : vector<2048x8xf32>
    %dot_general3A_18 = tpu.matmul %get3A_16, %scan3A_13, %dot_general3A_17 {dimension_numbers = #tpu.dot_dimension_numbers<[1], [0], [0], [1], [0, 0, 1, 1], [], []>, transpose_lhs_hint = false} : vector<2048x2048xf32>, vector<2048x8xf32>, vector<2048x8xf32> -> vector<2048x8xf32>
    %mul3A_19 = arith.mulf %dot_general3A_18, %dot_general3A_18 : vector<2048x8xf32>
    %reduce_sum3A_20 = arith.constant dense<0.000000e+00> : vector<8xf32>
    %reduce_sum3A_21 = vector.multi_reduction <add>, %mul3A_19, %reduce_sum3A_20 [0] : vector<2048x8xf32> to vector<8xf32>
    %sqrt3A_22 = math.sqrt %reduce_sum3A_21 : vector<8xf32>
    %reduce_max3A = vector.shape_cast %sqrt3A_22 : vector<8xf32> to vector<1x8xf32>
    %reduce_max3A_23 = arith.constant dense<0xFF800000> : vector<1xf32>
    %reduce_max3A_24 = vector.multi_reduction <maximumf>, %reduce_max3A, %reduce_max3A_23 [1] : vector<1x8xf32> to vector<1xf32>
    %reduce_max3A_25 = vector.shape_cast %reduce_max3A_24 : vector<1xf32> to vector<1x1xf32>
    %reduce_max3A_26 = vector.extract %reduce_max3A_25[0, 0] : f32 from vector<1x1xf32>
    %swap3A = arith.constant 0 : index
    %swap3A_27 = arith.constant 0 : index
    %swap3A_28 = memref.load %arg2[%swap3A, %swap3A_27] : memref<1x1xf32, #tpu.memory_space<smem>>
    memref.store %reduce_max3A_26, %arg2[%swap3A, %swap3A_27] : memref<1x1xf32, #tpu.memory_space<smem>>
    return
  }
}

module attributes {stable_mosaic.version = 14 : i64} {
  func.func @_stage1_kernel(%arg0: i32, %arg1: memref<2048x2048xf32, #tpu.memory_space<vmem>>, %arg2: memref<2048x128xf32, #tpu.memory_space<vmem>>, %arg3: memref<514x4xf32, #tpu.memory_space<smem>>, %arg4: memref<2048x512xf32, #tpu.memory_space<vmem>>, %arg5: memref<2048x128xf32, #tpu.memory_space<vmem>>, %arg6: memref<2048x128xf32, #tpu.memory_space<vmem>>) attributes {dimension_semantics = [#tpu.dimension_semantics<arbitrary>], iteration_bounds = array<i64: 1>, scalar_prefetch = 0 : i64, scratch_operands = 2 : i64, tpu.core_type = #tpu.core_type<tc>, window_params = [{pipeline_mode = #tpu.pipeline_mode<synchronous>, transform_indices = @transform_0, window_bounds = array<i64: 2048, 2048>}, {pipeline_mode = #tpu.pipeline_mode<synchronous>, transform_indices = @transform_1, window_bounds = array<i64: 2048, 128>}, {transform_indices = @transform_2, window_bounds = array<i64: 514, 4>}, {pipeline_mode = #tpu.pipeline_mode<synchronous>, transform_indices = @transform_3, window_bounds = array<i64: 2048, 512>}]} {
    %get3A = arith.constant 0 : index
    %get3A_0 = arith.constant 0 : index
    %get3A_1 = vector.load %arg2[%get3A, %get3A_0] : memref<2048x128xf32, #tpu.memory_space<vmem>>, vector<2048x128xf32>
    %swap3A = arith.constant 0 : index
    %swap3A_2 = arith.constant 0 : index
    %swap3A_3 = vector.load %arg5[%swap3A, %swap3A_2] : memref<2048x128xf32, #tpu.memory_space<vmem>>, vector<2048x128xf32>
    tpu.vector_store %arg5[%swap3A, %swap3A_2], %get3A_1 {strides = array<i32>} : memref<2048x128xf32, #tpu.memory_space<vmem>>, vector<2048x128xf32>,
    %get3A_4 = arith.constant 0 : index
    %get3A_5 = arith.constant 0 : index
    %get3A_6 = vector.load %arg1[%get3A_4, %get3A_5] : memref<2048x2048xf32, #tpu.memory_space<vmem>>, vector<2048x2048xf32>
    %dot_general3A = arith.constant dense<0.000000e+00> : vector<2048x128xf32>
    %dot_general3A_7 = tpu.matmul %get3A_6, %get3A_1, %dot_general3A {dimension_numbers = #tpu.dot_dimension_numbers<[1], [0], [0], [1], [0, 0, 1, 1], [], []>, transpose_lhs_hint = false} : vector<2048x2048xf32>, vector<2048x128xf32>, vector<2048x128xf32> -> vector<2048x128xf32>
    %swap3A_8 = arith.constant 0 : index
    %swap3A_9 = arith.constant 0 : index
    %swap3A_10 = vector.load %arg6[%swap3A_8, %swap3A_9] : memref<2048x128xf32, #tpu.memory_space<vmem>>, vector<2048x128xf32>
    tpu.vector_store %arg6[%swap3A_8, %swap3A_9], %dot_general3A_7 {strides = array<i32>} : memref<2048x128xf32, #tpu.memory_space<vmem>>, vector<2048x128xf32>,
    %get3A_11 = arith.constant 0 : index
    %get3A_12 = arith.constant 0 : index
    %get3A_13 = memref.load %arg3[%get3A_11, %get3A_12] : memref<514x4xf32, #tpu.memory_space<smem>>
    %get3A_14 = arith.constant 0 : index
    %get3A_15 = arith.constant 0 : index
    %get3A_16 = vector.load %arg5[%get3A_14, %get3A_15] : memref<2048x128xf32, #tpu.memory_space<vmem>>, vector<2048x128xf32>
    %mul3A = vector.broadcast %get3A_13 : f32 to vector<2048x128xf32>
    %mul3A_17 = arith.mulf %mul3A, %get3A_16 : vector<2048x128xf32>
    %get3A_18 = arith.constant 1 : index
    %get3A_19 = arith.constant 0 : index
    %get3A_20 = memref.load %arg3[%get3A_18, %get3A_19] : memref<514x4xf32, #tpu.memory_space<smem>>
    %get3A_21 = arith.constant 0 : index
    %get3A_22 = arith.constant 0 : index
    %get3A_23 = vector.load %arg6[%get3A_21, %get3A_22] : memref<2048x128xf32, #tpu.memory_space<vmem>>, vector<2048x128xf32>
    %mul3A_24 = vector.broadcast %get3A_20 : f32 to vector<2048x128xf32>
    %mul3A_25 = arith.mulf %mul3A_24, %get3A_23 : vector<2048x128xf32>
    %add3A = arith.addf %mul3A_17, %mul3A_25 : vector<2048x128xf32>
    %swap3A_26 = arith.constant 0 : index
    %swap3A_27 = arith.constant 0 : index
    %swap3A_28 = vector.load %arg4[%swap3A_26, %swap3A_27] : memref<2048x512xf32, #tpu.memory_space<vmem>>, vector<2048x128xf32>
    tpu.vector_store %arg4[%swap3A_26, %swap3A_27], %add3A {strides = array<i32>} : memref<2048x512xf32, #tpu.memory_space<vmem>>, vector<2048x128xf32>,
    %get3A_29 = arith.constant 0 : index
    %get3A_30 = arith.constant 1 : index
    %get3A_31 = memref.load %arg3[%get3A_29, %get3A_30] : memref<514x4xf32, #tpu.memory_space<smem>>
    %get3A_32 = arith.constant 0 : index
    %get3A_33 = arith.constant 0 : index
    %get3A_34 = vector.load %arg5[%get3A_32, %get3A_33] : memref<2048x128xf32, #tpu.memory_space<vmem>>, vector<2048x128xf32>
    %mul3A_35 = vector.broadcast %get3A_31 : f32 to vector<2048x128xf32>
    %mul3A_36 = arith.mulf %mul3A_35, %get3A_34 : vector<2048x128xf32>
    %get3A_37 = arith.constant 1 : index
    %get3A_38 = arith.constant 1 : index
    %get3A_39 = memref.load %arg3[%get3A_37, %get3A_38] : memref<514x4xf32, #tpu.memory_space<smem>>
    %get3A_40 = arith.constant 0 : index
    %get3A_41 = arith.constant 0 : index
    %get3A_42 = vector.load %arg6[%get3A_40, %get3A_41] : memref<2048x128xf32, #tpu.memory_space<vmem>>, vector<2048x128xf32>
    %mul3A_43 = vector.broadcast %get3A_39 : f32 to vector<2048x128xf32>
    %mul3A_44 = arith.mulf %mul3A_43, %get3A_42 : vector<2048x128xf32>
    %add3A_45 = arith.addf %mul3A_36, %mul3A_44 : vector<2048x128xf32>
    %swap3A_46 = arith.constant 0 : index
    %swap3A_47 = arith.constant 128 : index
    %swap3A_48 = vector.load %arg4[%swap3A_46, %swap3A_47] : memref<2048x512xf32, #tpu.memory_space<vmem>>, vector<2048x128xf32>
    tpu.vector_store %arg4[%swap3A_46, %swap3A_47], %add3A_45 {strides = array<i32>} : memref<2048x512xf32, #tpu.memory_space<vmem>>, vector<2048x128xf32>,
    %get3A_49 = arith.constant 0 : index
    %get3A_50 = arith.constant 2 : index
    %get3A_51 = memref.load %arg3[%get3A_49, %get3A_50] : memref<514x4xf32, #tpu.memory_space<smem>>
    %get3A_52 = arith.constant 0 : index
    %get3A_53 = arith.constant 0 : index
    %get3A_54 = vector.load %arg5[%get3A_52, %get3A_53] : memref<2048x128xf32, #tpu.memory_space<vmem>>, vector<2048x128xf32>
    %mul3A_55 = vector.broadcast %get3A_51 : f32 to vector<2048x128xf32>
    %mul3A_56 = arith.mulf %mul3A_55, %get3A_54 : vector<2048x128xf32>
    %get3A_57 = arith.constant 1 : index
    %get3A_58 = arith.constant 2 : index
    %get3A_59 = memref.load %arg3[%get3A_57, %get3A_58] : memref<514x4xf32, #tpu.memory_space<smem>>
    %get3A_60 = arith.constant 0 : index
    %get3A_61 = arith.constant 0 : index
    %get3A_62 = vector.load %arg6[%get3A_60, %get3A_61] : memref<2048x128xf32, #tpu.memory_space<vmem>>, vector<2048x128xf32>
    %mul3A_63 = vector.broadcast %get3A_59 : f32 to vector<2048x128xf32>
    %mul3A_64 = arith.mulf %mul3A_63, %get3A_62 : vector<2048x128xf32>
    %add3A_65 = arith.addf %mul3A_56, %mul3A_64 : vector<2048x128xf32>
    %swap3A_66 = arith.constant 0 : index
    %swap3A_67 = arith.constant 256 : index
    %swap3A_68 = vector.load %arg4[%swap3A_66, %swap3A_67] : memref<2048x512xf32, #tpu.memory_space<vmem>>, vector<2048x128xf32>
    tpu.vector_store %arg4[%swap3A_66, %swap3A_67], %add3A_65 {strides = array<i32>} : memref<2048x512xf32, #tpu.memory_space<vmem>>, vector<2048x128xf32>,
    %get3A_69 = arith.constant 0 : index
    %get3A_70 = arith.constant 3 : index
    %get3A_71 = memref.load %arg3[%get3A_69, %get3A_70] : memref<514x4xf32, #tpu.memory_space<smem>>
    %get3A_72 = arith.constant 0 : index
    %get3A_73 = arith.constant 0 : index
    %get3A_74 = vector.load %arg5[%get3A_72, %get3A_73] : memref<2048x128xf32, #tpu.memory_space<vmem>>, vector<2048x128xf32>
    %mul3A_75 = vector.broadcast %get3A_71 : f32 to vector<2048x128xf32>
    %mul3A_76 = arith.mulf %mul3A_75, %get3A_74 : vector<2048x128xf32>
    %get3A_77 = arith.constant 1 : index
    %get3A_78 = arith.constant 3 : index
    %get3A_79 = memref.load %arg3[%get3A_77, %get3A_78] : memref<514x4xf32, #tpu.memory_space<smem>>
    %get3A_80 = arith.constant 0 : index
    %get3A_81 = arith.constant 0 : index
    %get3A_82 = vector.load %arg6[%get3A_80, %get3A_81] : memref<2048x128xf32, #tpu.memory_space<vmem>>, vector<2048x128xf32>
    %mul3A_83 = vector.broadcast %get3A_79 : f32 to vector<2048x128xf32>
    %mul3A_84 = arith.mulf %mul3A_83, %get3A_82 : vector<2048x128xf32>
    %add3A_85 = arith.addf %mul3A_76, %mul3A_84 : vector<2048x128xf32>
    %swap3A_86 = arith.constant 0 : index
    %swap3A_87 = arith.constant 384 : index
    %swap3A_88 = vector.load %arg4[%swap3A_86, %swap3A_87] : memref<2048x512xf32, #tpu.memory_space<vmem>>, vector<2048x128xf32>
    tpu.vector_store %arg4[%swap3A_86, %swap3A_87], %add3A_85 {strides = array<i32>} : memref<2048x512xf32, #tpu.memory_space<vmem>>, vector<2048x128xf32>,
    %scan3A = arith.constant 1 : i32
    %scan3A_89 = arith.constant 256 : i32
    %scan3A_90 = arith.addi %scan3A, %scan3A_89 : i32
    %scan3A_91 = arith.constant 1 : i32
    scf.for %scan3A_120 = %scan3A to %scan3A_90 step %scan3A_91  : i32 {
      %get3A_121 = arith.constant 0 : index
      %get3A_122 = arith.constant 0 : index
      %get3A_123 = vector.load %arg6[%get3A_121, %get3A_122] : memref<2048x128xf32, #tpu.memory_space<vmem>>, vector<2048x128xf32>
      %get3A_124 = arith.constant 0 : index
      %get3A_125 = arith.constant 0 : index
      %get3A_126 = vector.load %arg1[%get3A_124, %get3A_125] : memref<2048x2048xf32, #tpu.memory_space<vmem>>, vector<2048x2048xf32>
      %dot_general3A_127 = arith.constant dense<0.000000e+00> : vector<2048x128xf32>
      %dot_general3A_128 = tpu.matmul %get3A_126, %get3A_123, %dot_general3A_127 {dimension_numbers = #tpu.dot_dimension_numbers<[1], [0], [0], [1], [0, 0, 1, 1], [], []>, transpose_lhs_hint = false} : vector<2048x2048xf32>, vector<2048x128xf32>, vector<2048x128xf32> -> vector<2048x128xf32>
      %mul3A_129 = arith.constant 2.000000e+00 : f32
      %mul3A_130 = vector.broadcast %mul3A_129 : f32 to vector<2048x128xf32>
      %mul3A_131 = arith.mulf %mul3A_130, %dot_general3A_128 : vector<2048x128xf32>
      %get3A_132 = arith.constant 0 : index
      %get3A_133 = arith.constant 0 : index
      %get3A_134 = vector.load %arg5[%get3A_132, %get3A_133] : memref<2048x128xf32, #tpu.memory_space<vmem>>, vector<2048x128xf32>
      %sub3A = arith.subf %mul3A_131, %get3A_134 : vector<2048x128xf32>
      %swap3A_135 = arith.constant 0 : index
      %swap3A_136 = arith.constant 0 : index
      %swap3A_137 = vector.load %arg5[%swap3A_135, %swap3A_136] : memref<2048x128xf32, #tpu.memory_space<vmem>>, vector<2048x128xf32>
      tpu.vector_store %arg5[%swap3A_135, %swap3A_136], %sub3A {strides = array<i32>} : memref<2048x128xf32, #tpu.memory_space<vmem>>, vector<2048x128xf32>,
      %mul3A_138 = arith.constant 2 : i32
      %mul3A_139 = arith.muli %mul3A_138, %scan3A_120 : i32
      %get3A_140 = arith.index_cast %mul3A_139 : i32 to index
      %get3A_141 = arith.constant 0 : index
      %get3A_142 = memref.load %arg3[%get3A_140, %get3A_141] : memref<514x4xf32, #tpu.memory_space<smem>>
      %get3A_143 = arith.constant 0 : index
      %get3A_144 = arith.constant 0 : index
      %get3A_145 = vector.load %arg5[%get3A_143, %get3A_144] : memref<2048x128xf32, #tpu.memory_space<vmem>>, vector<2048x128xf32>
      %mul3A_146 = vector.broadcast %get3A_142 : f32 to vector<2048x128xf32>
      %mul3A_147 = arith.mulf %mul3A_146, %get3A_145 : vector<2048x128xf32>
      %get3A_148 = arith.constant 0 : index
      %get3A_149 = arith.constant 0 : index
      %get3A_150 = vector.load %arg4[%get3A_148, %get3A_149] : memref<2048x512xf32, #tpu.memory_space<vmem>>, vector<2048x128xf32>
      %add3A_151 = arith.addf %get3A_150, %mul3A_147 : vector<2048x128xf32>
      %swap3A_152 = arith.constant 0 : index
      %swap3A_153 = arith.constant 0 : index
      %swap3A_154 = vector.load %arg4[%swap3A_152, %swap3A_153] : memref<2048x512xf32, #tpu.memory_space<vmem>>, vector<2048x128xf32>
      tpu.vector_store %arg4[%swap3A_152, %swap3A_153], %add3A_151 {strides = array<i32>} : memref<2048x512xf32, #tpu.memory_space<vmem>>, vector<2048x128xf32>,
      %mul3A_155 = arith.constant 2 : i32
      %mul3A_156 = arith.muli %mul3A_155, %scan3A_120 : i32
      %get3A_157 = arith.index_cast %mul3A_156 : i32 to index
      %get3A_158 = arith.constant 1 : index
      %get3A_159 = memref.load %arg3[%get3A_157, %get3A_158] : memref<514x4xf32, #tpu.memory_space<smem>>
      %get3A_160 = arith.constant 0 : index
      %get3A_161 = arith.constant 0 : index
      %get3A_162 = vector.load %arg5[%get3A_160, %get3A_161] : memref<2048x128xf32, #tpu.memory_space<vmem>>, vector<2048x128xf32>
      %mul3A_163 = vector.broadcast %get3A_159 : f32 to vector<2048x128xf32>
      %mul3A_164 = arith.mulf %mul3A_163, %get3A_162 : vector<2048x128xf32>
      %get3A_165 = arith.constant 0 : index
      %get3A_166 = arith.constant 128 : index
      %get3A_167 = vector.load %arg4[%get3A_165, %get3A_166] : memref<2048x512xf32, #tpu.memory_space<vmem>>, vector<2048x128xf32>
      %add3A_168 = arith.addf %get3A_167, %mul3A_164 : vector<2048x128xf32>
      %swap3A_169 = arith.constant 0 : index
      %swap3A_170 = arith.constant 128 : index
      %swap3A_171 = vector.load %arg4[%swap3A_169, %swap3A_170] : memref<2048x512xf32, #tpu.memory_space<vmem>>, vector<2048x128xf32>
      tpu.vector_store %arg4[%swap3A_169, %swap3A_170], %add3A_168 {strides = array<i32>} : memref<2048x512xf32, #tpu.memory_space<vmem>>, vector<2048x128xf32>,
      %mul3A_172 = arith.constant 2 : i32
      %mul3A_173 = arith.muli %mul3A_172, %scan3A_120 : i32
      %get3A_174 = arith.index_cast %mul3A_173 : i32 to index
      %get3A_175 = arith.constant 2 : index
      %get3A_176 = memref.load %arg3[%get3A_174, %get3A_175] : memref<514x4xf32, #tpu.memory_space<smem>>
      %get3A_177 = arith.constant 0 : index
      %get3A_178 = arith.constant 0 : index
      %get3A_179 = vector.load %arg5[%get3A_177, %get3A_178] : memref<2048x128xf32, #tpu.memory_space<vmem>>, vector<2048x128xf32>
      %mul3A_180 = vector.broadcast %get3A_176 : f32 to vector<2048x128xf32>
      %mul3A_181 = arith.mulf %mul3A_180, %get3A_179 : vector<2048x128xf32>
      %get3A_182 = arith.constant 0 : index
      %get3A_183 = arith.constant 256 : index
      %get3A_184 = vector.load %arg4[%get3A_182, %get3A_183] : memref<2048x512xf32, #tpu.memory_space<vmem>>, vector<2048x128xf32>
      %add3A_185 = arith.addf %get3A_184, %mul3A_181 : vector<2048x128xf32>
      %swap3A_186 = arith.constant 0 : index
      %swap3A_187 = arith.constant 256 : index
      %swap3A_188 = vector.load %arg4[%swap3A_186, %swap3A_187] : memref<2048x512xf32, #tpu.memory_space<vmem>>, vector<2048x128xf32>
      tpu.vector_store %arg4[%swap3A_186, %swap3A_187], %add3A_185 {strides = array<i32>} : memref<2048x512xf32, #tpu.memory_space<vmem>>, vector<2048x128xf32>,
      %mul3A_189 = arith.constant 2 : i32
      %mul3A_190 = arith.muli %mul3A_189, %scan3A_120 : i32
      %get3A_191 = arith.index_cast %mul3A_190 : i32 to index
      %get3A_192 = arith.constant 3 : index
      %get3A_193 = memref.load %arg3[%get3A_191, %get3A_192] : memref<514x4xf32, #tpu.memory_space<smem>>
      %get3A_194 = arith.constant 0 : index
      %get3A_195 = arith.constant 0 : index
      %get3A_196 = vector.load %arg5[%get3A_194, %get3A_195] : memref<2048x128xf32, #tpu.memory_space<vmem>>, vector<2048x128xf32>
      %mul3A_197 = vector.broadcast %get3A_193 : f32 to vector<2048x128xf32>
      %mul3A_198 = arith.mulf %mul3A_197, %get3A_196 : vector<2048x128xf32>
      %get3A_199 = arith.constant 0 : index
      %get3A_200 = arith.constant 384 : index
      %get3A_201 = vector.load %arg4[%get3A_199, %get3A_200] : memref<2048x512xf32, #tpu.memory_space<vmem>>, vector<2048x128xf32>
      %add3A_202 = arith.addf %get3A_201, %mul3A_198 : vector<2048x128xf32>
      %swap3A_203 = arith.constant 0 : index
      %swap3A_204 = arith.constant 384 : index
      %swap3A_205 = vector.load %arg4[%swap3A_203, %swap3A_204] : memref<2048x512xf32, #tpu.memory_space<vmem>>, vector<2048x128xf32>
      tpu.vector_store %arg4[%swap3A_203, %swap3A_204], %add3A_202 {strides = array<i32>} : memref<2048x512xf32, #tpu.memory_space<vmem>>, vector<2048x128xf32>,
      %get3A_206 = arith.constant 0 : index
      %get3A_207 = arith.constant 0 : index
      %get3A_208 = vector.load %arg5[%get3A_206, %get3A_207] : memref<2048x128xf32, #tpu.memory_space<vmem>>, vector<2048x128xf32>
      %get3A_209 = arith.constant 0 : index
      %get3A_210 = arith.constant 0 : index
      %get3A_211 = vector.load %arg1[%get3A_209, %get3A_210] : memref<2048x2048xf32, #tpu.memory_space<vmem>>, vector<2048x2048xf32>
      %dot_general3A_212 = arith.constant dense<0.000000e+00> : vector<2048x128xf32>
      %dot_general3A_213 = tpu.matmul %get3A_211, %get3A_208, %dot_general3A_212 {dimension_numbers = #tpu.dot_dimension_numbers<[1], [0], [0], [1], [0, 0, 1, 1], [], []>, transpose_lhs_hint = false} : vector<2048x2048xf32>, vector<2048x128xf32>, vector<2048x128xf32> -> vector<2048x128xf32>
      %mul3A_214 = arith.constant 2.000000e+00 : f32
      %mul3A_215 = vector.broadcast %mul3A_214 : f32 to vector<2048x128xf32>
      %mul3A_216 = arith.mulf %mul3A_215, %dot_general3A_213 : vector<2048x128xf32>
      %get3A_217 = arith.constant 0 : index
      %get3A_218 = arith.constant 0 : index
      %get3A_219 = vector.load %arg6[%get3A_217, %get3A_218] : memref<2048x128xf32, #tpu.memory_space<vmem>>, vector<2048x128xf32>
      %sub3A_220 = arith.subf %mul3A_216, %get3A_219 : vector<2048x128xf32>
      %swap3A_221 = arith.constant 0 : index
      %swap3A_222 = arith.constant 0 : index
      %swap3A_223 = vector.load %arg6[%swap3A_221, %swap3A_222] : memref<2048x128xf32, #tpu.memory_space<vmem>>, vector<2048x128xf32>
      tpu.vector_store %arg6[%swap3A_221, %swap3A_222], %sub3A_220 {strides = array<i32>} : memref<2048x128xf32, #tpu.memory_space<vmem>>, vector<2048x128xf32>,
      %mul3A_224 = arith.constant 2 : i32
      %mul3A_225 = arith.muli %mul3A_224, %scan3A_120 : i32
      %add3A_226 = arith.constant 1 : i32
      %add3A_227 = arith.addi %mul3A_225, %add3A_226 : i32
      %get3A_228 = arith.index_cast %add3A_227 : i32 to index
      %get3A_229 = arith.constant 0 : index
      %get3A_230 = memref.load %arg3[%get3A_228, %get3A_229] : memref<514x4xf32, #tpu.memory_space<smem>>
      %get3A_231 = arith.constant 0 : index
      %get3A_232 = arith.constant 0 : index
      %get3A_233 = vector.load %arg6[%get3A_231, %get3A_232] : memref<2048x128xf32, #tpu.memory_space<vmem>>, vector<2048x128xf32>
      %mul3A_234 = vector.broadcast %get3A_230 : f32 to vector<2048x128xf32>
      %mul3A_235 = arith.mulf %mul3A_234, %get3A_233 : vector<2048x128xf32>
      %get3A_236 = arith.constant 0 : index
      %get3A_237 = arith.constant 0 : index
      %get3A_238 = vector.load %arg4[%get3A_236, %get3A_237] : memref<2048x512xf32, #tpu.memory_space<vmem>>, vector<2048x128xf32>
      %add3A_239 = arith.addf %get3A_238, %mul3A_235 : vector<2048x128xf32>
      %swap3A_240 = arith.constant 0 : index
      %swap3A_241 = arith.constant 0 : index
      %swap3A_242 = vector.load %arg4[%swap3A_240, %swap3A_241] : memref<2048x512xf32, #tpu.memory_space<vmem>>, vector<2048x128xf32>
      tpu.vector_store %arg4[%swap3A_240, %swap3A_241], %add3A_239 {strides = array<i32>} : memref<2048x512xf32, #tpu.memory_space<vmem>>, vector<2048x128xf32>,
      %mul3A_243 = arith.constant 2 : i32
      %mul3A_244 = arith.muli %mul3A_243, %scan3A_120 : i32
      %add3A_245 = arith.constant 1 : i32
      %add3A_246 = arith.addi %mul3A_244, %add3A_245 : i32
      %get3A_247 = arith.index_cast %add3A_246 : i32 to index
      %get3A_248 = arith.constant 1 : index
      %get3A_249 = memref.load %arg3[%get3A_247, %get3A_248] : memref<514x4xf32, #tpu.memory_space<smem>>
      %get3A_250 = arith.constant 0 : index
      %get3A_251 = arith.constant 0 : index
      %get3A_252 = vector.load %arg6[%get3A_250, %get3A_251] : memref<2048x128xf32, #tpu.memory_space<vmem>>, vector<2048x128xf32>
      %mul3A_253 = vector.broadcast %get3A_249 : f32 to vector<2048x128xf32>
      %mul3A_254 = arith.mulf %mul3A_253, %get3A_252 : vector<2048x128xf32>
      %get3A_255 = arith.constant 0 : index
      %get3A_256 = arith.constant 128 : index
      %get3A_257 = vector.load %arg4[%get3A_255, %get3A_256] : memref<2048x512xf32, #tpu.memory_space<vmem>>, vector<2048x128xf32>
      %add3A_258 = arith.addf %get3A_257, %mul3A_254 : vector<2048x128xf32>
      %swap3A_259 = arith.constant 0 : index
      %swap3A_260 = arith.constant 128 : index
      %swap3A_261 = vector.load %arg4[%swap3A_259, %swap3A_260] : memref<2048x512xf32, #tpu.memory_space<vmem>>, vector<2048x128xf32>
      tpu.vector_store %arg4[%swap3A_259, %swap3A_260], %add3A_258 {strides = array<i32>} : memref<2048x512xf32, #tpu.memory_space<vmem>>, vector<2048x128xf32>,
      %mul3A_262 = arith.constant 2 : i32
      %mul3A_263 = arith.muli %mul3A_262, %scan3A_120 : i32
      %add3A_264 = arith.constant 1 : i32
      %add3A_265 = arith.addi %mul3A_263, %add3A_264 : i32
      %get3A_266 = arith.index_cast %add3A_265 : i32 to index
      %get3A_267 = arith.constant 2 : index
      %get3A_268 = memref.load %arg3[%get3A_266, %get3A_267] : memref<514x4xf32, #tpu.memory_space<smem>>
      %get3A_269 = arith.constant 0 : index
      %get3A_270 = arith.constant 0 : index
      %get3A_271 = vector.load %arg6[%get3A_269, %get3A_270] : memref<2048x128xf32, #tpu.memory_space<vmem>>, vector<2048x128xf32>
      %mul3A_272 = vector.broadcast %get3A_268 : f32 to vector<2048x128xf32>
      %mul3A_273 = arith.mulf %mul3A_272, %get3A_271 : vector<2048x128xf32>
      %get3A_274 = arith.constant 0 : index
      %get3A_275 = arith.constant 256 : index
      %get3A_276 = vector.load %arg4[%get3A_274, %get3A_275] : memref<2048x512xf32, #tpu.memory_space<vmem>>, vector<2048x128xf32>
      %add3A_277 = arith.addf %get3A_276, %mul3A_273 : vector<2048x128xf32>
      %swap3A_278 = arith.constant 0 : index
      %swap3A_279 = arith.constant 256 : index
      %swap3A_280 = vector.load %arg4[%swap3A_278, %swap3A_279] : memref<2048x512xf32, #tpu.memory_space<vmem>>, vector<2048x128xf32>
      tpu.vector_store %arg4[%swap3A_278, %swap3A_279], %add3A_277 {strides = array<i32>} : memref<2048x512xf32, #tpu.memory_space<vmem>>, vector<2048x128xf32>,
      %mul3A_281 = arith.constant 2 : i32
      %mul3A_282 = arith.muli %mul3A_281, %scan3A_120 : i32
      %add3A_283 = arith.constant 1 : i32
      %add3A_284 = arith.addi %mul3A_282, %add3A_283 : i32
      %get3A_285 = arith.index_cast %add3A_284 : i32 to index
      %get3A_286 = arith.constant 3 : index
      %get3A_287 = memref.load %arg3[%get3A_285, %get3A_286] : memref<514x4xf32, #tpu.memory_space<smem>>
      %get3A_288 = arith.constant 0 : index
      %get3A_289 = arith.constant 0 : index
      %get3A_290 = vector.load %arg6[%get3A_288, %get3A_289] : memref<2048x128xf32, #tpu.memory_space<vmem>>, vector<2048x128xf32>
      %mul3A_291 = vector.broadcast %get3A_287 : f32 to vector<2048x128xf32>
      %mul3A_292 = arith.mulf %mul3A_291, %get3A_290 : vector<2048x128xf32>
      %get3A_293 = arith.constant 0 : index
      %get3A_294 = arith.constant 384 : index
      %get3A_295 = vector.load %arg4[%get3A_293, %get3A_294] : memref<2048x512xf32, #tpu.memory_space<vmem>>, vector<2048x128xf32>
      %add3A_296 = arith.addf %get3A_295, %mul3A_292 : vector<2048x128xf32>
      %swap3A_297 = arith.constant 0 : index
      %swap3A_298 = arith.constant 384 : index
      %swap3A_299 = vector.load %arg4[%swap3A_297, %swap3A_298] : memref<2048x512xf32, #tpu.memory_space<vmem>>, vector<2048x128xf32>
      tpu.vector_store %arg4[%swap3A_297, %swap3A_298], %add3A_296 {strides = array<i32>} : memref<2048x512xf32, #tpu.memory_space<vmem>>, vector<2048x128xf32>,
    }
    %scan3A_92 = arith.constant 256 : i32
    %get3A_93 = arith.constant 0 : index
    %get3A_94 = arith.constant 0 : index
    %get3A_95 = vector.load %arg4[%get3A_93, %get3A_94] : memref<2048x512xf32, #tpu.memory_space<vmem>>, vector<2048x128xf32>
    %abs3A = math.absf %get3A_95 : vector<2048x128xf32>
    %swap3A_96 = arith.constant 0 : index
    %swap3A_97 = arith.constant 0 : index
    %swap3A_98 = vector.load %arg4[%swap3A_96, %swap3A_97] : memref<2048x512xf32, #tpu.memory_space<vmem>>, vector<2048x128xf32>
    tpu.vector_store %arg4[%swap3A_96, %swap3A_97], %abs3A {strides = array<i32>} : memref<2048x512xf32, #tpu.memory_space<vmem>>, vector<2048x128xf32>,
    %get3A_99 = arith.constant 0 : index
    %get3A_100 = arith.constant 128 : index
    %get3A_101 = vector.load %arg4[%get3A_99, %get3A_100] : memref<2048x512xf32, #tpu.memory_space<vmem>>, vector<2048x128xf32>
    %abs3A_102 = math.absf %get3A_101 : vector<2048x128xf32>
    %swap3A_103 = arith.constant 0 : index
    %swap3A_104 = arith.constant 128 : index
    %swap3A_105 = vector.load %arg4[%swap3A_103, %swap3A_104] : memref<2048x512xf32, #tpu.memory_space<vmem>>, vector<2048x128xf32>
    tpu.vector_store %arg4[%swap3A_103, %swap3A_104], %abs3A_102 {strides = array<i32>} : memref<2048x512xf32, #tpu.memory_space<vmem>>, vector<2048x128xf32>,
    %get3A_106 = arith.constant 0 : index
    %get3A_107 = arith.constant 256 : index
    %get3A_108 = vector.load %arg4[%get3A_106, %get3A_107] : memref<2048x512xf32, #tpu.memory_space<vmem>>, vector<2048x128xf32>
    %abs3A_109 = math.absf %get3A_108 : vector<2048x128xf32>
    %swap3A_110 = arith.constant 0 : index
    %swap3A_111 = arith.constant 256 : index
    %swap3A_112 = vector.load %arg4[%swap3A_110, %swap3A_111] : memref<2048x512xf32, #tpu.memory_space<vmem>>, vector<2048x128xf32>
    tpu.vector_store %arg4[%swap3A_110, %swap3A_111], %abs3A_109 {strides = array<i32>} : memref<2048x512xf32, #tpu.memory_space<vmem>>, vector<2048x128xf32>,
    %get3A_113 = arith.constant 0 : index
    %get3A_114 = arith.constant 384 : index
    %get3A_115 = vector.load %arg4[%get3A_113, %get3A_114] : memref<2048x512xf32, #tpu.memory_space<vmem>>, vector<2048x128xf32>
    %abs3A_116 = math.absf %get3A_115 : vector<2048x128xf32>
    %swap3A_117 = arith.constant 0 : index
    %swap3A_118 = arith.constant 384 : index
    %swap3A_119 = vector.load %arg4[%swap3A_117, %swap3A_118] : memref<2048x512xf32, #tpu.memory_space<vmem>>, vector<2048x128xf32>
    tpu.vector_store %arg4[%swap3A_117, %swap3A_118], %abs3A_116 {strides = array<i32>} : memref<2048x512xf32, #tpu.memory_space<vmem>>, vector<2048x128xf32>,
    return
  }
  func.func @transform_0(%arg0: i32) -> (i32, i32) {
    %c0_i32 = arith.constant 0 : i32
    %c0_i32_0 = arith.constant 0 : i32
    %c0_i32_1 = arith.constant 0 : i32
    return %c0_i32, %c0_i32_0 : i32, i32
  }
  func.func @transform_1(%arg0: i32) -> (i32, i32) {
    %c0_i32 = arith.constant 0 : i32
    %c0_i32_0 = arith.constant 0 : i32
    %c0_i32_1 = arith.constant 0 : i32
    return %c0_i32, %c0_i32_0 : i32, i32
  }
  func.func @transform_2(%arg0: i32) -> (i32, i32) {
    %c0_i32 = arith.constant 0 : i32
    %c0_i32_0 = arith.constant 0 : i32
    %c0_i32_1 = arith.constant 0 : i32
    return %c0_i32, %c0_i32_0 : i32, i32
  }
  func.func @transform_3(%arg0: i32) -> (i32, i32) {
    %c0_i32 = arith.constant 0 : i32
    %c0_i32_0 = arith.constant 0 : i32
    %c0_i32_1 = arith.constant 0 : i32
    return %c0_i32, %c0_i32_0 : i32, i32
  }
}

module attributes {stable_mosaic.version = 14 : i64} {
  func.func @_stage2_kernel(%arg0: i32, %arg1: memref<2048x2048xf32, #tpu.memory_space<vmem>>, %arg2: memref<2048x128xf32, #tpu.memory_space<vmem>>, %arg3: memref<514x4xf32, #tpu.memory_space<smem>>, %arg4: memref<4x2048x128xf32, #tpu.memory_space<vmem>>, %arg5: memref<2048x128xf32, #tpu.memory_space<vmem>>, %arg6: memref<2048x128xf32, #tpu.memory_space<vmem>>) attributes {dimension_semantics = [#tpu.dimension_semantics<arbitrary>], iteration_bounds = array<i64: 4>, scalar_prefetch = 0 : i64, scratch_operands = 2 : i64, tpu.core_type = #tpu.core_type<tc>, window_params = [{pipeline_mode = #tpu.pipeline_mode<synchronous>, transform_indices = @transform_0, window_bounds = array<i64: 2048, 2048>}, {transform_indices = @transform_1, window_bounds = array<i64: 2048, 128>}, {transform_indices = @transform_2, window_bounds = array<i64: 514, 4>}, {transform_indices = @transform_3, window_bounds = array<i64: 4, 2048, 128>}]} {
    %get3A = arith.constant 0 : index
    %get3A_0 = arith.constant 0 : index
    %get3A_1 = vector.load %arg2[%get3A, %get3A_0] : memref<2048x128xf32, #tpu.memory_space<vmem>>, vector<2048x128xf32>
    %swap3A = arith.constant 0 : index
    %swap3A_2 = arith.constant 0 : index
    %swap3A_3 = vector.load %arg5[%swap3A, %swap3A_2] : memref<2048x128xf32, #tpu.memory_space<vmem>>, vector<2048x128xf32>
    tpu.vector_store %arg5[%swap3A, %swap3A_2], %get3A_1 {strides = array<i32>} : memref<2048x128xf32, #tpu.memory_space<vmem>>, vector<2048x128xf32>,
    %get3A_4 = arith.constant 0 : index
    %get3A_5 = arith.constant 0 : index
    %get3A_6 = vector.load %arg1[%get3A_4, %get3A_5] : memref<2048x2048xf32, #tpu.memory_space<vmem>>, vector<2048x2048xf32>
    %dot_general3A = arith.constant dense<0.000000e+00> : vector<2048x128xf32>
    %dot_general3A_7 = tpu.matmul %get3A_6, %get3A_1, %dot_general3A {dimension_numbers = #tpu.dot_dimension_numbers<[1], [0], [0], [1], [0, 0, 1, 1], [], []>, transpose_lhs_hint = false} : vector<2048x2048xf32>, vector<2048x128xf32>, vector<2048x128xf32> -> vector<2048x128xf32>
    %swap3A_8 = arith.constant 0 : index
    %swap3A_9 = arith.constant 0 : index
    %swap3A_10 = vector.load %arg6[%swap3A_8, %swap3A_9] : memref<2048x128xf32, #tpu.memory_space<vmem>>, vector<2048x128xf32>
    tpu.vector_store %arg6[%swap3A_8, %swap3A_9], %dot_general3A_7 {strides = array<i32>} : memref<2048x128xf32, #tpu.memory_space<vmem>>, vector<2048x128xf32>,
    %get3A_11 = arith.constant 0 : index
    %get3A_12 = arith.constant 0 : index
    %get3A_13 = memref.load %arg3[%get3A_11, %get3A_12] : memref<514x4xf32, #tpu.memory_space<smem>>
    %get3A_14 = arith.constant 0 : index
    %get3A_15 = arith.constant 0 : index
    %get3A_16 = vector.load %arg5[%get3A_14, %get3A_15] : memref<2048x128xf32, #tpu.memory_space<vmem>>, vector<2048x128xf32>
    %mul3A = vector.broadcast %get3A_13 : f32 to vector<2048x128xf32>
    %mul3A_17 = arith.mulf %mul3A, %get3A_16 : vector<2048x128xf32>
    %get3A_18 = arith.constant 1 : index
    %get3A_19 = arith.constant 0 : index
    %get3A_20 = memref.load %arg3[%get3A_18, %get3A_19] : memref<514x4xf32, #tpu.memory_space<smem>>
    %get3A_21 = arith.constant 0 : index
    %get3A_22 = arith.constant 0 : index
    %get3A_23 = vector.load %arg6[%get3A_21, %get3A_22] : memref<2048x128xf32, #tpu.memory_space<vmem>>, vector<2048x128xf32>
    %mul3A_24 = vector.broadcast %get3A_20 : f32 to vector<2048x128xf32>
    %mul3A_25 = arith.mulf %mul3A_24, %get3A_23 : vector<2048x128xf32>
    %add3A = arith.addf %mul3A_17, %mul3A_25 : vector<2048x128xf32>
    %swap3A_26 = arith.constant 0 : index
    %swap3A_27 = arith.constant 0 : index
    %swap3A_28 = arith.constant 0 : index
    %swap3A_29 = vector.load %arg4[%swap3A_26, %swap3A_27, %swap3A_28] : memref<4x2048x128xf32, #tpu.memory_space<vmem>>, vector<1x2048x128xf32>
    %swap3A_30 = vector.shape_cast %swap3A_29 : vector<1x2048x128xf32> to vector<2048x128xf32>
    %swap3A_31 = vector.shape_cast %add3A : vector<2048x128xf32> to vector<1x2048x128xf32>
    tpu.vector_store %arg4[%swap3A_26, %swap3A_27, %swap3A_28], %swap3A_31 {strides = array<i32>} : memref<4x2048x128xf32, #tpu.memory_space<vmem>>, vector<1x2048x128xf32>,
    %get3A_32 = arith.constant 0 : index
    %get3A_33 = arith.constant 1 : index
    %get3A_34 = memref.load %arg3[%get3A_32, %get3A_33] : memref<514x4xf32, #tpu.memory_space<smem>>
    %get3A_35 = arith.constant 0 : index
    %get3A_36 = arith.constant 0 : index
    %get3A_37 = vector.load %arg5[%get3A_35, %get3A_36] : memref<2048x128xf32, #tpu.memory_space<vmem>>, vector<2048x128xf32>
    %mul3A_38 = vector.broadcast %get3A_34 : f32 to vector<2048x128xf32>
    %mul3A_39 = arith.mulf %mul3A_38, %get3A_37 : vector<2048x128xf32>
    %get3A_40 = arith.constant 1 : index
    %get3A_41 = arith.constant 1 : index
    %get3A_42 = memref.load %arg3[%get3A_40, %get3A_41] : memref<514x4xf32, #tpu.memory_space<smem>>
    %get3A_43 = arith.constant 0 : index
    %get3A_44 = arith.constant 0 : index
    %get3A_45 = vector.load %arg6[%get3A_43, %get3A_44] : memref<2048x128xf32, #tpu.memory_space<vmem>>, vector<2048x128xf32>
    %mul3A_46 = vector.broadcast %get3A_42 : f32 to vector<2048x128xf32>
    %mul3A_47 = arith.mulf %mul3A_46, %get3A_45 : vector<2048x128xf32>
    %add3A_48 = arith.addf %mul3A_39, %mul3A_47 : vector<2048x128xf32>
    %swap3A_49 = arith.constant 1 : index
    %swap3A_50 = arith.constant 0 : index
    %swap3A_51 = arith.constant 0 : index
    %swap3A_52 = vector.load %arg4[%swap3A_49, %swap3A_50, %swap3A_51] : memref<4x2048x128xf32, #tpu.memory_space<vmem>>, vector<1x2048x128xf32>
    %swap3A_53 = vector.shape_cast %swap3A_52 : vector<1x2048x128xf32> to vector<2048x128xf32>
    %swap3A_54 = vector.shape_cast %add3A_48 : vector<2048x128xf32> to vector<1x2048x128xf32>
    tpu.vector_store %arg4[%swap3A_49, %swap3A_50, %swap3A_51], %swap3A_54 {strides = array<i32>} : memref<4x2048x128xf32, #tpu.memory_space<vmem>>, vector<1x2048x128xf32>,
    %get3A_55 = arith.constant 0 : index
    %get3A_56 = arith.constant 2 : index
    %get3A_57 = memref.load %arg3[%get3A_55, %get3A_56] : memref<514x4xf32, #tpu.memory_space<smem>>
    %get3A_58 = arith.constant 0 : index
    %get3A_59 = arith.constant 0 : index
    %get3A_60 = vector.load %arg5[%get3A_58, %get3A_59] : memref<2048x128xf32, #tpu.memory_space<vmem>>, vector<2048x128xf32>
    %mul3A_61 = vector.broadcast %get3A_57 : f32 to vector<2048x128xf32>
    %mul3A_62 = arith.mulf %mul3A_61, %get3A_60 : vector<2048x128xf32>
    %get3A_63 = arith.constant 1 : index
    %get3A_64 = arith.constant 2 : index
    %get3A_65 = memref.load %arg3[%get3A_63, %get3A_64] : memref<514x4xf32, #tpu.memory_space<smem>>
    %get3A_66 = arith.constant 0 : index
    %get3A_67 = arith.constant 0 : index
    %get3A_68 = vector.load %arg6[%get3A_66, %get3A_67] : memref<2048x128xf32, #tpu.memory_space<vmem>>, vector<2048x128xf32>
    %mul3A_69 = vector.broadcast %get3A_65 : f32 to vector<2048x128xf32>
    %mul3A_70 = arith.mulf %mul3A_69, %get3A_68 : vector<2048x128xf32>
    %add3A_71 = arith.addf %mul3A_62, %mul3A_70 : vector<2048x128xf32>
    %swap3A_72 = arith.constant 2 : index
    %swap3A_73 = arith.constant 0 : index
    %swap3A_74 = arith.constant 0 : index
    %swap3A_75 = vector.load %arg4[%swap3A_72, %swap3A_73, %swap3A_74] : memref<4x2048x128xf32, #tpu.memory_space<vmem>>, vector<1x2048x128xf32>
    %swap3A_76 = vector.shape_cast %swap3A_75 : vector<1x2048x128xf32> to vector<2048x128xf32>
    %swap3A_77 = vector.shape_cast %add3A_71 : vector<2048x128xf32> to vector<1x2048x128xf32>
    tpu.vector_store %arg4[%swap3A_72, %swap3A_73, %swap3A_74], %swap3A_77 {strides = array<i32>} : memref<4x2048x128xf32, #tpu.memory_space<vmem>>, vector<1x2048x128xf32>,
    %get3A_78 = arith.constant 0 : index
    %get3A_79 = arith.constant 3 : index
    %get3A_80 = memref.load %arg3[%get3A_78, %get3A_79] : memref<514x4xf32, #tpu.memory_space<smem>>
    %get3A_81 = arith.constant 0 : index
    %get3A_82 = arith.constant 0 : index
    %get3A_83 = vector.load %arg5[%get3A_81, %get3A_82] : memref<2048x128xf32, #tpu.memory_space<vmem>>, vector<2048x128xf32>
    %mul3A_84 = vector.broadcast %get3A_80 : f32 to vector<2048x128xf32>
    %mul3A_85 = arith.mulf %mul3A_84, %get3A_83 : vector<2048x128xf32>
    %get3A_86 = arith.constant 1 : index
    %get3A_87 = arith.constant 3 : index
    %get3A_88 = memref.load %arg3[%get3A_86, %get3A_87] : memref<514x4xf32, #tpu.memory_space<smem>>
    %get3A_89 = arith.constant 0 : index
    %get3A_90 = arith.constant 0 : index
    %get3A_91 = vector.load %arg6[%get3A_89, %get3A_90] : memref<2048x128xf32, #tpu.memory_space<vmem>>, vector<2048x128xf32>
    %mul3A_92 = vector.broadcast %get3A_88 : f32 to vector<2048x128xf32>
    %mul3A_93 = arith.mulf %mul3A_92, %get3A_91 : vector<2048x128xf32>
    %add3A_94 = arith.addf %mul3A_85, %mul3A_93 : vector<2048x128xf32>
    %swap3A_95 = arith.constant 3 : index
    %swap3A_96 = arith.constant 0 : index
    %swap3A_97 = arith.constant 0 : index
    %swap3A_98 = vector.load %arg4[%swap3A_95, %swap3A_96, %swap3A_97] : memref<4x2048x128xf32, #tpu.memory_space<vmem>>, vector<1x2048x128xf32>
    %swap3A_99 = vector.shape_cast %swap3A_98 : vector<1x2048x128xf32> to vector<2048x128xf32>
    %swap3A_100 = vector.shape_cast %add3A_94 : vector<2048x128xf32> to vector<1x2048x128xf32>
    tpu.vector_store %arg4[%swap3A_95, %swap3A_96, %swap3A_97], %swap3A_100 {strides = array<i32>} : memref<4x2048x128xf32, #tpu.memory_space<vmem>>, vector<1x2048x128xf32>,
    %scan3A = arith.constant 1 : i32
    %scan3A_101 = arith.constant 256 : i32
    %scan3A_102 = arith.addi %scan3A, %scan3A_101 : i32
    %scan3A_103 = arith.constant 1 : i32
    scf.for %scan3A_152 = %scan3A to %scan3A_102 step %scan3A_103  : i32 {
      %get3A_153 = arith.constant 0 : index
      %get3A_154 = arith.constant 0 : index
      %get3A_155 = vector.load %arg6[%get3A_153, %get3A_154] : memref<2048x128xf32, #tpu.memory_space<vmem>>, vector<2048x128xf32>
      %get3A_156 = arith.constant 0 : index
      %get3A_157 = arith.constant 0 : index
      %get3A_158 = vector.load %arg1[%get3A_156, %get3A_157] : memref<2048x2048xf32, #tpu.memory_space<vmem>>, vector<2048x2048xf32>
      %dot_general3A_159 = arith.constant dense<0.000000e+00> : vector<2048x128xf32>
      %dot_general3A_160 = tpu.matmul %get3A_158, %get3A_155, %dot_general3A_159 {dimension_numbers = #tpu.dot_dimension_numbers<[1], [0], [0], [1], [0, 0, 1, 1], [], []>, transpose_lhs_hint = false} : vector<2048x2048xf32>, vector<2048x128xf32>, vector<2048x128xf32> -> vector<2048x128xf32>
      %mul3A_161 = arith.constant 2.000000e+00 : f32
      %mul3A_162 = vector.broadcast %mul3A_161 : f32 to vector<2048x128xf32>
      %mul3A_163 = arith.mulf %mul3A_162, %dot_general3A_160 : vector<2048x128xf32>
      %get3A_164 = arith.constant 0 : index
      %get3A_165 = arith.constant 0 : index
      %get3A_166 = vector.load %arg5[%get3A_164, %get3A_165] : memref<2048x128xf32, #tpu.memory_space<vmem>>, vector<2048x128xf32>
      %sub3A = arith.subf %mul3A_163, %get3A_166 : vector<2048x128xf32>
      %swap3A_167 = arith.constant 0 : index
      %swap3A_168 = arith.constant 0 : index
      %swap3A_169 = vector.load %arg5[%swap3A_167, %swap3A_168] : memref<2048x128xf32, #tpu.memory_space<vmem>>, vector<2048x128xf32>
      tpu.vector_store %arg5[%swap3A_167, %swap3A_168], %sub3A {strides = array<i32>} : memref<2048x128xf32, #tpu.memory_space<vmem>>, vector<2048x128xf32>,
      %mul3A_170 = arith.constant 2 : i32
      %mul3A_171 = arith.muli %mul3A_170, %scan3A_152 : i32
      %get3A_172 = arith.index_cast %mul3A_171 : i32 to index
      %get3A_173 = arith.constant 0 : index
      %get3A_174 = memref.load %arg3[%get3A_172, %get3A_173] : memref<514x4xf32, #tpu.memory_space<smem>>
      %get3A_175 = arith.constant 0 : index
      %get3A_176 = arith.constant 0 : index
      %get3A_177 = vector.load %arg5[%get3A_175, %get3A_176] : memref<2048x128xf32, #tpu.memory_space<vmem>>, vector<2048x128xf32>
      %mul3A_178 = vector.broadcast %get3A_174 : f32 to vector<2048x128xf32>
      %mul3A_179 = arith.mulf %mul3A_178, %get3A_177 : vector<2048x128xf32>
      %get3A_180 = arith.constant 0 : index
      %get3A_181 = arith.constant 0 : index
      %get3A_182 = arith.constant 0 : index
      %get3A_183 = vector.load %arg4[%get3A_180, %get3A_181, %get3A_182] : memref<4x2048x128xf32, #tpu.memory_space<vmem>>, vector<1x2048x128xf32>
      %get3A_184 = vector.shape_cast %get3A_183 : vector<1x2048x128xf32> to vector<2048x128xf32>
      %add3A_185 = arith.addf %get3A_184, %mul3A_179 : vector<2048x128xf32>
      %swap3A_186 = arith.constant 0 : index
      %swap3A_187 = arith.constant 0 : index
      %swap3A_188 = arith.constant 0 : index
      %swap3A_189 = vector.load %arg4[%swap3A_186, %swap3A_187, %swap3A_188] : memref<4x2048x128xf32, #tpu.memory_space<vmem>>, vector<1x2048x128xf32>
      %swap3A_190 = vector.shape_cast %swap3A_189 : vector<1x2048x128xf32> to vector<2048x128xf32>
      %swap3A_191 = vector.shape_cast %add3A_185 : vector<2048x128xf32> to vector<1x2048x128xf32>
      tpu.vector_store %arg4[%swap3A_186, %swap3A_187, %swap3A_188], %swap3A_191 {strides = array<i32>} : memref<4x2048x128xf32, #tpu.memory_space<vmem>>, vector<1x2048x128xf32>,
      %mul3A_192 = arith.constant 2 : i32
      %mul3A_193 = arith.muli %mul3A_192, %scan3A_152 : i32
      %get3A_194 = arith.index_cast %mul3A_193 : i32 to index
      %get3A_195 = arith.constant 1 : index
      %get3A_196 = memref.load %arg3[%get3A_194, %get3A_195] : memref<514x4xf32, #tpu.memory_space<smem>>
      %get3A_197 = arith.constant 0 : index
      %get3A_198 = arith.constant 0 : index
      %get3A_199 = vector.load %arg5[%get3A_197, %get3A_198] : memref<2048x128xf32, #tpu.memory_space<vmem>>, vector<2048x128xf32>
      %mul3A_200 = vector.broadcast %get3A_196 : f32 to vector<2048x128xf32>
      %mul3A_201 = arith.mulf %mul3A_200, %get3A_199 : vector<2048x128xf32>
      %get3A_202 = arith.constant 1 : index
      %get3A_203 = arith.constant 0 : index
      %get3A_204 = arith.constant 0 : index
      %get3A_205 = vector.load %arg4[%get3A_202, %get3A_203, %get3A_204] : memref<4x2048x128xf32, #tpu.memory_space<vmem>>, vector<1x2048x128xf32>
      %get3A_206 = vector.shape_cast %get3A_205 : vector<1x2048x128xf32> to vector<2048x128xf32>
      %add3A_207 = arith.addf %get3A_206, %mul3A_201 : vector<2048x128xf32>
      %swap3A_208 = arith.constant 1 : index
      %swap3A_209 = arith.constant 0 : index
      %swap3A_210 = arith.constant 0 : index
      %swap3A_211 = vector.load %arg4[%swap3A_208, %swap3A_209, %swap3A_210] : memref<4x2048x128xf32, #tpu.memory_space<vmem>>, vector<1x2048x128xf32>
      %swap3A_212 = vector.shape_cast %swap3A_211 : vector<1x2048x128xf32> to vector<2048x128xf32>
      %swap3A_213 = vector.shape_cast %add3A_207 : vector<2048x128xf32> to vector<1x2048x128xf32>
      tpu.vector_store %arg4[%swap3A_208, %swap3A_209, %swap3A_210], %swap3A_213 {strides = array<i32>} : memref<4x2048x128xf32, #tpu.memory_space<vmem>>, vector<1x2048x128xf32>,
      %mul3A_214 = arith.constant 2 : i32
      %mul3A_215 = arith.muli %mul3A_214, %scan3A_152 : i32
      %get3A_216 = arith.index_cast %mul3A_215 : i32 to index
      %get3A_217 = arith.constant 2 : index
      %get3A_218 = memref.load %arg3[%get3A_216, %get3A_217] : memref<514x4xf32, #tpu.memory_space<smem>>
      %get3A_219 = arith.constant 0 : index
      %get3A_220 = arith.constant 0 : index
      %get3A_221 = vector.load %arg5[%get3A_219, %get3A_220] : memref<2048x128xf32, #tpu.memory_space<vmem>>, vector<2048x128xf32>
      %mul3A_222 = vector.broadcast %get3A_218 : f32 to vector<2048x128xf32>
      %mul3A_223 = arith.mulf %mul3A_222, %get3A_221 : vector<2048x128xf32>
      %get3A_224 = arith.constant 2 : index
      %get3A_225 = arith.constant 0 : index
      %get3A_226 = arith.constant 0 : index
      %get3A_227 = vector.load %arg4[%get3A_224, %get3A_225, %get3A_226] : memref<4x2048x128xf32, #tpu.memory_space<vmem>>, vector<1x2048x128xf32>
      %get3A_228 = vector.shape_cast %get3A_227 : vector<1x2048x128xf32> to vector<2048x128xf32>
      %add3A_229 = arith.addf %get3A_228, %mul3A_223 : vector<2048x128xf32>
      %swap3A_230 = arith.constant 2 : index
      %swap3A_231 = arith.constant 0 : index
      %swap3A_232 = arith.constant 0 : index
      %swap3A_233 = vector.load %arg4[%swap3A_230, %swap3A_231, %swap3A_232] : memref<4x2048x128xf32, #tpu.memory_space<vmem>>, vector<1x2048x128xf32>
      %swap3A_234 = vector.shape_cast %swap3A_233 : vector<1x2048x128xf32> to vector<2048x128xf32>
      %swap3A_235 = vector.shape_cast %add3A_229 : vector<2048x128xf32> to vector<1x2048x128xf32>
      tpu.vector_store %arg4[%swap3A_230, %swap3A_231, %swap3A_232], %swap3A_235 {strides = array<i32>} : memref<4x2048x128xf32, #tpu.memory_space<vmem>>, vector<1x2048x128xf32>,
      %mul3A_236 = arith.constant 2 : i32
      %mul3A_237 = arith.muli %mul3A_236, %scan3A_152 : i32
      %get3A_238 = arith.index_cast %mul3A_237 : i32 to index
      %get3A_239 = arith.constant 3 : index
      %get3A_240 = memref.load %arg3[%get3A_238, %get3A_239] : memref<514x4xf32, #tpu.memory_space<smem>>
      %get3A_241 = arith.constant 0 : index
      %get3A_242 = arith.constant 0 : index
      %get3A_243 = vector.load %arg5[%get3A_241, %get3A_242] : memref<2048x128xf32, #tpu.memory_space<vmem>>, vector<2048x128xf32>
      %mul3A_244 = vector.broadcast %get3A_240 : f32 to vector<2048x128xf32>
      %mul3A_245 = arith.mulf %mul3A_244, %get3A_243 : vector<2048x128xf32>
      %get3A_246 = arith.constant 3 : index
      %get3A_247 = arith.constant 0 : index
      %get3A_248 = arith.constant 0 : index
      %get3A_249 = vector.load %arg4[%get3A_246, %get3A_247, %get3A_248] : memref<4x2048x128xf32, #tpu.memory_space<vmem>>, vector<1x2048x128xf32>
      %get3A_250 = vector.shape_cast %get3A_249 : vector<1x2048x128xf32> to vector<2048x128xf32>
      %add3A_251 = arith.addf %get3A_250, %mul3A_245 : vector<2048x128xf32>
      %swap3A_252 = arith.constant 3 : index
      %swap3A_253 = arith.constant 0 : index
      %swap3A_254 = arith.constant 0 : index
      %swap3A_255 = vector.load %arg4[%swap3A_252, %swap3A_253, %swap3A_254] : memref<4x2048x128xf32, #tpu.memory_space<vmem>>, vector<1x2048x128xf32>
      %swap3A_256 = vector.shape_cast %swap3A_255 : vector<1x2048x128xf32> to vector<2048x128xf32>
      %swap3A_257 = vector.shape_cast %add3A_251 : vector<2048x128xf32> to vector<1x2048x128xf32>
      tpu.vector_store %arg4[%swap3A_252, %swap3A_253, %swap3A_254], %swap3A_257 {strides = array<i32>} : memref<4x2048x128xf32, #tpu.memory_space<vmem>>, vector<1x2048x128xf32>,
      %get3A_258 = arith.constant 0 : index
      %get3A_259 = arith.constant 0 : index
      %get3A_260 = vector.load %arg5[%get3A_258, %get3A_259] : memref<2048x128xf32, #tpu.memory_space<vmem>>, vector<2048x128xf32>
      %get3A_261 = arith.constant 0 : index
      %get3A_262 = arith.constant 0 : index
      %get3A_263 = vector.load %arg1[%get3A_261, %get3A_262] : memref<2048x2048xf32, #tpu.memory_space<vmem>>, vector<2048x2048xf32>
      %dot_general3A_264 = arith.constant dense<0.000000e+00> : vector<2048x128xf32>
      %dot_general3A_265 = tpu.matmul %get3A_263, %get3A_260, %dot_general3A_264 {dimension_numbers = #tpu.dot_dimension_numbers<[1], [0], [0], [1], [0, 0, 1, 1], [], []>, transpose_lhs_hint = false} : vector<2048x2048xf32>, vector<2048x128xf32>, vector<2048x128xf32> -> vector<2048x128xf32>
      %mul3A_266 = arith.constant 2.000000e+00 : f32
      %mul3A_267 = vector.broadcast %mul3A_266 : f32 to vector<2048x128xf32>
      %mul3A_268 = arith.mulf %mul3A_267, %dot_general3A_265 : vector<2048x128xf32>
      %get3A_269 = arith.constant 0 : index
      %get3A_270 = arith.constant 0 : index
      %get3A_271 = vector.load %arg6[%get3A_269, %get3A_270] : memref<2048x128xf32, #tpu.memory_space<vmem>>, vector<2048x128xf32>
      %sub3A_272 = arith.subf %mul3A_268, %get3A_271 : vector<2048x128xf32>
      %swap3A_273 = arith.constant 0 : index
      %swap3A_274 = arith.constant 0 : index
      %swap3A_275 = vector.load %arg6[%swap3A_273, %swap3A_274] : memref<2048x128xf32, #tpu.memory_space<vmem>>, vector<2048x128xf32>
      tpu.vector_store %arg6[%swap3A_273, %swap3A_274], %sub3A_272 {strides = array<i32>} : memref<2048x128xf32, #tpu.memory_space<vmem>>, vector<2048x128xf32>,
      %mul3A_276 = arith.constant 2 : i32
      %mul3A_277 = arith.muli %mul3A_276, %scan3A_152 : i32
      %add3A_278 = arith.constant 1 : i32
      %add3A_279 = arith.addi %mul3A_277, %add3A_278 : i32
      %get3A_280 = arith.index_cast %add3A_279 : i32 to index
      %get3A_281 = arith.constant 0 : index
      %get3A_282 = memref.load %arg3[%get3A_280, %get3A_281] : memref<514x4xf32, #tpu.memory_space<smem>>
      %get3A_283 = arith.constant 0 : index
      %get3A_284 = arith.constant 0 : index
      %get3A_285 = vector.load %arg6[%get3A_283, %get3A_284] : memref<2048x128xf32, #tpu.memory_space<vmem>>, vector<2048x128xf32>
      %mul3A_286 = vector.broadcast %get3A_282 : f32 to vector<2048x128xf32>
      %mul3A_287 = arith.mulf %mul3A_286, %get3A_285 : vector<2048x128xf32>
      %get3A_288 = arith.constant 0 : index
      %get3A_289 = arith.constant 0 : index
      %get3A_290 = arith.constant 0 : index
      %get3A_291 = vector.load %arg4[%get3A_288, %get3A_289, %get3A_290] : memref<4x2048x128xf32, #tpu.memory_space<vmem>>, vector<1x2048x128xf32>
      %get3A_292 = vector.shape_cast %get3A_291 : vector<1x2048x128xf32> to vector<2048x128xf32>
      %add3A_293 = arith.addf %get3A_292, %mul3A_287 : vector<2048x128xf32>
      %swap3A_294 = arith.constant 0 : index
      %swap3A_295 = arith.constant 0 : index
      %swap3A_296 = arith.constant 0 : index
      %swap3A_297 = vector.load %arg4[%swap3A_294, %swap3A_295, %swap3A_296] : memref<4x2048x128xf32, #tpu.memory_space<vmem>>, vector<1x2048x128xf32>
      %swap3A_298 = vector.shape_cast %swap3A_297 : vector<1x2048x128xf32> to vector<2048x128xf32>
      %swap3A_299 = vector.shape_cast %add3A_293 : vector<2048x128xf32> to vector<1x2048x128xf32>
      tpu.vector_store %arg4[%swap3A_294, %swap3A_295, %swap3A_296], %swap3A_299 {strides = array<i32>} : memref<4x2048x128xf32, #tpu.memory_space<vmem>>, vector<1x2048x128xf32>,
      %mul3A_300 = arith.constant 2 : i32
      %mul3A_301 = arith.muli %mul3A_300, %scan3A_152 : i32
      %add3A_302 = arith.constant 1 : i32
      %add3A_303 = arith.addi %mul3A_301, %add3A_302 : i32
      %get3A_304 = arith.index_cast %add3A_303 : i32 to index
      %get3A_305 = arith.constant 1 : index
      %get3A_306 = memref.load %arg3[%get3A_304, %get3A_305] : memref<514x4xf32, #tpu.memory_space<smem>>
      %get3A_307 = arith.constant 0 : index
      %get3A_308 = arith.constant 0 : index
      %get3A_309 = vector.load %arg6[%get3A_307, %get3A_308] : memref<2048x128xf32, #tpu.memory_space<vmem>>, vector<2048x128xf32>
      %mul3A_310 = vector.broadcast %get3A_306 : f32 to vector<2048x128xf32>
      %mul3A_311 = arith.mulf %mul3A_310, %get3A_309 : vector<2048x128xf32>
      %get3A_312 = arith.constant 1 : index
      %get3A_313 = arith.constant 0 : index
      %get3A_314 = arith.constant 0 : index
      %get3A_315 = vector.load %arg4[%get3A_312, %get3A_313, %get3A_314] : memref<4x2048x128xf32, #tpu.memory_space<vmem>>, vector<1x2048x128xf32>
      %get3A_316 = vector.shape_cast %get3A_315 : vector<1x2048x128xf32> to vector<2048x128xf32>
      %add3A_317 = arith.addf %get3A_316, %mul3A_311 : vector<2048x128xf32>
      %swap3A_318 = arith.constant 1 : index
      %swap3A_319 = arith.constant 0 : index
      %swap3A_320 = arith.constant 0 : index
      %swap3A_321 = vector.load %arg4[%swap3A_318, %swap3A_319, %swap3A_320] : memref<4x2048x128xf32, #tpu.memory_space<vmem>>, vector<1x2048x128xf32>
      %swap3A_322 = vector.shape_cast %swap3A_321 : vector<1x2048x128xf32> to vector<2048x128xf32>
      %swap3A_323 = vector.shape_cast %add3A_317 : vector<2048x128xf32> to vector<1x2048x128xf32>
      tpu.vector_store %arg4[%swap3A_318, %swap3A_319, %swap3A_320], %swap3A_323 {strides = array<i32>} : memref<4x2048x128xf32, #tpu.memory_space<vmem>>, vector<1x2048x128xf32>,
      %mul3A_324 = arith.constant 2 : i32
      %mul3A_325 = arith.muli %mul3A_324, %scan3A_152 : i32
      %add3A_326 = arith.constant 1 : i32
      %add3A_327 = arith.addi %mul3A_325, %add3A_326 : i32
      %get3A_328 = arith.index_cast %add3A_327 : i32 to index
      %get3A_329 = arith.constant 2 : index
      %get3A_330 = memref.load %arg3[%get3A_328, %get3A_329] : memref<514x4xf32, #tpu.memory_space<smem>>
      %get3A_331 = arith.constant 0 : index
      %get3A_332 = arith.constant 0 : index
      %get3A_333 = vector.load %arg6[%get3A_331, %get3A_332] : memref<2048x128xf32, #tpu.memory_space<vmem>>, vector<2048x128xf32>
      %mul3A_334 = vector.broadcast %get3A_330 : f32 to vector<2048x128xf32>
      %mul3A_335 = arith.mulf %mul3A_334, %get3A_333 : vector<2048x128xf32>
      %get3A_336 = arith.constant 2 : index
      %get3A_337 = arith.constant 0 : index
      %get3A_338 = arith.constant 0 : index
      %get3A_339 = vector.load %arg4[%get3A_336, %get3A_337, %get3A_338] : memref<4x2048x128xf32, #tpu.memory_space<vmem>>, vector<1x2048x128xf32>
      %get3A_340 = vector.shape_cast %get3A_339 : vector<1x2048x128xf32> to vector<2048x128xf32>
      %add3A_341 = arith.addf %get3A_340, %mul3A_335 : vector<2048x128xf32>
      %swap3A_342 = arith.constant 2 : index
      %swap3A_343 = arith.constant 0 : index
      %swap3A_344 = arith.constant 0 : index
      %swap3A_345 = vector.load %arg4[%swap3A_342, %swap3A_343, %swap3A_344] : memref<4x2048x128xf32, #tpu.memory_space<vmem>>, vector<1x2048x128xf32>
      %swap3A_346 = vector.shape_cast %swap3A_345 : vector<1x2048x128xf32> to vector<2048x128xf32>
      %swap3A_347 = vector.shape_cast %add3A_341 : vector<2048x128xf32> to vector<1x2048x128xf32>
      tpu.vector_store %arg4[%swap3A_342, %swap3A_343, %swap3A_344], %swap3A_347 {strides = array<i32>} : memref<4x2048x128xf32, #tpu.memory_space<vmem>>, vector<1x2048x128xf32>,
      %mul3A_348 = arith.constant 2 : i32
      %mul3A_349 = arith.muli %mul3A_348, %scan3A_152 : i32
      %add3A_350 = arith.constant 1 : i32
      %add3A_351 = arith.addi %mul3A_349, %add3A_350 : i32
      %get3A_352 = arith.index_cast %add3A_351 : i32 to index
      %get3A_353 = arith.constant 3 : index
      %get3A_354 = memref.load %arg3[%get3A_352, %get3A_353] : memref<514x4xf32, #tpu.memory_space<smem>>
      %get3A_355 = arith.constant 0 : index
      %get3A_356 = arith.constant 0 : index
      %get3A_357 = vector.load %arg6[%get3A_355, %get3A_356] : memref<2048x128xf32, #tpu.memory_space<vmem>>, vector<2048x128xf32>
      %mul3A_358 = vector.broadcast %get3A_354 : f32 to vector<2048x128xf32>
      %mul3A_359 = arith.mulf %mul3A_358, %get3A_357 : vector<2048x128xf32>
      %get3A_360 = arith.constant 3 : index
      %get3A_361 = arith.constant 0 : index
      %get3A_362 = arith.constant 0 : index
      %get3A_363 = vector.load %arg4[%get3A_360, %get3A_361, %get3A_362] : memref<4x2048x128xf32, #tpu.memory_space<vmem>>, vector<1x2048x128xf32>
      %get3A_364 = vector.shape_cast %get3A_363 : vector<1x2048x128xf32> to vector<2048x128xf32>
      %add3A_365 = arith.addf %get3A_364, %mul3A_359 : vector<2048x128xf32>
      %swap3A_366 = arith.constant 3 : index
      %swap3A_367 = arith.constant 0 : index
      %swap3A_368 = arith.constant 0 : index
      %swap3A_369 = vector.load %arg4[%swap3A_366, %swap3A_367, %swap3A_368] : memref<4x2048x128xf32, #tpu.memory_space<vmem>>, vector<1x2048x128xf32>
      %swap3A_370 = vector.shape_cast %swap3A_369 : vector<1x2048x128xf32> to vector<2048x128xf32>
      %swap3A_371 = vector.shape_cast %add3A_365 : vector<2048x128xf32> to vector<1x2048x128xf32>
      tpu.vector_store %arg4[%swap3A_366, %swap3A_367, %swap3A_368], %swap3A_371 {strides = array<i32>} : memref<4x2048x128xf32, #tpu.memory_space<vmem>>, vector<1x2048x128xf32>,
    }
    %scan3A_104 = arith.constant 256 : i32
    %get3A_105 = arith.constant 0 : index
    %get3A_106 = arith.constant 0 : index
    %get3A_107 = arith.constant 0 : index
    %get3A_108 = vector.load %arg4[%get3A_105, %get3A_106, %get3A_107] : memref<4x2048x128xf32, #tpu.memory_space<vmem>>, vector<1x2048x128xf32>
    %get3A_109 = vector.shape_cast %get3A_108 : vector<1x2048x128xf32> to vector<2048x128xf32>
    %abs3A = math.absf %get3A_109 : vector<2048x128xf32>
    %swap3A_110 = arith.constant 0 : index
    %swap3A_111 = arith.constant 0 : index
    %swap3A_112 = arith.constant 0 : index
    %swap3A_113 = vector.load %arg4[%swap3A_110, %swap3A_111, %swap3A_112] : memref<4x2048x128xf32, #tpu.memory_space<vmem>>, vector<1x2048x128xf32>
    %swap3A_114 = vector.shape_cast %swap3A_113 : vector<1x2048x128xf32> to vector<2048x128xf32>
    %swap3A_115 = vector.shape_cast %abs3A : vector<2048x128xf32> to vector<1x2048x128xf32>
    tpu.vector_store %arg4[%swap3A_110, %swap3A_111, %swap3A_112], %swap3A_115 {strides = array<i32>} : memref<4x2048x128xf32, #tpu.memory_space<vmem>>, vector<1x2048x128xf32>,
    %get3A_116 = arith.constant 1 : index
    %get3A_117 = arith.constant 0 : index
    %get3A_118 = arith.constant 0 : index
    %get3A_119 = vector.load %arg4[%get3A_116, %get3A_117, %get3A_118] : memref<4x2048x128xf32, #tpu.memory_space<vmem>>, vector<1x2048x128xf32>
    %get3A_120 = vector.shape_cast %get3A_119 : vector<1x2048x128xf32> to vector<2048x128xf32>
    %abs3A_121 = math.absf %get3A_120 : vector<2048x128xf32>
    %swap3A_122 = arith.constant 1 : index
    %swap3A_123 = arith.constant 0 : index
    %swap3A_124 = arith.constant 0 : index
    %swap3A_125 = vector.load %arg4[%swap3A_122, %swap3A_123, %swap3A_124] : memref<4x2048x128xf32, #tpu.memory_space<vmem>>, vector<1x2048x128xf32>
    %swap3A_126 = vector.shape_cast %swap3A_125 : vector<1x2048x128xf32> to vector<2048x128xf32>
    %swap3A_127 = vector.shape_cast %abs3A_121 : vector<2048x128xf32> to vector<1x2048x128xf32>
    tpu.vector_store %arg4[%swap3A_122, %swap3A_123, %swap3A_124], %swap3A_127 {strides = array<i32>} : memref<4x2048x128xf32, #tpu.memory_space<vmem>>, vector<1x2048x128xf32>,
    %get3A_128 = arith.constant 2 : index
    %get3A_129 = arith.constant 0 : index
    %get3A_130 = arith.constant 0 : index
    %get3A_131 = vector.load %arg4[%get3A_128, %get3A_129, %get3A_130] : memref<4x2048x128xf32, #tpu.memory_space<vmem>>, vector<1x2048x128xf32>
    %get3A_132 = vector.shape_cast %get3A_131 : vector<1x2048x128xf32> to vector<2048x128xf32>
    %abs3A_133 = math.absf %get3A_132 : vector<2048x128xf32>
    %swap3A_134 = arith.constant 2 : index
    %swap3A_135 = arith.constant 0 : index
    %swap3A_136 = arith.constant 0 : index
    %swap3A_137 = vector.load %arg4[%swap3A_134, %swap3A_135, %swap3A_136] : memref<4x2048x128xf32, #tpu.memory_space<vmem>>, vector<1x2048x128xf32>
    %swap3A_138 = vector.shape_cast %swap3A_137 : vector<1x2048x128xf32> to vector<2048x128xf32>
    %swap3A_139 = vector.shape_cast %abs3A_133 : vector<2048x128xf32> to vector<1x2048x128xf32>
    tpu.vector_store %arg4[%swap3A_134, %swap3A_135, %swap3A_136], %swap3A_139 {strides = array<i32>} : memref<4x2048x128xf32, #tpu.memory_space<vmem>>, vector<1x2048x128xf32>,
    %get3A_140 = arith.constant 3 : index
    %get3A_141 = arith.constant 0 : index
    %get3A_142 = arith.constant 0 : index
    %get3A_143 = vector.load %arg4[%get3A_140, %get3A_141, %get3A_142] : memref<4x2048x128xf32, #tpu.memory_space<vmem>>, vector<1x2048x128xf32>
    %get3A_144 = vector.shape_cast %get3A_143 : vector<1x2048x128xf32> to vector<2048x128xf32>
    %abs3A_145 = math.absf %get3A_144 : vector<2048x128xf32>
    %swap3A_146 = arith.constant 3 : index
    %swap3A_147 = arith.constant 0 : index
    %swap3A_148 = arith.constant 0 : index
    %swap3A_149 = vector.load %arg4[%swap3A_146, %swap3A_147, %swap3A_148] : memref<4x2048x128xf32, #tpu.memory_space<vmem>>, vector<1x2048x128xf32>
    %swap3A_150 = vector.shape_cast %swap3A_149 : vector<1x2048x128xf32> to vector<2048x128xf32>
    %swap3A_151 = vector.shape_cast %abs3A_145 : vector<2048x128xf32> to vector<1x2048x128xf32>
    tpu.vector_store %arg4[%swap3A_146, %swap3A_147, %swap3A_148], %swap3A_151 {strides = array<i32>} : memref<4x2048x128xf32, #tpu.memory_space<vmem>>, vector<1x2048x128xf32>,
    return
  }
  func.func @transform_0(%arg0: i32) -> (i32, i32) {
    %c0_i32 = arith.constant 0 : i32
    %c0_i32_0 = arith.constant 0 : i32
    %c0_i32_1 = arith.constant 0 : i32
    return %c0_i32, %c0_i32_0 : i32, i32
  }
  func.func @transform_1(%arg0: i32) -> (i32, i32) {
    %c0_i32 = arith.constant 0 : i32
    %c0_i32_0 = arith.constant 0 : i32
    return %c0_i32, %arg0 : i32, i32
  }
  func.func @transform_2(%arg0: i32) -> (i32, i32) {
    %c0_i32 = arith.constant 0 : i32
    %c0_i32_0 = arith.constant 0 : i32
    %c0_i32_1 = arith.constant 0 : i32
    return %c0_i32, %c0_i32_0 : i32, i32
  }
  func.func @transform_3(%arg0: i32) -> (i32, i32, i32) {
    %c0_i32 = arith.constant 0 : i32
    %c0_i32_0 = arith.constant 0 : i32
    %c0_i32_1 = arith.constant 0 : i32
    return %c0_i32, %c0_i32_0, %arg0 : i32, i32, i32
  }
}

</mosaic_0001>

<sc_bundles>
// kernel: kernel.10.cloned.1.call-start
scs
__scs_entry_jumppad:
0x0: {  	(pc) =	sbr.rel $0x88, $3  }
0x1: {  	(tag) =	ssettag $0x0;
	lr =	simm.s32 $0x1  }
0x2: {  	[smem:$0x3F9F] =	sst lr;
	_ =	strace $0xD0000000  }
0x3: {  	_ = 	snop  }
0x4: {  	_ = 	snop  }
0x5: {  	_ = 	snop  }
0x6: {  	_ = 	snop  }
0x7: {  	_ = 	snop  }
__scs_overlays_trampoline_lowered:
0x8: {  	[smem:$0x3FAE] =	sst s0  }
0x9: {  	[smem:$0x3FAF] =	sst s1  }
0xa: {  	[smem:$0x3FB0] =	sst s2  }
0xb: {  	[smem:$0x3FB1] =	sst s3  }
0xc: {  	[smem:$0x3FB2] =	sst s4  }
0xd: {  	[smem:$0x3FB3] =	sst s5  }
0xe: {  	[smem:$0x3FB4] =	sst s6  }
0xf: {  	[smem:$0x3FB5] =	sst s7  }
0x10: {  	[smem:$0x3FB6] =	sst s8  }
0x11: {  	[smem:$0x3FB7] =	sst s9;
	s0 =	simm.s32 @!p0 $0x0  }
0x12: {  	s1 =	sld [smem:$0x3F9D];
	s0 =	simm.s32 @p0 $0x1  }
0x13: {  	[smem:$0x3FB8] =	sst s0;
	s0 =	simm.s32 @!p1 $0x0  }
0x14: {  	s2 =	sld [smem:$0x3F9C];
	s0 =	simm.s32 @p1 $0x1  }
0x15: {  	[smem:$0x3FB9] =	sst s0;
	s0 =	simm.s32 @!p2 $0x0  }
0x16: {  	s3 =	sld [smem:$0x3FDB];
	s0 =	simm.s32 @p2 $0x1  }
0x17: {  	s4 =	simm.s32 $0x1BF5;
	[smem:$0x3FBB] =	sst s0  }
0x18: {  	s0 =	sld [smem:$0x3F9E];
	_ =	swait.ge [sflag:s4], $0x0  }
0x19: {  	s7 =	sld [smem:$0x3F9F]  }
0x1a: {  	s8 =	sadd.s32 $0xFFFFE003, lr  }
0x1b: {  	s9 =	sadd.s32 $0xFFFFFEF7, lr;
	s5 =	simm.s32 $0xFFFFFFFF;
	p2 =	slt.u32 s8, $0xFFFFF086  }
0x1c: {  	p1 =	slt.u32 s9, $0xF7A;
	s5 =	simm.s32 @!p2 $0x0  }
0x1d: {  	s5 =	simm.s32 @p1 $0x1;
	p0 =	seq.s32 s7, s2  }
0x1e: {  	s7 =	smul.u32 @!p0 $0xF7A, s2;
	p2 =	seq.s32 @!p0 s5, $0x0  }
0x1f: {  	s9 =	smul.u32 $0xF7A, s1;
	s8 =	simm.s32 @!p0 $0x1BF5;
	p2 =	por !p2, p0  }
0x20: {  	[sflag:s8] =	ssyncset.s32 @!p0 $0xFFFFF086;
	s6 =	sadd.s32 @!p0 s3, s7;
	s7 =	simm.s32 @!p0 $0x108  }
0x21: {  	s3 =	sadd.s32 s3, s9;
	s6 =	sadd.s32 @!p0 $0x88, s6;
	s7 =	simm.s32 @p2 $0x1082  }
0x22: {  	[simem:s7], [sflag:s8] =	dma.local @!p0 [hbm:s6], $0xF7A  }
0x23: {  	s9 =	sor.u32 $0xD0000000, s2;
	s6 =	simm.s32 $0x108;
	_ =	swait.ge @!p0 [sflag:s8], $0x0  }
0x24: {  	s3 =	sadd.s32 $0x88, s3;
	s6 =	simm.s32 @!p1 $0x1082;
	[sflag:s4] =	ssyncset.s32 $0xFFFFF086  }
0x25: {  	[simem:s6], [sflag:s4] =	dma.local [hbm:s3], $0xF7A  }
0x26: {  	[smem:$0x3F9F] =	sst s1;
	(tag) =	ssettag s2;
	_ =	strace s9  }
0x27: {  	s1 =	sld [smem:$0x3FAF]  }
0x28: {  	s2 =	sld [smem:$0x3FB0]  }
0x29: {  	s4 =	sld [smem:$0x3FB2]  }
0x2a: {  	p0 =	seq.s32 s5, $0x0;
	s5 =	sld [smem:$0x3FB3]  }
0x2b: {  	s6 =	sld [smem:$0x3FB4]  }
0x2c: {  	s7 =	sld [smem:$0x3FB5]  }
0x2d: {  	s3 =	simm.s32 $0x108;
	s8 =	sld [smem:$0x3FB6]  }
0x2e: {  	s3 =	simm.s32 @!p0 $0x1082;
	s9 =	sld [smem:$0x3FB7]  }
0x2f: {  	lr =	sadd.s32 s0, s3;
	s0 =	sld [smem:$0x3FAE]  }
0x30: {  	s3 =	sld [smem:$0x3FB1]  }
0x31: {  	[smem:$0x3FBA] =	sst s10  }
0x32: {  	s10 =	sld [smem:$0x3FB8];
	_ =	sdelay $0x3  }
0x33: {  	p0 =	seq.s32 s10, $0x1;
	s10 =	sld [smem:$0x3FBA];
	_ =	sdelay $0x3  }
0x34: {  	[smem:$0x3FBA] =	sst s10  }
0x35: {  	s10 =	sld [smem:$0x3FB9];
	_ =	sdelay $0x3  }
0x36: {  	p1 =	seq.s32 s10, $0x1;
	s10 =	sld [smem:$0x3FBA];
	_ =	sdelay $0x3  }
0x37: {  	[smem:$0x3FBA] =	sst s10  }
0x38: {  	s10 =	sld [smem:$0x3FBB]  }
0x39: {  	_ = 	snop;
	(pc) =	sbr.ind lr, $3  }
0x3a: {  	_ = 	snop  }
0x3b: {  	_ = 	snop  }
0x3c: {  	p2 =	seq.s32 s10, $0x1;
	s10 =	sld [smem:$0x3FBA]  }
0x3d: {  	_ =	shalt  }
0x3e: {  	_ =	shalt  }
0x3f: {  	_ =	shalt  }
0x40: {  	_ =	shalt  }
0x41: {  	_ =	shalt  }
0x42: {  	_ =	shalt  }
0x43: {  	_ =	shalt  }
0x44: {  	_ =	shalt  }
0x45: {  	_ =	shalt  }
0x46: {  	_ =	shalt  }
0x47: {  	_ =	shalt  }
0x48: {  	_ =	shalt  }
0x49: {  	_ =	shalt  }
0x4a: {  	_ =	shalt  }
0x4b: {  	_ =	shalt  }
0x4c: {  	_ =	shalt  }
0x4d: {  	_ =	shalt  }
0x4e: {  	_ =	shalt  }
0x4f: {  	_ =	shalt  }
0x50: {  	_ =	shalt  }
0x51: {  	_ =	shalt  }
0x52: {  	_ =	shalt  }
0x53: {  	_ =	shalt  }
0x54: {  	_ =	shalt  }
0x55: {  	_ =	shalt  }
0x56: {  	_ =	shalt  }
0x57: {  	_ =	shalt  }
0x58: {  	_ =	shalt  }
0x59: {  	_ =	shalt  }
0x5a: {  	_ =	shalt  }
0x5b: {  	_ =	shalt  }
0x5c: {  	_ =	shalt  }
0x5d: {  	_ =	shalt  }
0x5e: {  	_ =	shalt  }
0x5f: {  	_ =	shalt  }
0x60: {  	_ =	shalt  }
0x61: {  	_ =	shalt  }
0x62: {  	_ =	shalt  }
0x63: {  	_ =	shalt  }
0x64: {  	_ =	shalt  }
0x65: {  	_ =	shalt  }
0x66: {  	_ =	shalt  }
0x67: {  	_ =	shalt  }
0x68: {  	_ =	shalt  }
0x69: {  	_ =	shalt  }
0x6a: {  	_ =	shalt  }
0x6b: {  	_ =	shalt  }
0x6c: {  	_ =	shalt  }
0x6d: {  	_ =	shalt  }
0x6e: {  	_ =	shalt  }
0x6f: {  	_ =	shalt  }
0x70: {  	_ =	shalt  }
0x71: {  	_ =	shalt  }
0x72: {  	_ =	shalt  }
0x73: {  	_ =	shalt  }
0x74: {  	_ =	shalt  }
0x75: {  	_ =	shalt  }
0x76: {  	_ =	shalt  }
0x77: {  	_ =	shalt  }
0x78: {  	_ =	shalt  }
0x79: {  	_ =	shalt  }
0x7a: {  	_ =	shalt  }
0x7b: {  	_ =	shalt  }
0x7c: {  	_ =	shalt  }
0x7d: {  	_ =	shalt  }
0x7e: {  	_ =	shalt  }
0x7f: {  	_ =	shalt  }
0x80: {  	_ =	shalt  }
0x81: {  	_ =	shalt  }
0x82: {  	_ =	shalt  }
0x83: {  	_ =	shalt  }
0x84: {  	_ =	shalt  }
0x85: {  	_ =	shalt  }
0x86: {  	_ =	shalt  }
0x87: {  	_ =	shalt  }
.Lfunc_end0:
.L_simem_size_0:
called_computation.1_lowered:
.L_overlay_start_0:
0x88: {  	s2 =	sld [smem:$0x3FD9]  }
0x89: {  	s3 =	sld [smem:$0x3FFE];
	_ =	sdelay $0x1  }
0x8a: {  	s1 =	srdreg.scid  }
0x8b: {  	s0 =	sand.u32 $0x1, s1  }
0x8c: {  	s17 =	sshll.u32 s0, $0xA;
	s2 =	sadd.s32 s3, s2  }
0x8d: {  	s2 =	sadd.s32 s2, s17  }
0x8e: {  	[smem:$0x3FC6] =	sst s2  }
0x8f: {  	_ = 	snop  }
0x90: {  	s2 =	sld [smem:$0x3FC8]  }
0x91: {  	s18 =	sld [smem:$0x3FD0];
	(tm) =	ssettm $0x1  }
0x92: {  	s4 =	sld [smem:$0x3FFB];
	_ =	sdelay $0x3  }
0x93: {  	_ =	strace s4  }
0x94: {  	s4 =	sld [smem:$0x3FFC];
	_ =	sdelay $0x3  }
0x95: {  	_ =	strace s4  }
0x96: {  	s4 =	sld [smem:$0x3FFD];
	_ =	sdelay $0x3  }
0x97: {  	_ =	strace s4  }
0x98: {  	_ =	strace $0x8FFFFFFF  }
0x99: {  	s19 =	sld [smem:$0x3FDB];
	_ =	sdelay $0x1  }
0x9a: {  	s5 =	simm.s32 $_scs_section_size  }
0x9b: {  	s6 =	simm.s32 $_size__tile_overlayer_lowered;
	s7 =	simm.s32 $_tile_overlayer_lowered  }
0x9c: {  	s22 =	simm.s32 $0x1BFF;
	s21 =	sshll.u32 s7, $0x1;
	s4 =	sadd.s32 s5, s19  }
0x9d: {  	s8 =	simm.s32 $0x0;
	s20 =	sshll.u32 s6, $0x1;
	s6 =	sadd.s32 s21, s4  }
0x9e: {  	[timem:s8], [sflag:s22] =	dma.local [hbm:s6], s20  }
0x9f: {  	_ =	swait.ge [sflag:s22], s20  }
0xa0: {  	s5 =	ssub.s32 $0x0, s20;
	[sflag:s22] =	ssyncset.done $0x0  }
0xa1: {  	[sflag:s22] =	ssyncadd.s32 s5;
	_ =	sdelay $0x1  }
0xa2: {  	s23 =	simm.s32 $0x1B8B  }
0xa3: {  	_ =	swait.ge [sflag:s23], $0x1  }
0xa4: {  	[sflag:s23] =	ssyncset.done $0x0  }
0xa5: {  	s25 =	simm.s32 $0x1B8E;
	s24 =	sld [smem:$0x3FFE];
	[sflag:s23] =	ssyncadd.s32 $0xFFFFFFFF  }
0xa6: {  	s26 =	simm.s32 $execute0_lowered;
	[smem:$0x3FD2] =	sst s25  }
0xa7: {  	s6 =	sshll.u32 s26, $0x1;
	_ =	strace $0x80000049;
	[dreg:$0x1] =	wrdreg $0xFFFFFFFF  }
0xa8: {  	s28 =	simm.s32 $_size_execute0_lowered;
	s4 =	sadd.s32 s4, s6;
	[dreg:$0x0] =	wrdreg $0x0  }
0xa9: {  	s6 =	sshll.u32 s28, $0x1;
	[dreg:$0x2] =	wrdreg s4  }
0xaa: {  	[dreg:$0x3] =	wrdreg s6  }
0xab: {  	[dreg:$0x4] =	wrdreg $0xC0  }
0xac: {  	_ =	task [dreg:s8], $0x5FFFF  }
0xad: {  	[dreg:$0x1] =	wrdreg $0xFFFFFFFF  }
0xae: {  	[dreg:$0x0] =	wrdreg $0x60  }
0xaf: {  	[dreg:$0x2] =	wrdreg s2  }
0xb0: {  	[dreg:$0x3] =	wrdreg s24  }
0xb1: {  	[dreg:$0x4] =	wrdreg s18  }
0xb2: {  	[dreg:$0x5] =	wrdreg $0x88000  }
0xb3: {  	[dreg:$0x6] =	wrdreg $0x9  }
0xb4: {  	_ =	task.clear_ibuf [dreg:s8], $0x7FFFF;
	_ =	strace $0x90000049  }
0xb5: {  	s29 =	simm.s32 $0x9;
	_ =	strace $0x8000004B  }
0xb6: {  	_ =	swait.ge [sflag:s29], $0x1  }
0xb7: {  	[sflag:s29] =	ssyncadd.s32 $0xFFFFFFFF  }
0xb8: {  	_ =	strace $0x9000004B  }
0xb9: {  	_ =	sfence  }
0xba: {  	s30 =	sld [smem:$0x0];
	_ =	sdelay $0x2  }
0xbb: {  	s31 =	sshll.u32 s1, $0xD;
	s1 =	sshrl.u32 s1, $0x2  }
0xbc: {  	s3 =	sand.u32 $0x4000, s31;
	s1 =	sadd.s32 s1, s30  }
0xbd: {  	s0 =	sor.u32 s3, s0;
	s1 =	sshll.u32 s1, $0x11  }
0xbe: {  	s0 =	sor.u32 s1, s0  }
0xbf: {  	s0 =	sadd.s32 $0x8F2B, s0  }
0xc0: {  	[sflag:s0] =	ssyncadd.remote.s32 $0x1  }
0xc1: {  	_ =	sfence.sel $0xFFFF  }
0xc2: {  	[dreg:$0x0] =	wrdreg $0xFFFFFFFF;
	(pc) =	sbr.abs _section_cstart, $3  }
0xc3: {  	[dreg:$0x1] =	wrdreg $0xFFFFFFFF  }
0xc4: {  	_ =	task.clear_ibuf [dreg:s8], $0x2FFFF;
	_ =	strace $0x9FFFFFFF  }
0xc5: {  	(tm) =	ssettm $0x7FFFFFFF  }
tec
execute0_lowered:
.L_overlay_start_1:
0x0: {  	(tag) =	ssettag $0x1  }
0x1: {  	s5 =	rddreg [dreg:$0x0]  }
0x2: {  	s1 =	rddreg [dreg:$0x1]  }
0x3: {  	s12 =	rddreg [dreg:$0x2]  }
0x4: {  	s3 =	rddreg [dreg:$0x3]  }
0x5: {  	s4 =	srdreg.scid;
	s0 =	rddreg [dreg:$0x4]  }
0x6: {  	s2 =	stileid.u32;
	s17 =	simm.s32 $0x80;
	s18 =	simm.s32 $0x100  }
0x7: {  	s19 =	simm.s32 $0x1;
	s20 =	simm.s32 $0x800;
	s21 =	simm.s32 $0x4800  }
0x8: {  	s22 =	simm.s32 $0x0;
	s7 =	sand.u32 $0x1, s4;
	s4 =	simm.s32 $0x0  }
0x9: {  	s8 =	sshll.u32 s2, $0x9;
	s31 =	sshll.u32 s2, $0x10;
	s10 =	sadd.s32 $0x20000, s12  }
0xa: {  	s6 =	ssub.s32 $0x2, s7;
	[smem:$0x7FF] =	sst s4;
	s5 =	sadd.s32 s5, s8  }
.Ltmp0:
0xb: {  	p0 =	seq.s32 s7, $0x1;
	s7 =	sshll.u32 s2, $0xD;
	(pc) =	sbr.rel .LBB2_1-.Ltmp0, $4  }
0xc: {  	s8 =	sadd.s32 s31, s3;
	s9 =	sshrl.u32 s6, $0x1;
	_ =	strace $0x8000004A  }
0xd: {  	s14 =	sadd.s32 $0x4000, s8;
	s15 =	sadd.s32 $0x8000, s8;
	s16 =	sadd.s32 $0xC000, s8  }
0xe: {  	s13 =	ssub.s32 s6, s9;
	s6 =	sadd.s32 $0x10, s5;
	s9 =	sadd.s32 s12, s7  }
0xf: {  	v0 =	vimm.f32 $0.0e+00;
	s12 =	sadd.s32 $0x60000, s12;
	s11 =	sadd.s32 $0x40000, s9;
	s13 =	smax.u32 s13, $0x1  }
.LBB2_16:
0x10: {  	s25 =	sadd.s32 $0x3000, s24;
	s26 =	sadd.s32 $0x2800, s24;
	[sflag:s19] =	ssyncadd.s32 $0xFFFFFF80  }
0x11: {  	[spmem:s3] =	stream.indirect.scatter.add.f32 [tilespmem:s25], [sflag:$0x1], $0x1, s26, s17, $0xb8;
	[tilespmem:$0x18800] =	vst v63  }
0x12: {  	_ =	swait.ge [sflag:s19], $0x80  }
0x13: {  	[sflag:s19] =	ssyncset.done $0x0  }
0x14: {  	s30 =	sadd.s32 $0x4000, s24;
	s31 =	sadd.s32 $0x3800, s24;
	[sflag:s19] =	ssyncadd.s32 $0xFFFFFF80  }
0x15: {  	[spmem:s3] =	stream.indirect.scatter.add.f32 [tilespmem:s30], [sflag:$0x1], $0x1, s31, s17, $0xb8;
	[tilespmem:$0x18800] =	vst v63  }
0x16: {  	_ =	swait.ge [sflag:s19], $0x80  }
0x17: {  	[sflag:s19] =	ssyncset.done $0x0  }
0x18: {  	s24 =	smov.u32 s10;
	[sflag:s19] =	ssyncadd.s32 $0xFFFFFF80  }
.LBB2_26:
0x19: {  	s22 =	sadd.s32 $0x1, s22  }
0x1a: {  	s24 =	sadd.s32 s7, s24;
	p1 =	sne.s32 s22, s13  }
.Ltmp1:
0x1b: {  	[bflag:$0x0] =	sbarrier.arrive $0xFFFF;
	s25 =	sshrl.u32 s8, $0x3;
	(pc) =	sbr.rel @!p1 .LBB2_27-.Ltmp1, $4  }
0x1c: {  	[hbm:s24], [sflag:s23] =	dma.local [spmem:s25], $0x2000  }
0x1d: {  	_ =	swait.ge [sflag:s19], $0x2000  }
0x1e: {  	[sflag:s19] =	ssyncset.done $0x0  }
0x1f: {  	[sflag:s19] =	ssyncadd.s32 $0xFFFFE000  }
.LBB2_1:
0x20: {  	[tilespmem:s4], [sflag:$0x1] =	stream.strided.gather [hbm4b:s5+s17], $0x800, s18, s17, $0x38;
	[tilespmem:$0x18800] =	vst v63  }
0x21: {  	_ =	swait.ge [sflag:s19], $0x800  }
0x22: {  	[sflag:s19] =	ssyncset.done $0x0  }
0x23: {  	[sflag:s19] =	ssyncadd.s32 $0xFFFFF800  }
0x24: {  	[tilespmem:s20], [sflag:$0x1] =	stream.strided.gather [hbm4b:s6+s17], $0x800, s18, s17, $0x38;
	[tilespmem:$0x18800] =	vst v63  }
0x25: {  	_ =	swait.ge [sflag:s19], $0x800  }
0x26: {  	[sflag:s19] =	ssyncset.done $0x0  }
0x27: {  	s23 =	simm.s32 $0x40;
	s24 =	simm.s32 $0x0;
	[sflag:s19] =	ssyncadd.s32 $0xFFFFF800  }
.LBB2_2:
0x28: {  	p1 =	sne.s32 s23, $0xFFC0;
	[tilespmem:s24+$0x4800] =	vst v0;
	s24 =	smov.u32 s23;
	s23 =	sadd.s32 $0x40, s23  }
.Ltmp2:
0x29: {  	(pc) =	sbr.rel @p1 .LBB2_2-.Ltmp2, $2  }
0x2a: {  	_ =	sdelay $0x2  }
0x2b: {  	s24 =	sshra.s32 s24, $0x2  }
0x2c: {  	[tilespmem:s24+$0x4800] =	vst v0;
	s23 =	simm.s32 $0x0;
	s29 =	simm.s32 $0x1800  }
0x2d: {  	[tilespmem:s29], [sflag:$0x1] =	stream.indirect.gather [hbm4b:s1+s17], $0x1, s23, s17, $0xb8;
	[tilespmem:$0x18800] =	vst v63  }
0x2e: {  	_ =	swait.ge [sflag:s19], $0x80  }
0x2f: {  	[sflag:s19] =	ssyncset.done $0x0  }
0x30: {  	s30 =	simm.s32 $0x2000;
	s31 =	simm.s32 $0x800;
	[sflag:s19] =	ssyncadd.s32 $0xFFFFFF80  }
0x31: {  	[tilespmem:s30], [sflag:$0x1] =	stream.indirect.gather [hbm4b:s1+s17], $0x1, s31, s17, $0xb8;
	[tilespmem:$0x18800] =	vst v63  }
0x32: {  	_ =	swait.ge [sflag:s19], $0x80  }
0x33: {  	s24 =	simm.s32 $0x400;
	s23 =	simm.s32 $0x80;
	[sflag:s19] =	ssyncset.done $0x0  }
.LBB2_4:
0x34: {  	s25 =	sadd.s32 $0x1800, s23  }
0x35: {  	[sflag:s19] =	ssyncadd.s32 $0xFFFFFF80;
	s26 =	smov.u32 s24;
	s28 =	sadd.s32 $0x200, s24  }
0x36: {  	[tilespmem:s25], [sflag:$0x1] =	stream.indirect.gather [hbm4b:s1+s17], $0x1, s23, s17, $0xb8;
	[tilespmem:$0x18800] =	vst v63  }
0x37: {  	p1 =	sne.s32 s24, $0x1E00;
	_ =	swait.ge [sflag:s19], $0x80  }
.Ltmp3:
0x38: {  	[sflag:s19] =	ssyncset.done $0x0;
	(pc) =	sbr.rel @p1 .LBB2_4-.Ltmp3, $4  }
0x39: {  	s24 =	sadd.s32 $0x2000, s23;
	s23 =	sadd.s32 $0x800, s23;
	[sflag:s19] =	ssyncadd.s32 $0xFFFFFF80  }
0x3a: {  	[tilespmem:s24], [sflag:$0x1] =	stream.indirect.gather [hbm4b:s1+s17], $0x1, s23, s17, $0xb8;
	[tilespmem:$0x18800] =	vst v63  }
0x3b: {  	_ =	swait.ge [sflag:s19], $0x80  }
0x3c: {  	s23 =	sshra.s32 s26, $0x2;
	s24 =	smov.u32 s28;
	[sflag:s19] =	ssyncset.done $0x0  }
0x3d: {  	s24 =	sadd.s32 $0x1800, s23;
	[sflag:s19] =	ssyncadd.s32 $0xFFFFFF80  }
0x3e: {  	[tilespmem:s24], [sflag:$0x1] =	stream.indirect.gather [hbm4b:s1+s17], $0x1, s23, s17, $0xb8;
	[tilespmem:$0x18800] =	vst v63  }
0x3f: {  	_ =	swait.ge [sflag:s19], $0x80  }
0x40: {  	[sflag:s19] =	ssyncset.done $0x0  }
0x41: {  	s30 =	sadd.s32 $0x2000, s23;
	s31 =	sadd.s32 $0x800, s23;
	[sflag:s19] =	ssyncadd.s32 $0xFFFFFF80  }
0x42: {  	[tilespmem:s30], [sflag:$0x1] =	stream.indirect.gather [hbm4b:s1+s17], $0x1, s31, s17, $0xb8;
	[tilespmem:$0x18800] =	vst v63  }
0x43: {  	_ =	swait.ge [sflag:s19], $0x80  }
0x44: {  	[sflag:s19] =	ssyncset.done $0x0  }
0x45: {  	s23 =	simm.s32 $0x0;
	[sflag:s19] =	ssyncadd.s32 $0xFFFFFF80  }
0x46: {  	v1 =	vld [tilespmem:s23+$0x1800];
	_ =	sdelay $0x1  }
0x47: {  	v2 =	vld [tilespmem:s23+$0x2000]  }
0x48: {  	s24 =	simm.s32 $0x40  }
.LBB2_6:
0x49: {  	p1 =	sne.s32 s24, $0x1FC0  }
.Ltmp4:
0x4a: {  	s25 =	sshra.s32 s24, $0x2;
	s24 =	sadd.s32 $0x40, s24;
	v3 =	vmul.f32 $5.000000000e-01, v1;
	(pc) =	sbr.rel @p1 .LBB2_6-.Ltmp4, $4  }
0x4b: {  	v1 =	vld [tilespmem:s25+$0x1800]  }
0x4c: {  	v3 =	vmul.f32 v2, v3  }
0x4d: {  	v2 =	vld [tilespmem:s25+$0x2000]  }
0x4e: {  	[tilespmem:s23+$0x1000] =	vst v3;
	s23 =	smov.u32 s25  }
0x4f: {  	_ = 	snop  }
0x50: {  	v1 =	vmul.f32 $5.000000000e-01, v1;
	_ =	sdelay $0x1  }
0x51: {  	v1 =	vmul.f32 v2, v1;
	_ =	sdelay $0x1  }
.Ltmp5:
0x52: {  	[tilespmem:s23+$0x1000] =	vst v1;
	(pc) =	sbr.rel @!p0 .LBB2_8-.Ltmp5, $4  }
0x53: {  	[spmem:s8] =	stream.linear.scatter [tilespmem:s21], [sflag:$0x1], $0x4000, $0x38;
	[tilespmem:$0x18800] =	vst v63  }
0x54: {  	_ =	swait.ge [sflag:s19], $0x4000  }
0x55: {  	[sflag:s19] =	ssyncset.done $0x0  }
0x56: {  	[sflag:s19] =	ssyncadd.s32 $0xFFFFC000  }
0x57: {  	[spmem:s14] =	stream.linear.scatter [tilespmem:s21], [sflag:$0x1], $0x4000, $0x38;
	[tilespmem:$0x18800] =	vst v63  }
0x58: {  	_ =	swait.ge [sflag:s19], $0x4000  }
0x59: {  	[sflag:s19] =	ssyncset.done $0x0  }
0x5a: {  	[sflag:s19] =	ssyncadd.s32 $0xFFFFC000  }
0x5b: {  	[spmem:s15] =	stream.linear.scatter [tilespmem:s21], [sflag:$0x1], $0x4000, $0x38;
	[tilespmem:$0x18800] =	vst v63  }
0x5c: {  	_ =	swait.ge [sflag:s19], $0x4000  }
0x5d: {  	[sflag:s19] =	ssyncset.done $0x0  }
0x5e: {  	[sflag:s19] =	ssyncadd.s32 $0xFFFFC000  }
0x5f: {  	[spmem:s16] =	stream.linear.scatter [tilespmem:s21], [sflag:$0x1], $0x4000, $0x38;
	[tilespmem:$0x18800] =	vst v63  }
0x60: {  	_ =	swait.ge [sflag:s19], $0x4000  }
0x61: {  	[sflag:s19] =	ssyncset.done $0x0  }
0x62: {  	[sflag:s19] =	ssyncadd.s32 $0xFFFFC000  }
0x63: {  	s24 =	simm.s32 $0x0;
	[bflag:$0x0] =	sbarrier.arrive $0xFFFF  }
0x64: {  	v1 =	vld [tilespmem:s24+$0x800]  }
0x65: {  	v4 =	vld [tilespmem:s24+$0x0];
	_ =	sdelay $0x1  }
0x66: {  	v6 =	vld [tilespmem:s24+$0x1000];
	_ =	sdelay $0x1  }
0x67: {  	s23 =	simm.s32 $0x10  }
0x68: {  	v2 =	vld [tilespmem:s23+$0x800];
	v3 =	vshll.u32 v1, $0xB;
	v5 =	vand.u32 $0xFFFFFE00, v1;
	v8 =	vshll.u32 v4, $0xB  }
0x69: {  	v7 =	vadd.s32 v3, v4;
	v3 =	vld [tilespmem:s23+$0x0];
	vm0 =	veq.s32 v5, $0x400;
	v4 =	vand.u32 $0xFFFFFE00, v4  }
0x6a: {  	v5 =	vadd.s32 $0xFFE00000, v7;
	v7 =	vadd.s32 v1, v8;
	v1 =	vld [tilespmem:s23+$0x1000];
	v63 =	vnsel vm0, $0x0, v6  }
0x6b: {  	vm1 =	veq.s32 v4, $0x400;
	v5 =	vnsel vm0, $0x0, v5;
	v7 =	vadd.s32 $0xFFE00000, v7;
	[tilespmem:s24+$0x4000] =	vst v63  }
0x6c: {  	s25 =	simm.s32 $0x80;
	v4 =	vnsel vm1, $0x0, v6;
	[tilespmem:s24+$0x3800] =	vst v5;
	v5 =	vnsel vm1, $0x0, v7  }
.LBB2_18:
0x6d: {  	s26 =	sshra.s32 s25, $0x2;
	p1 =	sne.s32 s25, $0x1FC0;
	s25 =	sadd.s32 $0x40, s25;
	v6 =	vshll.u32 v2, $0xB;
	[tilespmem:s24+$0x2800] =	vst v5;
	v5 =	vmov v2  }
.Ltmp6:
0x6e: {  	v2 =	vld [tilespmem:s26+$0x800];
	v9 =	vand.u32 $0xFFFFFE00, v5;
	v8 =	vshll.u32 v3, $0xB;
	v6 =	vadd.s32 v6, v3;
	[tilespmem:s24+$0x3000] =	vst v4;
	v4 =	vmovc v3;
	s24 =	smov.u32 s23;
	s23 =	smov.u32 s26;
	(pc) =	sbr.rel @p1 .LBB2_18-.Ltmp6, $4  }
0x6f: {  	v3 =	vld [tilespmem:s23+$0x0];
	vm0 =	veq.s32 v9, $0x400;
	v5 =	vadd.s32 v5, v8;
	v6 =	vadd.s32 $0xFFE00000, v6;
	v7 =	vmovc v1  }
0x70: {  	v4 =	vand.u32 $0xFFFFFE00, v4;
	v1 =	vld [tilespmem:s23+$0x1000];
	v5 =	vadd.s32 $0xFFE00000, v5;
	v6 =	vnsel vm0, $0x0, v6  }
0x71: {  	vm1 =	veq.s32 v4, $0x400;
	[tilespmem:s24+$0x3800] =	vst v6;
	v6 =	vnsel vm0, $0x0, v7  }
0x72: {  	v5 =	vnsel vm1, $0x0, v5;
	v4 =	vnsel vm1, $0x0, v7;
	[tilespmem:s24+$0x4000] =	vst v6  }
0x73: {  	v6 =	vshll.u32 v2, $0xB  }
0x74: {  	v7 =	vand.u32 $0xFFFFFE00, v2;
	v6 =	vadd.s32 v6, v3  }
0x75: {  	[tilespmem:s24+$0x2800] =	vst v5;
	v62 =	vshll.u32 v3, $0xB;
	vm0 =	veq.s32 v7, $0x400;
	v3 =	vand.u32 $0xFFFFFE00, v3  }
0x76: {  	[tilespmem:s24+$0x3000] =	vst v4;
	v6 =	vadd.s32 $0xFFE00000, v6;
	vm1 =	veq.s32 v3, $0x400;
	v3 =	vnsel vm0, $0x0, v1  }
0x77: {  	v2 =	vadd.s32 v2, v62;
	v63 =	vnsel vm0, $0x0, v6;
	[tilespmem:s23+$0x4000] =	vst v3  }
0x78: {  	v2 =	vadd.s32 $0xFFE00000, v2;
	v1 =	vnsel vm1, $0x0, v1;
	[tilespmem:s23+$0x3800] =	vst v63  }
0x79: {  	v2 =	vnsel vm1, $0x0, v2;
	[tilespmem:s23+$0x3000] =	vst v1  }
0x7a: {  	s28 =	simm.s32 $0x3000;
	s29 =	simm.s32 $0x2800;
	[tilespmem:s23+$0x2800] =	vst v2  }
0x7b: {  	[spmem:s3] =	stream.indirect.scatter.add.f32 [tilespmem:s28], [sflag:$0x1], $0x1, s29, s17, $0xb8;
	[tilespmem:$0x18800] =	vst v63  }
0x7c: {  	_ =	swait.ge [sflag:s19], $0x80  }
0x7d: {  	[sflag:s19] =	ssyncset.done $0x0  }
0x7e: {  	s30 =	simm.s32 $0x4000;
	s31 =	simm.s32 $0x3800;
	[sflag:s19] =	ssyncadd.s32 $0xFFFFFF80  }
0x7f: {  	[spmem:s3] =	stream.indirect.scatter.add.f32 [tilespmem:s30], [sflag:$0x1], $0x1, s31, s17, $0xb8;
	[tilespmem:$0x18800] =	vst v63  }
0x80: {  	_ =	swait.ge [sflag:s19], $0x80  }
0x81: {  	s24 =	simm.s32 $0x400;
	s23 =	simm.s32 $0x80;
	[sflag:s19] =	ssyncset.done $0x0  }
.LBB2_20:
0x82: {  	s25 =	sadd.s32 $0x3000, s23  }
0x83: {  	s26 =	sadd.s32 $0x2800, s23;
	[sflag:s19] =	ssyncadd.s32 $0xFFFFFF80;
	s28 =	smov.u32 s24  }
0x84: {  	[spmem:s3] =	stream.indirect.scatter.add.f32 [tilespmem:s25], [sflag:$0x1], $0x1, s26, s17, $0xb8;
	[tilespmem:$0x18800] =	vst v63  }
0x85: {  	p1 =	sne.s32 s24, $0x1E00;
	s24 =	sadd.s32 $0x200, s24;
	_ =	swait.ge [sflag:s19], $0x80  }
.Ltmp7:
0x86: {  	[sflag:s19] =	ssyncset.done $0x0;
	(pc) =	sbr.rel @p1 .LBB2_20-.Ltmp7, $4  }
0x87: {  	s25 =	sadd.s32 $0x4000, s23;
	s23 =	sadd.s32 $0x3800, s23;
	[sflag:s19] =	ssyncadd.s32 $0xFFFFFF80  }
0x88: {  	[spmem:s3] =	stream.indirect.scatter.add.f32 [tilespmem:s25], [sflag:$0x1], $0x1, s23, s17, $0xb8;
	[tilespmem:$0x18800] =	vst v63  }
0x89: {  	_ =	swait.ge [sflag:s19], $0x80  }
0x8a: {  	s23 =	sshra.s32 s28, $0x2;
	[sflag:s19] =	ssyncset.done $0x0  }
0x8b: {  	s24 =	sadd.s32 $0x3000, s23;
	s25 =	sadd.s32 $0x2800, s23;
	[sflag:s19] =	ssyncadd.s32 $0xFFFFFF80  }
0x8c: {  	[spmem:s3] =	stream.indirect.scatter.add.f32 [tilespmem:s24], [sflag:$0x1], $0x1, s25, s17, $0xb8;
	[tilespmem:$0x18800] =	vst v63  }
0x8d: {  	_ =	swait.ge [sflag:s19], $0x80  }
0x8e: {  	[sflag:s19] =	ssyncset.done $0x0  }
0x8f: {  	s28 =	sadd.s32 $0x4000, s23;
	s29 =	sadd.s32 $0x3800, s23;
	[sflag:s19] =	ssyncadd.s32 $0xFFFFFF80  }
0x90: {  	[spmem:s3] =	stream.indirect.scatter.add.f32 [tilespmem:s28], [sflag:$0x1], $0x1, s29, s17, $0xb8;
	[tilespmem:$0x18800] =	vst v63  }
0x91: {  	_ =	swait.ge [sflag:s19], $0x80  }
0x92: {  	[sflag:s19] =	ssyncset.done $0x0  }
0x93: {  	s30 =	sshll.u32 s2, $0x6;
	[sflag:s19] =	ssyncadd.s32 $0xFFFFFF80  }
0x94: {  	s31 =	sshrl.u32 s8, $0x3;
	s23 =	sor.u32 $0x1C01, s30;
	[bflag:$0x0] =	sbarrier.arrive $0xFFFF  }
0x95: {  	[hbm:s11], [sflag:s23] =	dma.local [spmem:s31], $0x2000  }
0x96: {  	_ =	swait.ge [sflag:s19], $0x2000  }
0x97: {  	[sflag:s19] =	ssyncset.done $0x0  }
0x98: {  	[sflag:s19] =	ssyncadd.s32 $0xFFFFE000  }
0x99: {  	[spmem:s8] =	stream.linear.scatter [tilespmem:s21], [sflag:$0x1], $0x4000, $0x38;
	[tilespmem:$0x18800] =	vst v63  }
0x9a: {  	_ =	swait.ge [sflag:s19], $0x4000  }
0x9b: {  	[sflag:s19] =	ssyncset.done $0x0  }
0x9c: {  	[sflag:s19] =	ssyncadd.s32 $0xFFFFC000  }
0x9d: {  	[spmem:s14] =	stream.linear.scatter [tilespmem:s21], [sflag:$0x1], $0x4000, $0x38;
	[tilespmem:$0x18800] =	vst v63  }
0x9e: {  	_ =	swait.ge [sflag:s19], $0x4000  }
0x9f: {  	[sflag:s19] =	ssyncset.done $0x0  }
0xa0: {  	[sflag:s19] =	ssyncadd.s32 $0xFFFFC000  }
0xa1: {  	[spmem:s15] =	stream.linear.scatter [tilespmem:s21], [sflag:$0x1], $0x4000, $0x38;
	[tilespmem:$0x18800] =	vst v63  }
0xa2: {  	_ =	swait.ge [sflag:s19], $0x4000  }
0xa3: {  	[sflag:s19] =	ssyncset.done $0x0  }
0xa4: {  	[sflag:s19] =	ssyncadd.s32 $0xFFFFC000  }
0xa5: {  	[spmem:s16] =	stream.linear.scatter [tilespmem:s21], [sflag:$0x1], $0x4000, $0x38;
	[tilespmem:$0x18800] =	vst v63  }
0xa6: {  	_ =	swait.ge [sflag:s19], $0x4000  }
0xa7: {  	[sflag:s19] =	ssyncset.done $0x0  }
0xa8: {  	[sflag:s19] =	ssyncadd.s32 $0xFFFFC000  }
0xa9: {  	s25 =	simm.s32 $0x0;
	[bflag:$0x0] =	sbarrier.arrive $0xFFFF  }
0xaa: {  	v1 =	vld [tilespmem:s25+$0x800]  }
0xab: {  	v4 =	vld [tilespmem:s25+$0x0];
	_ =	sdelay $0x1  }
0xac: {  	v6 =	vld [tilespmem:s25+$0x1000];
	_ =	sdelay $0x1  }
0xad: {  	s24 =	simm.s32 $0x10  }
0xae: {  	v2 =	vld [tilespmem:s24+$0x800];
	v3 =	vshll.u32 v1, $0xB;
	v5 =	vand.u32 $0xFFFFFE00, v1;
	v8 =	vshll.u32 v4, $0xB  }
0xaf: {  	v7 =	vadd.s32 v3, v4;
	v3 =	vld [tilespmem:s24+$0x0];
	vm0 =	veq.s32 v5, $0x600;
	v4 =	vand.u32 $0xFFFFFE00, v4  }
0xb0: {  	v5 =	vadd.s32 $0xFFD00000, v7;
	v7 =	vadd.s32 v1, v8;
	v1 =	vld [tilespmem:s24+$0x1000];
	v63 =	vnsel vm0, $0x0, v6  }
0xb1: {  	vm1 =	veq.s32 v4, $0x600;
	v5 =	vnsel vm0, $0x0, v5;
	v7 =	vadd.s32 $0xFFD00000, v7;
	[tilespmem:s25+$0x4000] =	vst v63  }
0xb2: {  	s26 =	simm.s32 $0x80;
	v4 =	vnsel vm1, $0x0, v6;
	[tilespmem:s25+$0x3800] =	vst v5;
	v5 =	vnsel vm1, $0x0, v7  }
.LBB2_22:
0xb3: {  	s28 =	sshra.s32 s26, $0x2;
	p1 =	sne.s32 s26, $0x1FC0;
	s26 =	sadd.s32 $0x40, s26;
	v6 =	vshll.u32 v2, $0xB;
	[tilespmem:s25+$0x2800] =	vst v5;
	v5 =	vmov v2  }
.Ltmp8:
0xb4: {  	v2 =	vld [tilespmem:s28+$0x800];
	v9 =	vand.u32 $0xFFFFFE00, v5;
	v8 =	vshll.u32 v3, $0xB;
	v6 =	vadd.s32 v6, v3;
	[tilespmem:s25+$0x3000] =	vst v4;
	v4 =	vmovc v3;
	s25 =	smov.u32 s24;
	s24 =	smov.u32 s28;
	(pc) =	sbr.rel @p1 .LBB2_22-.Ltmp8, $4  }
0xb5: {  	v3 =	vld [tilespmem:s24+$0x0];
	vm0 =	veq.s32 v9, $0x600;
	v5 =	vadd.s32 v5, v8;
	v6 =	vadd.s32 $0xFFD00000, v6;
	v7 =	vmovc v1  }
0xb6: {  	v4 =	vand.u32 $0xFFFFFE00, v4;
	v1 =	vld [tilespmem:s24+$0x1000];
	v5 =	vadd.s32 $0xFFD00000, v5;
	v6 =	vnsel vm0, $0x0, v6  }
0xb7: {  	vm1 =	veq.s32 v4, $0x600;
	[tilespmem:s25+$0x3800] =	vst v6;
	v6 =	vnsel vm0, $0x0, v7  }
0xb8: {  	v5 =	vnsel vm1, $0x0, v5;
	v4 =	vnsel vm1, $0x0, v7;
	[tilespmem:s25+$0x4000] =	vst v6  }
0xb9: {  	v6 =	vshll.u32 v2, $0xB  }
0xba: {  	v7 =	vand.u32 $0xFFFFFE00, v2;
	v6 =	vadd.s32 v6, v3  }
0xbb: {  	[tilespmem:s25+$0x2800] =	vst v5;
	v62 =	vshll.u32 v3, $0xB;
	vm0 =	veq.s32 v7, $0x600;
	v3 =	vand.u32 $0xFFFFFE00, v3  }
0xbc: {  	[tilespmem:s25+$0x3000] =	vst v4;
	v6 =	vadd.s32 $0xFFD00000, v6;
	vm1 =	veq.s32 v3, $0x600;
	v3 =	vnsel vm0, $0x0, v1  }
0xbd: {  	v2 =	vadd.s32 v2, v62;
	v63 =	vnsel vm0, $0x0, v6;
	[tilespmem:s24+$0x4000] =	vst v3  }
0xbe: {  	v2 =	vadd.s32 $0xFFD00000, v2;
	v1 =	vnsel vm1, $0x0, v1;
	[tilespmem:s24+$0x3800] =	vst v63  }
0xbf: {  	v2 =	vnsel vm1, $0x0, v2;
	[tilespmem:s24+$0x3000] =	vst v1  }
0xc0: {  	s28 =	simm.s32 $0x3000;
	s29 =	simm.s32 $0x2800;
	[tilespmem:s24+$0x2800] =	vst v2  }
0xc1: {  	[spmem:s3] =	stream.indirect.scatter.add.f32 [tilespmem:s28], [sflag:$0x1], $0x1, s29, s17, $0xb8;
	[tilespmem:$0x18800] =	vst v63  }
0xc2: {  	_ =	swait.ge [sflag:s19], $0x80  }
0xc3: {  	[sflag:s19] =	ssyncset.done $0x0  }
0xc4: {  	s30 =	simm.s32 $0x4000;
	s31 =	simm.s32 $0x3800;
	[sflag:s19] =	ssyncadd.s32 $0xFFFFFF80  }
0xc5: {  	[spmem:s3] =	stream.indirect.scatter.add.f32 [tilespmem:s30], [sflag:$0x1], $0x1, s31, s17, $0xb8;
	[tilespmem:$0x18800] =	vst v63  }
0xc6: {  	_ =	swait.ge [sflag:s19], $0x80  }
0xc7: {  	s25 =	simm.s32 $0x400;
	s24 =	simm.s32 $0x80;
	[sflag:s19] =	ssyncset.done $0x0  }
.LBB2_24:
0xc8: {  	s26 =	sadd.s32 $0x3000, s24  }
0xc9: {  	s28 =	sadd.s32 $0x2800, s24;
	[sflag:s19] =	ssyncadd.s32 $0xFFFFFF80;
	s29 =	smov.u32 s25  }
0xca: {  	[spmem:s3] =	stream.indirect.scatter.add.f32 [tilespmem:s26], [sflag:$0x1], $0x1, s28, s17, $0xb8;
	[tilespmem:$0x18800] =	vst v63  }
0xcb: {  	p1 =	sne.s32 s25, $0x1E00;
	s25 =	sadd.s32 $0x200, s25;
	_ =	swait.ge [sflag:s19], $0x80  }
.Ltmp9:
0xcc: {  	[sflag:s19] =	ssyncset.done $0x0;
	(pc) =	sbr.rel @p1 .LBB2_24-.Ltmp9, $4  }
0xcd: {  	s26 =	sadd.s32 $0x4000, s24;
	s24 =	sadd.s32 $0x3800, s24;
	[sflag:s19] =	ssyncadd.s32 $0xFFFFFF80  }
0xce: {  	[spmem:s3] =	stream.indirect.scatter.add.f32 [tilespmem:s26], [sflag:$0x1], $0x1, s24, s17, $0xb8;
	[tilespmem:$0x18800] =	vst v63  }
0xcf: {  	_ =	swait.ge [sflag:s19], $0x80  }
0xd0: {  	s24 =	sshra.s32 s29, $0x2;
	[sflag:s19] =	ssyncset.done $0x0  }
0xd1: {  	s25 =	sadd.s32 $0x3000, s24;
	s26 =	sadd.s32 $0x2800, s24;
	[sflag:s19] =	ssyncadd.s32 $0xFFFFFF80  }
0xd2: {  	[spmem:s3] =	stream.indirect.scatter.add.f32 [tilespmem:s25], [sflag:$0x1], $0x1, s26, s17, $0xb8;
	[tilespmem:$0x18800] =	vst v63  }
0xd3: {  	_ =	swait.ge [sflag:s19], $0x80  }
0xd4: {  	s30 =	sadd.s32 $0x4000, s24;
	[sflag:s19] =	ssyncset.done $0x0  }
.Ltmp10:
0xd5: {  	s31 =	sadd.s32 $0x3800, s24;
	[sflag:s19] =	ssyncadd.s32 $0xFFFFFF80;
	(pc) =	sbr.rel .LBB2_26-.Ltmp10, $4  }
0xd6: {  	[spmem:s3] =	stream.indirect.scatter.add.f32 [tilespmem:s30], [sflag:$0x1], $0x1, s31, s17, $0xb8;
	[tilespmem:$0x18800] =	vst v63  }
0xd7: {  	_ =	swait.ge [sflag:s19], $0x80  }
0xd8: {  	[sflag:s19] =	ssyncset.done $0x0  }
0xd9: {  	s24 =	smov.u32 s12;
	[sflag:s19] =	ssyncadd.s32 $0xFFFFFF80  }
.LBB2_8:
0xda: {  	[spmem:s14] =	stream.linear.scatter [tilespmem:s21], [sflag:$0x1], $0x4000, $0x38;
	[tilespmem:$0x18800] =	vst v63  }
0xdb: {  	_ =	swait.ge [sflag:s19], $0x4000  }
0xdc: {  	[sflag:s19] =	ssyncset.done $0x0  }
0xdd: {  	[sflag:s19] =	ssyncadd.s32 $0xFFFFC000  }
0xde: {  	[spmem:s15] =	stream.linear.scatter [tilespmem:s21], [sflag:$0x1], $0x4000, $0x38;
	[tilespmem:$0x18800] =	vst v63  }
0xdf: {  	_ =	swait.ge [sflag:s19], $0x4000  }
0xe0: {  	[sflag:s19] =	ssyncset.done $0x0  }
0xe1: {  	[sflag:s19] =	ssyncadd.s32 $0xFFFFC000  }
0xe2: {  	[spmem:s16] =	stream.linear.scatter [tilespmem:s21], [sflag:$0x1], $0x4000, $0x38;
	[tilespmem:$0x18800] =	vst v63  }
0xe3: {  	_ =	swait.ge [sflag:s19], $0x4000  }
0xe4: {  	[sflag:s19] =	ssyncset.done $0x0  }
0xe5: {  	[sflag:s19] =	ssyncadd.s32 $0xFFFFC000  }
0xe6: {  	s24 =	simm.s32 $0x0;
	[bflag:$0x0] =	sbarrier.arrive $0xFFFF  }
0xe7: {  	v2 =	vld [tilespmem:s24+$0x800]  }
0xe8: {  	v4 =	vld [tilespmem:s24+$0x0];
	_ =	sdelay $0x2  }
0xe9: {  	v5 =	vld [tilespmem:s24+$0x1000]  }
0xea: {  	s23 =	simm.s32 $0x10;
	v3 =	vshll.u32 v2, $0xB  }
0xeb: {  	v1 =	vld [tilespmem:s23+$0x800];
	vm0 =	vlt.u32 v2, $0x200;
	v6 =	vshll.u32 v4, $0xB;
	v7 =	vadd.s32 v4, v3  }
0xec: {  	vm1 =	vlt.u32 v4, $0x200;
	v3 =	vld [tilespmem:s23+$0x0];
	v4 =	vadd.s32 v2, v6;
	v6 =	vnsel vm0, $0x0, v7  }
0xed: {  	v2 =	vld [tilespmem:s23+$0x1000];
	v4 =	vnsel vm1, $0x0, v4;
	[tilespmem:s24+$0x3800] =	vst v6  }
0xee: {  	v6 =	vnsel vm1, $0x0, v5;
	[tilespmem:s24+$0x2800] =	vst v4  }
0xef: {  	s25 =	simm.s32 $0x80;
	v4 =	vnsel vm0, $0x0, v5;
	[tilespmem:s24+$0x3000] =	vst v6  }
.LBB2_9:
0xf0: {  	s26 =	sshra.s32 s25, $0x2;
	p1 =	sne.s32 s25, $0x1FC0;
	s25 =	sadd.s32 $0x40, s25;
	v5 =	vshll.u32 v1, $0xB;
	[tilespmem:s24+$0x4000] =	vst v4;
	v4 =	vmov v1  }
.Ltmp11:
0xf1: {  	s24 =	smov.u32 s23;
	v1 =	vld [tilespmem:s26+$0x800];
	vm0 =	vlt.u32 v4, $0x200;
	v6 =	vshll.u32 v3, $0xB;
	v5 =	vadd.s32 v3, v5;
	s23 =	smov.u32 s26;
	(pc) =	sbr.rel @p1 .LBB2_9-.Ltmp11, $4  }
0xf2: {  	vm1 =	vlt.u32 v3, $0x200;
	v3 =	vld [tilespmem:s23+$0x0];
	v4 =	vadd.s32 v4, v6;
	v5 =	vnsel vm0, $0x0, v5  }
0xf3: {  	v7 =	vnsel vm1, $0x0, v2;
	v6 =	vnsel vm1, $0x0, v4;
	[tilespmem:s24+$0x3800] =	vst v5;
	v4 =	vnsel vm0, $0x0, v2;
	v2 =	vld [tilespmem:s23+$0x1000]  }
0xf4: {  	[tilespmem:s24+$0x2800] =	vst v6  }
0xf5: {  	[tilespmem:s24+$0x3000] =	vst v7  }
0xf6: {  	v5 =	vshll.u32 v1, $0xB  }
0xf7: {  	vm0 =	vlt.u32 v1, $0x200;
	v6 =	vshll.u32 v3, $0xB;
	v5 =	vadd.s32 v3, v5  }
0xf8: {  	[tilespmem:s24+$0x4000] =	vst v4;
	vm1 =	vlt.u32 v3, $0x200;
	v1 =	vadd.s32 v1, v6;
	v3 =	vnsel vm0, $0x0, v5  }
0xf9: {  	v1 =	vnsel vm1, $0x0, v1;
	[tilespmem:s23+$0x3800] =	vst v3  }
0xfa: {  	v3 =	vnsel vm1, $0x0, v2;
	[tilespmem:s23+$0x2800] =	vst v1  }
0xfb: {  	v1 =	vnsel vm0, $0x0, v2;
	[tilespmem:s23+$0x3000] =	vst v3  }
0xfc: {  	s28 =	simm.s32 $0x3000;
	s29 =	simm.s32 $0x2800;
	[tilespmem:s23+$0x4000] =	vst v1  }
0xfd: {  	[spmem:s3] =	stream.indirect.scatter.add.f32 [tilespmem:s28], [sflag:$0x1], $0x1, s29, s17, $0xb8;
	[tilespmem:$0x18800] =	vst v63  }
0xfe: {  	_ =	swait.ge [sflag:s19], $0x80  }
0xff: {  	[sflag:s19] =	ssyncset.done $0x0  }
0x100: {  	s30 =	simm.s32 $0x4000;
	s31 =	simm.s32 $0x3800;
	[sflag:s19] =	ssyncadd.s32 $0xFFFFFF80  }
0x101: {  	[spmem:s3] =	stream.indirect.scatter.add.f32 [tilespmem:s30], [sflag:$0x1], $0x1, s31, s17, $0xb8;
	[tilespmem:$0x18800] =	vst v63  }
0x102: {  	_ =	swait.ge [sflag:s19], $0x80  }
0x103: {  	s24 =	simm.s32 $0x400;
	s23 =	simm.s32 $0x80;
	[sflag:s19] =	ssyncset.done $0x0  }
.LBB2_11:
0x104: {  	s25 =	sadd.s32 $0x3000, s23  }
0x105: {  	s26 =	sadd.s32 $0x2800, s23;
	[sflag:s19] =	ssyncadd.s32 $0xFFFFFF80;
	s28 =	smov.u32 s24  }
0x106: {  	[spmem:s3] =	stream.indirect.scatter.add.f32 [tilespmem:s25], [sflag:$0x1], $0x1, s26, s17, $0xb8;
	[tilespmem:$0x18800] =	vst v63  }
0x107: {  	p1 =	sne.s32 s24, $0x1E00;
	s24 =	sadd.s32 $0x200, s24;
	_ =	swait.ge [sflag:s19], $0x80  }
.Ltmp12:
0x108: {  	[sflag:s19] =	ssyncset.done $0x0;
	(pc) =	sbr.rel @p1 .LBB2_11-.Ltmp12, $4  }
0x109: {  	s25 =	sadd.s32 $0x4000, s23;
	s23 =	sadd.s32 $0x3800, s23;
	[sflag:s19] =	ssyncadd.s32 $0xFFFFFF80  }
0x10a: {  	[spmem:s3] =	stream.indirect.scatter.add.f32 [tilespmem:s25], [sflag:$0x1], $0x1, s23, s17, $0xb8;
	[tilespmem:$0x18800] =	vst v63  }
0x10b: {  	_ =	swait.ge [sflag:s19], $0x80  }
0x10c: {  	s23 =	sshra.s32 s28, $0x2;
	[sflag:s19] =	ssyncset.done $0x0  }
0x10d: {  	s24 =	sadd.s32 $0x3000, s23;
	s25 =	sadd.s32 $0x2800, s23;
	[sflag:s19] =	ssyncadd.s32 $0xFFFFFF80  }
0x10e: {  	[spmem:s3] =	stream.indirect.scatter.add.f32 [tilespmem:s24], [sflag:$0x1], $0x1, s25, s17, $0xb8;
	[tilespmem:$0x18800] =	vst v63  }
0x10f: {  	_ =	swait.ge [sflag:s19], $0x80  }
0x110: {  	[sflag:s19] =	ssyncset.done $0x0  }
0x111: {  	s28 =	sadd.s32 $0x4000, s23;
	s29 =	sadd.s32 $0x3800, s23;
	[sflag:s19] =	ssyncadd.s32 $0xFFFFFF80  }
0x112: {  	[spmem:s3] =	stream.indirect.scatter.add.f32 [tilespmem:s28], [sflag:$0x1], $0x1, s29, s17, $0xb8;
	[tilespmem:$0x18800] =	vst v63  }
0x113: {  	_ =	swait.ge [sflag:s19], $0x80  }
0x114: {  	[sflag:s19] =	ssyncset.done $0x0  }
0x115: {  	s30 =	sshll.u32 s2, $0x6;
	[sflag:s19] =	ssyncadd.s32 $0xFFFFFF80  }
0x116: {  	s31 =	sshrl.u32 s8, $0x3;
	s23 =	sor.u32 $0x1C01, s30;
	[bflag:$0x0] =	sbarrier.arrive $0xFFFF  }
0x117: {  	[hbm:s9], [sflag:s23] =	dma.local [spmem:s31], $0x2000  }
0x118: {  	_ =	swait.ge [sflag:s19], $0x2000  }
0x119: {  	[sflag:s19] =	ssyncset.done $0x0  }
0x11a: {  	[sflag:s19] =	ssyncadd.s32 $0xFFFFE000  }
0x11b: {  	[spmem:s8] =	stream.linear.scatter [tilespmem:s21], [sflag:$0x1], $0x4000, $0x38;
	[tilespmem:$0x18800] =	vst v63  }
0x11c: {  	_ =	swait.ge [sflag:s19], $0x4000  }
0x11d: {  	[sflag:s19] =	ssyncset.done $0x0  }
0x11e: {  	[sflag:s19] =	ssyncadd.s32 $0xFFFFC000  }
0x11f: {  	[spmem:s14] =	stream.linear.scatter [tilespmem:s21], [sflag:$0x1], $0x4000, $0x38;
	[tilespmem:$0x18800] =	vst v63  }
0x120: {  	_ =	swait.ge [sflag:s19], $0x4000  }
0x121: {  	[sflag:s19] =	ssyncset.done $0x0  }
0x122: {  	[sflag:s19] =	ssyncadd.s32 $0xFFFFC000  }
0x123: {  	[spmem:s15] =	stream.linear.scatter [tilespmem:s21], [sflag:$0x1], $0x4000, $0x38;
	[tilespmem:$0x18800] =	vst v63  }
0x124: {  	_ =	swait.ge [sflag:s19], $0x4000  }
0x125: {  	[sflag:s19] =	ssyncset.done $0x0  }
0x126: {  	[sflag:s19] =	ssyncadd.s32 $0xFFFFC000  }
0x127: {  	[spmem:s16] =	stream.linear.scatter [tilespmem:s21], [sflag:$0x1], $0x4000, $0x38;
	[tilespmem:$0x18800] =	vst v63  }
0x128: {  	_ =	swait.ge [sflag:s19], $0x4000  }
0x129: {  	[sflag:s19] =	ssyncset.done $0x0  }
0x12a: {  	[sflag:s19] =	ssyncadd.s32 $0xFFFFC000  }
0x12b: {  	s25 =	simm.s32 $0x0;
	[bflag:$0x0] =	sbarrier.arrive $0xFFFF  }
0x12c: {  	v1 =	vld [tilespmem:s25+$0x800]  }
0x12d: {  	v4 =	vld [tilespmem:s25+$0x0];
	_ =	sdelay $0x1  }
0x12e: {  	v6 =	vld [tilespmem:s25+$0x1000];
	_ =	sdelay $0x1  }
0x12f: {  	s24 =	simm.s32 $0x10  }
0x130: {  	v2 =	vld [tilespmem:s24+$0x800];
	v3 =	vshll.u32 v1, $0xB;
	v5 =	vand.u32 $0xFFFFFE00, v1;
	v8 =	vshll.u32 v4, $0xB  }
0x131: {  	v7 =	vadd.s32 v3, v4;
	v3 =	vld [tilespmem:s24+$0x0];
	vm0 =	veq.s32 v5, $0x200;
	v4 =	vand.u32 $0xFFFFFE00, v4  }
0x132: {  	v5 =	vadd.s32 $0xFFF00000, v7;
	v7 =	vadd.s32 v1, v8;
	v1 =	vld [tilespmem:s24+$0x1000];
	v63 =	vnsel vm0, $0x0, v6  }
0x133: {  	vm1 =	veq.s32 v4, $0x200;
	v5 =	vnsel vm0, $0x0, v5;
	v7 =	vadd.s32 $0xFFF00000, v7;
	[tilespmem:s25+$0x4000] =	vst v63  }
0x134: {  	s26 =	simm.s32 $0x80;
	v4 =	vnsel vm1, $0x0, v6;
	[tilespmem:s25+$0x3800] =	vst v5;
	v5 =	vnsel vm1, $0x0, v7  }
.LBB2_13:
0x135: {  	s28 =	sshra.s32 s26, $0x2;
	p1 =	sne.s32 s26, $0x1FC0;
	s26 =	sadd.s32 $0x40, s26;
	v6 =	vshll.u32 v2, $0xB;
	[tilespmem:s25+$0x2800] =	vst v5;
	v5 =	vmov v2  }
.Ltmp13:
0x136: {  	v2 =	vld [tilespmem:s28+$0x800];
	v9 =	vand.u32 $0xFFFFFE00, v5;
	v8 =	vshll.u32 v3, $0xB;
	v6 =	vadd.s32 v6, v3;
	[tilespmem:s25+$0x3000] =	vst v4;
	v4 =	vmovc v3;
	s25 =	smov.u32 s24;
	s24 =	smov.u32 s28;
	(pc) =	sbr.rel @p1 .LBB2_13-.Ltmp13, $4  }
0x137: {  	v3 =	vld [tilespmem:s24+$0x0];
	vm0 =	veq.s32 v9, $0x200;
	v5 =	vadd.s32 v5, v8;
	v6 =	vadd.s32 $0xFFF00000, v6;
	v7 =	vmovc v1  }
0x138: {  	v4 =	vand.u32 $0xFFFFFE00, v4;
	v1 =	vld [tilespmem:s24+$0x1000];
	v5 =	vadd.s32 $0xFFF00000, v5;
	v6 =	vnsel vm0, $0x0, v6  }
0x139: {  	vm1 =	veq.s32 v4, $0x200;
	[tilespmem:s25+$0x3800] =	vst v6;
	v6 =	vnsel vm0, $0x0, v7  }
0x13a: {  	v5 =	vnsel vm1, $0x0, v5;
	v4 =	vnsel vm1, $0x0, v7;
	[tilespmem:s25+$0x4000] =	vst v6  }
0x13b: {  	v6 =	vshll.u32 v2, $0xB  }
0x13c: {  	v7 =	vand.u32 $0xFFFFFE00, v2;
	v6 =	vadd.s32 v6, v3  }
0x13d: {  	[tilespmem:s25+$0x2800] =	vst v5;
	v62 =	vshll.u32 v3, $0xB;
	vm0 =	veq.s32 v7, $0x200;
	v3 =	vand.u32 $0xFFFFFE00, v3  }
0x13e: {  	[tilespmem:s25+$0x3000] =	vst v4;
	v6 =	vadd.s32 $0xFFF00000, v6;
	vm1 =	veq.s32 v3, $0x200;
	v3 =	vnsel vm0, $0x0, v1  }
0x13f: {  	v2 =	vadd.s32 v2, v62;
	v63 =	vnsel vm0, $0x0, v6;
	[tilespmem:s24+$0x4000] =	vst v3  }
0x140: {  	v2 =	vadd.s32 $0xFFF00000, v2;
	v1 =	vnsel vm1, $0x0, v1;
	[tilespmem:s24+$0x3800] =	vst v63  }
0x141: {  	v2 =	vnsel vm1, $0x0, v2;
	[tilespmem:s24+$0x3000] =	vst v1  }
0x142: {  	s28 =	simm.s32 $0x3000;
	s29 =	simm.s32 $0x2800;
	[tilespmem:s24+$0x2800] =	vst v2  }
0x143: {  	[spmem:s3] =	stream.indirect.scatter.add.f32 [tilespmem:s28], [sflag:$0x1], $0x1, s29, s17, $0xb8;
	[tilespmem:$0x18800] =	vst v63  }
0x144: {  	_ =	swait.ge [sflag:s19], $0x80  }
0x145: {  	[sflag:s19] =	ssyncset.done $0x0  }
0x146: {  	s30 =	simm.s32 $0x4000;
	s31 =	simm.s32 $0x3800;
	[sflag:s19] =	ssyncadd.s32 $0xFFFFFF80  }
0x147: {  	[spmem:s3] =	stream.indirect.scatter.add.f32 [tilespmem:s30], [sflag:$0x1], $0x1, s31, s17, $0xb8;
	[tilespmem:$0x18800] =	vst v63  }
0x148: {  	_ =	swait.ge [sflag:s19], $0x80  }
0x149: {  	s25 =	simm.s32 $0x400;
	s24 =	simm.s32 $0x80;
	[sflag:s19] =	ssyncset.done $0x0  }
.LBB2_15:
0x14a: {  	s26 =	sadd.s32 $0x3000, s24  }
0x14b: {  	s28 =	sadd.s32 $0x2800, s24;
	[sflag:s19] =	ssyncadd.s32 $0xFFFFFF80;
	s29 =	smov.u32 s25  }
0x14c: {  	[spmem:s3] =	stream.indirect.scatter.add.f32 [tilespmem:s26], [sflag:$0x1], $0x1, s28, s17, $0xb8;
	[tilespmem:$0x18800] =	vst v63  }
0x14d: {  	p1 =	seq.s32 s25, $0x1E00;
	s25 =	sadd.s32 $0x200, s25;
	_ =	swait.ge [sflag:s19], $0x80  }
.Ltmp14:
0x14e: {  	[sflag:s19] =	ssyncset.done $0x0;
	(pc) =	sbr.rel @!p1 .LBB2_15-.Ltmp14, $4  }
0x14f: {  	s26 =	sadd.s32 $0x4000, s24;
	s24 =	sadd.s32 $0x3800, s24;
	[sflag:s19] =	ssyncadd.s32 $0xFFFFFF80  }
0x150: {  	[spmem:s3] =	stream.indirect.scatter.add.f32 [tilespmem:s26], [sflag:$0x1], $0x1, s24, s17, $0xb8;
	[tilespmem:$0x18800] =	vst v63  }
0x151: {  	_ =	swait.ge [sflag:s19], $0x80  }
0x152: {  	s24 =	sshra.s32 s29, $0x2;
	[sflag:s19] =	ssyncset.done $0x0  }
.Ltmp15:
0x153: {  	_ = 	snop;
	(pc) =	sbr.rel .LBB2_16-.Ltmp15, $1  }
0x154: {  	_ =	sdelay $0x3  }
.LBB2_27:
0x155: {  	_ =	sfence.sel $0x180000  }
0x156: {  	[bflag:$0x0] =	sbarrier.arrive $0xFFFF  }
0x157: {  	p0 =	sne.s32 s2, $0x0;
	_ =	strace $0x9000004A  }
0x158: {  	s0 =	sadd.s32 @!p0 $0x100000, s0;
	[bflag:$0x2] =	sbarrier.arrive $0xFFFF  }
0x159: {  	[sflag:s0] =	ssyncadd.tile.s32 @!p0 $0x1;
	_ =	shalt  }
.Lfunc_end2:
_tile_overlayer_lowered:
.L_overlay_start_2:
0x15a: {  	(tag) =	ssettag $0x2  }
0x15b: {  	s0 =	rddreg [dreg:$0x0];
	s2 =	stileid.u32  }
0x15c: {  	s1 =	rddreg [dreg:$0x1];
	p0 =	sne.s32 s2, $0x0  }
0x15d: {  	s3 =	rddreg [dreg:$0x2];
	[bflag:$0x3] =	sbarrier.arrive $0xFFFF;
	s2 =	simm.s32 @!p0 $0x1C01  }
0x15e: {  	[timem:s3], [sflag:s2] =	dma.local @!p0 [hbm:s0], s1  }
0x15f: {  	s0 =	simm.s32 @!p0 $0x1  }
0x160: {  	_ =	swait.ge @!p0 [sflag:s0], s1  }
0x161: {  	s1 =	ssub.s32 @!p0 $0x0, s1;
	[sflag:s0] =	ssyncset.done @!p0 $0x0  }
0x162: {  	[sflag:s0] =	ssyncadd.s32 @!p0 s1  }
0x163: {  	[bflag:$0x3] =	sbarrier.arrive $0xFFFF  }
0x164: {  	_ =	shalt  }

// kernel: kernel.7.cloned.1.call-start
scs
__scs_entry_jumppad:
0x0: {  	(pc) =	sbr.rel $0x88, $3  }
0x1: {  	(tag) =	ssettag $0x0;
	lr =	simm.s32 $0x1  }
0x2: {  	[smem:$0x3F9F] =	sst lr;
	_ =	strace $0xD0000000  }
0x3: {  	_ = 	snop  }
0x4: {  	_ = 	snop  }
0x5: {  	_ = 	snop  }
0x6: {  	_ = 	snop  }
0x7: {  	_ = 	snop  }
__scs_overlays_trampoline_lowered:
0x8: {  	[smem:$0x3FAE] =	sst s0  }
0x9: {  	[smem:$0x3FAF] =	sst s1  }
0xa: {  	[smem:$0x3FB0] =	sst s2  }
0xb: {  	[smem:$0x3FB1] =	sst s3  }
0xc: {  	[smem:$0x3FB2] =	sst s4  }
0xd: {  	[smem:$0x3FB3] =	sst s5  }
0xe: {  	[smem:$0x3FB4] =	sst s6  }
0xf: {  	[smem:$0x3FB5] =	sst s7  }
0x10: {  	[smem:$0x3FB6] =	sst s8  }
0x11: {  	[smem:$0x3FB7] =	sst s9;
	s0 =	simm.s32 @!p0 $0x0  }
0x12: {  	s1 =	sld [smem:$0x3F9D];
	s0 =	simm.s32 @p0 $0x1  }
0x13: {  	[smem:$0x3FB8] =	sst s0;
	s0 =	simm.s32 @!p1 $0x0  }
0x14: {  	s2 =	sld [smem:$0x3F9C];
	s0 =	simm.s32 @p1 $0x1  }
0x15: {  	[smem:$0x3FB9] =	sst s0;
	s0 =	simm.s32 @!p2 $0x0  }
0x16: {  	s3 =	sld [smem:$0x3FDB];
	s0 =	simm.s32 @p2 $0x1  }
0x17: {  	s4 =	simm.s32 $0x1BF5;
	[smem:$0x3FBB] =	sst s0  }
0x18: {  	s0 =	sld [smem:$0x3F9E];
	_ =	swait.ge [sflag:s4], $0x0  }
0x19: {  	s7 =	sld [smem:$0x3F9F]  }
0x1a: {  	s8 =	sadd.s32 $0xFFFFE003, lr  }
0x1b: {  	s9 =	sadd.s32 $0xFFFFFEF7, lr;
	s5 =	simm.s32 $0xFFFFFFFF;
	p2 =	slt.u32 s8, $0xFFFFF086  }
0x1c: {  	p1 =	slt.u32 s9, $0xF7A;
	s5 =	simm.s32 @!p2 $0x0  }
0x1d: {  	s5 =	simm.s32 @p1 $0x1;
	p0 =	seq.s32 s7, s2  }
0x1e: {  	s7 =	smul.u32 @!p0 $0xF7A, s2;
	p2 =	seq.s32 @!p0 s5, $0x0  }
0x1f: {  	s9 =	smul.u32 $0xF7A, s1;
	s8 =	simm.s32 @!p0 $0x1BF5;
	p2 =	por !p2, p0  }
0x20: {  	[sflag:s8] =	ssyncset.s32 @!p0 $0xFFFFF086;
	s6 =	sadd.s32 @!p0 s3, s7;
	s7 =	simm.s32 @!p0 $0x108  }
0x21: {  	s3 =	sadd.s32 s3, s9;
	s6 =	sadd.s32 @!p0 $0x88, s6;
	s7 =	simm.s32 @p2 $0x1082  }
0x22: {  	[simem:s7], [sflag:s8] =	dma.local @!p0 [hbm:s6], $0xF7A  }
0x23: {  	s9 =	sor.u32 $0xD0000000, s2;
	s6 =	simm.s32 $0x108;
	_ =	swait.ge @!p0 [sflag:s8], $0x0  }
0x24: {  	s3 =	sadd.s32 $0x88, s3;
	s6 =	simm.s32 @!p1 $0x1082;
	[sflag:s4] =	ssyncset.s32 $0xFFFFF086  }
0x25: {  	[simem:s6], [sflag:s4] =	dma.local [hbm:s3], $0xF7A  }
0x26: {  	[smem:$0x3F9F] =	sst s1;
	(tag) =	ssettag s2;
	_ =	strace s9  }
0x27: {  	s1 =	sld [smem:$0x3FAF]  }
0x28: {  	s2 =	sld [smem:$0x3FB0]  }
0x29: {  	s4 =	sld [smem:$0x3FB2]  }
0x2a: {  	p0 =	seq.s32 s5, $0x0;
	s5 =	sld [smem:$0x3FB3]  }
0x2b: {  	s6 =	sld [smem:$0x3FB4]  }
0x2c: {  	s7 =	sld [smem:$0x3FB5]  }
0x2d: {  	s3 =	simm.s32 $0x108;
	s8 =	sld [smem:$0x3FB6]  }
0x2e: {  	s3 =	simm.s32 @!p0 $0x1082;
	s9 =	sld [smem:$0x3FB7]  }
0x2f: {  	lr =	sadd.s32 s0, s3;
	s0 =	sld [smem:$0x3FAE]  }
0x30: {  	s3 =	sld [smem:$0x3FB1]  }
0x31: {  	[smem:$0x3FBA] =	sst s10  }
0x32: {  	s10 =	sld [smem:$0x3FB8];
	_ =	sdelay $0x3  }
0x33: {  	p0 =	seq.s32 s10, $0x1;
	s10 =	sld [smem:$0x3FBA];
	_ =	sdelay $0x3  }
0x34: {  	[smem:$0x3FBA] =	sst s10  }
0x35: {  	s10 =	sld [smem:$0x3FB9];
	_ =	sdelay $0x3  }
0x36: {  	p1 =	seq.s32 s10, $0x1;
	s10 =	sld [smem:$0x3FBA];
	_ =	sdelay $0x3  }
0x37: {  	[smem:$0x3FBA] =	sst s10  }
0x38: {  	s10 =	sld [smem:$0x3FBB]  }
0x39: {  	_ = 	snop;
	(pc) =	sbr.ind lr, $3  }
0x3a: {  	_ = 	snop  }
0x3b: {  	_ = 	snop  }
0x3c: {  	p2 =	seq.s32 s10, $0x1;
	s10 =	sld [smem:$0x3FBA]  }
0x3d: {  	_ =	shalt  }
0x3e: {  	_ =	shalt  }
0x3f: {  	_ =	shalt  }
0x40: {  	_ =	shalt  }
0x41: {  	_ =	shalt  }
0x42: {  	_ =	shalt  }
0x43: {  	_ =	shalt  }
0x44: {  	_ =	shalt  }
0x45: {  	_ =	shalt  }
0x46: {  	_ =	shalt  }
0x47: {  	_ =	shalt  }
0x48: {  	_ =	shalt  }
0x49: {  	_ =	shalt  }
0x4a: {  	_ =	shalt  }
0x4b: {  	_ =	shalt  }
0x4c: {  	_ =	shalt  }
0x4d: {  	_ =	shalt  }
0x4e: {  	_ =	shalt  }
0x4f: {  	_ =	shalt  }
0x50: {  	_ =	shalt  }
0x51: {  	_ =	shalt  }
0x52: {  	_ =	shalt  }
0x53: {  	_ =	shalt  }
0x54: {  	_ =	shalt  }
0x55: {  	_ =	shalt  }
0x56: {  	_ =	shalt  }
0x57: {  	_ =	shalt  }
0x58: {  	_ =	shalt  }
0x59: {  	_ =	shalt  }
0x5a: {  	_ =	shalt  }
0x5b: {  	_ =	shalt  }
0x5c: {  	_ =	shalt  }
0x5d: {  	_ =	shalt  }
0x5e: {  	_ =	shalt  }
0x5f: {  	_ =	shalt  }
0x60: {  	_ =	shalt  }
0x61: {  	_ =	shalt  }
0x62: {  	_ =	shalt  }
0x63: {  	_ =	shalt  }
0x64: {  	_ =	shalt  }
0x65: {  	_ =	shalt  }
0x66: {  	_ =	shalt  }
0x67: {  	_ =	shalt  }
0x68: {  	_ =	shalt  }
0x69: {  	_ =	shalt  }
0x6a: {  	_ =	shalt  }
0x6b: {  	_ =	shalt  }
0x6c: {  	_ =	shalt  }
0x6d: {  	_ =	shalt  }
0x6e: {  	_ =	shalt  }
0x6f: {  	_ =	shalt  }
0x70: {  	_ =	shalt  }
0x71: {  	_ =	shalt  }
0x72: {  	_ =	shalt  }
0x73: {  	_ =	shalt  }
0x74: {  	_ =	shalt  }
0x75: {  	_ =	shalt  }
0x76: {  	_ =	shalt  }
0x77: {  	_ =	shalt  }
0x78: {  	_ =	shalt  }
0x79: {  	_ =	shalt  }
0x7a: {  	_ =	shalt  }
0x7b: {  	_ =	shalt  }
0x7c: {  	_ =	shalt  }
0x7d: {  	_ =	shalt  }
0x7e: {  	_ =	shalt  }
0x7f: {  	_ =	shalt  }
0x80: {  	_ =	shalt  }
0x81: {  	_ =	shalt  }
0x82: {  	_ =	shalt  }
0x83: {  	_ =	shalt  }
0x84: {  	_ =	shalt  }
0x85: {  	_ =	shalt  }
0x86: {  	_ =	shalt  }
0x87: {  	_ =	shalt  }
.Lfunc_end0:
.L_simem_size_0:
called_computation_lowered:
.L_overlay_start_0:
0x88: {  	s2 =	sld [smem:$0x3FD9]  }
0x89: {  	s3 =	sld [smem:$0x3FFE];
	_ =	sdelay $0x1  }
0x8a: {  	s1 =	srdreg.scid  }
0x8b: {  	s0 =	sand.u32 $0x1, s1  }
0x8c: {  	s18 =	sshll.u32 s0, $0xA;
	s2 =	sadd.s32 s3, s2  }
0x8d: {  	s2 =	sadd.s32 s2, s18  }
0x8e: {  	[smem:$0x3FC6] =	sst s2  }
0x8f: {  	_ = 	snop  }
0x90: {  	s2 =	sld [smem:$0x3FC8]  }
0x91: {  	s19 =	sld [smem:$0x3FD0];
	(tm) =	ssettm $0x1  }
0x92: {  	s4 =	sld [smem:$0x3FFB];
	_ =	sdelay $0x3  }
0x93: {  	_ =	strace s4  }
0x94: {  	s4 =	sld [smem:$0x3FFC];
	_ =	sdelay $0x3  }
0x95: {  	_ =	strace s4  }
0x96: {  	s4 =	sld [smem:$0x3FFD];
	_ =	sdelay $0x3  }
0x97: {  	_ =	strace s4  }
0x98: {  	_ =	strace $0x8FFFFFFF  }
0x99: {  	s20 =	sld [smem:$0x3FDB];
	_ =	sdelay $0x1  }
0x9a: {  	s5 =	simm.s32 $_scs_section_size  }
0x9b: {  	s6 =	simm.s32 $_size__tile_overlayer_lowered;
	s7 =	simm.s32 $_tile_overlayer_lowered  }
0x9c: {  	s23 =	simm.s32 $0x1BFF;
	s22 =	sshll.u32 s7, $0x1;
	s4 =	sadd.s32 s5, s20  }
0x9d: {  	s8 =	simm.s32 $0x0;
	s21 =	sshll.u32 s6, $0x1;
	s6 =	sadd.s32 s22, s4  }
0x9e: {  	[timem:s8], [sflag:s23] =	dma.local [hbm:s6], s21  }
0x9f: {  	_ =	swait.ge [sflag:s23], s21  }
0xa0: {  	s5 =	ssub.s32 $0x0, s21;
	[sflag:s23] =	ssyncset.done $0x0  }
0xa1: {  	[sflag:s23] =	ssyncadd.s32 s5;
	_ =	sdelay $0x1  }
0xa2: {  	s24 =	simm.s32 $0x1B8B  }
0xa3: {  	_ =	swait.ge [sflag:s24], $0x1  }
0xa4: {  	[sflag:s24] =	ssyncset.done $0x0  }
0xa5: {  	s25 =	simm.s32 $0x1B8E;
	[sflag:s24] =	ssyncadd.s32 $0xFFFFFFFF  }
0xa6: {  	s26 =	simm.s32 $execute0_lowered;
	[smem:$0x3FD2] =	sst s25  }
0xa7: {  	s5 =	sshll.u32 s26, $0x1;
	_ =	strace $0x80000046;
	[dreg:$0x1] =	wrdreg $0xFFFFFFFF  }
0xa8: {  	s28 =	simm.s32 $_size_execute0_lowered;
	s4 =	sadd.s32 s4, s5;
	[dreg:$0x0] =	wrdreg $0x0  }
0xa9: {  	s5 =	sshll.u32 s28, $0x1;
	[dreg:$0x2] =	wrdreg s4  }
0xaa: {  	[dreg:$0x3] =	wrdreg s5  }
0xab: {  	[dreg:$0x4] =	wrdreg $0xC0  }
0xac: {  	_ =	task [dreg:s8], $0x5FFFF  }
0xad: {  	[dreg:$0x1] =	wrdreg $0xFFFFFFFF  }
0xae: {  	[dreg:$0x0] =	wrdreg $0x60  }
0xaf: {  	[dreg:$0x2] =	wrdreg s2  }
0xb0: {  	[dreg:$0x3] =	wrdreg s19  }
0xb1: {  	[dreg:$0x4] =	wrdreg $0x18800  }
0xb2: {  	[dreg:$0x5] =	wrdreg $0x9  }
0xb3: {  	_ =	task.clear_ibuf [dreg:s8], $0x6FFFF;
	_ =	strace $0x90000046  }
0xb4: {  	s29 =	simm.s32 $0x9;
	_ =	strace $0x80000048  }
0xb5: {  	_ =	swait.ge [sflag:s29], $0x1  }
0xb6: {  	[sflag:s29] =	ssyncadd.s32 $0xFFFFFFFF  }
0xb7: {  	_ =	strace $0x90000048  }
0xb8: {  	_ =	sfence  }
0xb9: {  	s30 =	sld [smem:$0x0];
	_ =	sdelay $0x2  }
0xba: {  	s31 =	sshll.u32 s1, $0xD;
	s1 =	sshrl.u32 s1, $0x2  }
0xbb: {  	s3 =	sand.u32 $0x4000, s31;
	s1 =	sadd.s32 s1, s30  }
0xbc: {  	s0 =	sor.u32 s3, s0;
	s1 =	sshll.u32 s1, $0x11  }
0xbd: {  	s0 =	sor.u32 s1, s0  }
0xbe: {  	s0 =	sadd.s32 $0x8F2B, s0  }
0xbf: {  	[sflag:s0] =	ssyncadd.remote.s32 $0x1  }
0xc0: {  	_ =	sfence.sel $0xFFFF  }
0xc1: {  	[dreg:$0x0] =	wrdreg $0xFFFFFFFF;
	(pc) =	sbr.abs _section_cstart, $3  }
0xc2: {  	[dreg:$0x1] =	wrdreg $0xFFFFFFFF  }
0xc3: {  	_ =	task.clear_ibuf [dreg:s8], $0x2FFFF;
	_ =	strace $0x9FFFFFFF  }
0xc4: {  	(tm) =	ssettm $0x7FFFFFFF  }
0xc5: {  	_ =	shalt  }
tec
execute0_lowered:
.L_overlay_start_1:
0x0: {  	(tag) =	ssettag $0x1  }
0x1: {  	s0 =	rddreg [dreg:$0x0]  }
0x2: {  	s2 =	rddreg [dreg:$0x1];
	s3 =	srdreg.scid  }
0x3: {  	s1 =	rddreg [dreg:$0x2];
	s5 =	simm.s32 $0x0;
	s6 =	stileid.u32  }
0x4: {  	s8 =	simm.s32 $0x80;
	s10 =	simm.s32 $0x1;
	s23 =	simm.s32 $0x1280  }
0x5: {  	s28 =	simm.s32 $0x1380;
	s29 =	simm.s32 $0xC00;
	s30 =	simm.s32 $0x1400  }
0x6: {  	s31 =	simm.s32 $0xC80;
	s9 =	simm.s32 $0xD80;
	s11 =	simm.s32 $0x1580  }
0x7: {  	s12 =	simm.s32 $0xE00;
	s13 =	simm.s32 $0x1600;
	s14 =	simm.s32 $0xE80  }
0x8: {  	s15 =	simm.s32 $0x1680;
	s16 =	simm.s32 $0xF00;
	s17 =	simm.s32 $0x1700  }
0x9: {  	s18 =	simm.s32 $0xF80;
	s19 =	simm.s32 $0x1780;
	s20 =	simm.s32 $0x0  }
0xa: {  	s3 =	sand.u32 $0x1, s3;
	[smem:$0x7FF] =	sst s5;
	s25 =	sshll.u32 s6, $0x9  }
0xb: {  	s6 =	sshll.u32 s6, $0x4;
	s4 =	ssub.s32 $0x2, s3;
	_ =	strace $0x80000047  }
0xc: {  	s0 =	sadd.s32 s25, s0;
	s26 =	sshrl.u32 s25, $0x2;
	s6 =	sadd.s32 s2, s6  }
0xd: {  	p0 =	sne.s32 s3, $0x0;
	s25 =	simm.s32 $0x1300;
	s3 =	simm.s32 $0xD00  }
0xe: {  	s2 =	simm.s32 $0x1500;
	s24 =	sshrl.u32 s4, $0x1;
	s5 =	sadd.s32 s26, s1  }
0xf: {  	s26 =	simm.s32 $0xB80;
	s7 =	ssub.s32 s4, s24;
	s4 =	sadd.s32 $0x10, s0  }
0x10: {  	v0 =	vimm.f32 $0.0e+00;
	v1 =	vimm.f32 $1.000000000e+00;
	s24 =	simm.s32 $0xB00;
	s0 =	simm.s32 $0x1480;
	s7 =	smax.u32 s7, $0x1  }
.LBB2_1:
0x11: {  	s21 =	simm.s32 $0x0;
	s22 =	simm.s32 $0x100  }
0x12: {  	[tilespmem:s21], [sflag:$0x1] =	stream.strided.gather [hbm4b:s4+s8], $0x800, s22, s8, $0x38;
	[tilespmem:$0x1900] =	vst v63  }
0x13: {  	_ =	swait.ge [sflag:s10], $0x800  }
0x14: {  	[sflag:s10] =	ssyncset.done $0x0  }
0x15: {  	[sflag:s10] =	ssyncadd.s32 $0xFFFFF800  }
0x16: {  	[tilespmem:$0x1800] =	vst v0  }
0x17: {  	[tilespmem:$0x1810] =	vst v0  }
0x18: {  	[tilespmem:$0x1820] =	vst v0  }
0x19: {  	[tilespmem:$0x1830] =	vst v0  }
0x1a: {  	[tilespmem:$0x1840] =	vst v0  }
0x1b: {  	[tilespmem:$0x1850] =	vst v0  }
0x1c: {  	[tilespmem:$0x1860] =	vst v0  }
0x1d: {  	s21 =	simm.s32 $0x0;
	[tilespmem:$0x1870] =	vst v0  }
0x1e: {  	s22 =	simm.s32 $0x40;
	v2 =	vld [tilespmem:s21+$0x0];
	[tilespmem:s21+$0x1000] =	vst v1  }
.LBB2_2:
0x1f: {  	p1 =	sne.s32 s22, $0x1FC0  }
.Ltmp0:
0x20: {  	_ = 	snop;
	(pc) =	sbr.rel @p1 .LBB2_2-.Ltmp0, $3  }
0x21: {  	_ =	sdelay $0x1  }
0x22: {  	[tilespmem:s21+$0x800] =	vst v2;
	s21 =	sshra.s32 s22, $0x2;
	s22 =	sadd.s32 $0x40, s22  }
0x23: {  	v2 =	vld [tilespmem:s21+$0x0];
	[tilespmem:s21+$0x1000] =	vst v1  }
0x24: {  	_ =	sdelay $0x3  }
0x25: {  	s22 =	simm.s32 $0x1800;
	[tilespmem:s21+$0x800] =	vst v2  }
0x26: {  	[spmem:s5] =	stream.linear.scatter [tilespmem:s22], [sflag:$0x1], $0x80, $0x38;
	[tilespmem:$0x1900] =	vst v63  }
0x27: {  	_ =	swait.ge [sflag:s10], $0x80  }
0x28: {  	[sflag:s10] =	ssyncset.done $0x0  }
0x29: {  	[sflag:s10] =	ssyncadd.s32 $0xFFFFFF80  }
0x2a: {  	s21 =	simm.s32 $0x800;
	s22 =	simm.s32 $0x1000;
	[bflag:$0x0] =	sbarrier.arrive $0xFFFF  }
0x2b: {  	[spmem:s1] =	stream.indirect.scatter.add.f32 [tilespmem:s22], [sflag:$0x1], $0x1, s21, s8, $0xb8;
	[tilespmem:$0x1900] =	vst v63  }
0x2c: {  	_ =	swait.ge [sflag:s10], $0x80  }
0x2d: {  	[sflag:s10] =	ssyncset.done $0x0  }
0x2e: {  	s21 =	simm.s32 $0x880;
	s22 =	simm.s32 $0x1080;
	[sflag:s10] =	ssyncadd.s32 $0xFFFFFF80  }
0x2f: {  	[spmem:s1] =	stream.indirect.scatter.add.f32 [tilespmem:s22], [sflag:$0x1], $0x1, s21, s8, $0xb8;
	[tilespmem:$0x1900] =	vst v63  }
0x30: {  	_ =	swait.ge [sflag:s10], $0x80  }
0x31: {  	[sflag:s10] =	ssyncset.done $0x0  }
0x32: {  	s21 =	simm.s32 $0x900;
	s22 =	simm.s32 $0x1100;
	[sflag:s10] =	ssyncadd.s32 $0xFFFFFF80  }
0x33: {  	[spmem:s1] =	stream.indirect.scatter.add.f32 [tilespmem:s22], [sflag:$0x1], $0x1, s21, s8, $0xb8;
	[tilespmem:$0x1900] =	vst v63  }
0x34: {  	_ =	swait.ge [sflag:s10], $0x80  }
0x35: {  	[sflag:s10] =	ssyncset.done $0x0  }
0x36: {  	s21 =	simm.s32 $0x980;
	s22 =	simm.s32 $0x1180;
	[sflag:s10] =	ssyncadd.s32 $0xFFFFFF80  }
0x37: {  	[spmem:s1] =	stream.indirect.scatter.add.f32 [tilespmem:s22], [sflag:$0x1], $0x1, s21, s8, $0xb8;
	[tilespmem:$0x1900] =	vst v63  }
0x38: {  	_ =	swait.ge [sflag:s10], $0x80  }
0x39: {  	[sflag:s10] =	ssyncset.done $0x0  }
0x3a: {  	s21 =	simm.s32 $0xA00;
	s22 =	simm.s32 $0x1200;
	[sflag:s10] =	ssyncadd.s32 $0xFFFFFF80  }
0x3b: {  	[spmem:s1] =	stream.indirect.scatter.add.f32 [tilespmem:s22], [sflag:$0x1], $0x1, s21, s8, $0xb8;
	[tilespmem:$0x1900] =	vst v63  }
0x3c: {  	_ =	swait.ge [sflag:s10], $0x80  }
0x3d: {  	[sflag:s10] =	ssyncset.done $0x0  }
0x3e: {  	s22 =	simm.s32 $0xA80;
	[sflag:s10] =	ssyncadd.s32 $0xFFFFFF80  }
0x3f: {  	[spmem:s1] =	stream.indirect.scatter.add.f32 [tilespmem:s23], [sflag:$0x1], $0x1, s22, s8, $0xb8;
	[tilespmem:$0x1900] =	vst v63  }
0x40: {  	_ =	swait.ge [sflag:s10], $0x80  }
0x41: {  	[sflag:s10] =	ssyncset.done $0x0  }
0x42: {  	[sflag:s10] =	ssyncadd.s32 $0xFFFFFF80  }
0x43: {  	[spmem:s1] =	stream.indirect.scatter.add.f32 [tilespmem:s25], [sflag:$0x1], $0x1, s24, s8, $0xb8;
	[tilespmem:$0x1900] =	vst v63  }
0x44: {  	_ =	swait.ge [sflag:s10], $0x80  }
0x45: {  	[sflag:s10] =	ssyncset.done $0x0  }
0x46: {  	[sflag:s10] =	ssyncadd.s32 $0xFFFFFF80  }
0x47: {  	[spmem:s1] =	stream.indirect.scatter.add.f32 [tilespmem:s28], [sflag:$0x1], $0x1, s26, s8, $0xb8;
	[tilespmem:$0x1900] =	vst v63  }
0x48: {  	_ =	swait.ge [sflag:s10], $0x80  }
0x49: {  	[sflag:s10] =	ssyncset.done $0x0  }
0x4a: {  	[sflag:s10] =	ssyncadd.s32 $0xFFFFFF80  }
0x4b: {  	[spmem:s1] =	stream.indirect.scatter.add.f32 [tilespmem:s30], [sflag:$0x1], $0x1, s29, s8, $0xb8;
	[tilespmem:$0x1900] =	vst v63  }
0x4c: {  	_ =	swait.ge [sflag:s10], $0x80  }
0x4d: {  	[sflag:s10] =	ssyncset.done $0x0  }
0x4e: {  	[sflag:s10] =	ssyncadd.s32 $0xFFFFFF80  }
0x4f: {  	[spmem:s1] =	stream.indirect.scatter.add.f32 [tilespmem:s0], [sflag:$0x1], $0x1, s31, s8, $0xb8;
	[tilespmem:$0x1900] =	vst v63  }
0x50: {  	_ =	swait.ge [sflag:s10], $0x80  }
0x51: {  	[sflag:s10] =	ssyncset.done $0x0  }
0x52: {  	[sflag:s10] =	ssyncadd.s32 $0xFFFFFF80  }
0x53: {  	[spmem:s1] =	stream.indirect.scatter.add.f32 [tilespmem:s2], [sflag:$0x1], $0x1, s3, s8, $0xb8;
	[tilespmem:$0x1900] =	vst v63  }
0x54: {  	_ =	swait.ge [sflag:s10], $0x80  }
0x55: {  	[sflag:s10] =	ssyncset.done $0x0  }
0x56: {  	[sflag:s10] =	ssyncadd.s32 $0xFFFFFF80  }
0x57: {  	[spmem:s1] =	stream.indirect.scatter.add.f32 [tilespmem:s11], [sflag:$0x1], $0x1, s9, s8, $0xb8;
	[tilespmem:$0x1900] =	vst v63  }
0x58: {  	_ =	swait.ge [sflag:s10], $0x80  }
0x59: {  	[sflag:s10] =	ssyncset.done $0x0  }
0x5a: {  	[sflag:s10] =	ssyncadd.s32 $0xFFFFFF80  }
0x5b: {  	[spmem:s1] =	stream.indirect.scatter.add.f32 [tilespmem:s13], [sflag:$0x1], $0x1, s12, s8, $0xb8;
	[tilespmem:$0x1900] =	vst v63  }
0x5c: {  	_ =	swait.ge [sflag:s10], $0x80  }
0x5d: {  	[sflag:s10] =	ssyncset.done $0x0  }
0x5e: {  	[sflag:s10] =	ssyncadd.s32 $0xFFFFFF80  }
0x5f: {  	[spmem:s1] =	stream.indirect.scatter.add.f32 [tilespmem:s15], [sflag:$0x1], $0x1, s14, s8, $0xb8;
	[tilespmem:$0x1900] =	vst v63  }
0x60: {  	_ =	swait.ge [sflag:s10], $0x80  }
0x61: {  	[sflag:s10] =	ssyncset.done $0x0  }
0x62: {  	[sflag:s10] =	ssyncadd.s32 $0xFFFFFF80  }
0x63: {  	[spmem:s1] =	stream.indirect.scatter.add.f32 [tilespmem:s17], [sflag:$0x1], $0x1, s16, s8, $0xb8;
	[tilespmem:$0x1900] =	vst v63  }
0x64: {  	_ =	swait.ge [sflag:s10], $0x80  }
0x65: {  	[sflag:s10] =	ssyncset.done $0x0  }
0x66: {  	[sflag:s10] =	ssyncadd.s32 $0xFFFFFF80  }
0x67: {  	[spmem:s1] =	stream.indirect.scatter.add.f32 [tilespmem:s19], [sflag:$0x1], $0x1, s18, s8, $0xb8;
	[tilespmem:$0x1900] =	vst v63  }
0x68: {  	_ =	swait.ge [sflag:s10], $0x80  }
0x69: {  	s20 =	sadd.s32 $0x1, s20;
	s21 =	stileid.u32;
	[sflag:s10] =	ssyncset.done $0x0  }
0x6a: {  	p1 =	sne.s32 s20, s7;
	s21 =	sshll.u32 @!p0 s21, $0x6;
	[sflag:s10] =	ssyncadd.s32 $0xFFFFFF80  }
0x6b: {  	s21 =	sor.u32 @!p0 $0x1C01, s21;
	s22 =	sshrl.u32 @!p0 s5, $0x3;
	[bflag:$0x0] =	sbarrier.arrive $0xFFFF  }
0x6c: {  	[hbm:s6], [sflag:s21] =	dma.local @!p0 [spmem:s22], $0x10  }
.Ltmp1:
0x6d: {  	_ = 	snop;
	(pc) =	sbr.rel @p1 .LBB2_1-.Ltmp1, $4  }
0x6e: {  	s21 =	simm.s32 @!p0 $0x1  }
0x6f: {  	_ =	swait.ge @!p0 [sflag:s21], $0x10  }
0x70: {  	[sflag:s21] =	ssyncset.done @!p0 $0x0  }
0x71: {  	[sflag:s21] =	ssyncadd.s32 @!p0 $0xFFFFFFF0  }
0x72: {  	_ =	sfence.sel $0x180000  }
0x73: {  	[bflag:$0x0] =	sbarrier.arrive $0xFFFF  }
0x74: {  	_ =	strace $0x90000047  }
0x75: {  	s0 =	stileid.u32;
	[bflag:$0x2] =	sbarrier.arrive $0xFFFF  }
0x76: {  	p0 =	sne.s32 s0, $0x0;
	s0 =	rddreg [dreg:$0x3]  }
0x77: {  	s0 =	sadd.s32 @!p0 $0x100000, s0  }
0x78: {  	[sflag:s0] =	ssyncadd.tile.s32 @!p0 $0x1;
	_ =	shalt  }
.Lfunc_end2:
_tile_overlayer_lowered:
.L_overlay_start_2:
0x79: {  	(tag) =	ssettag $0x2  }
0x7a: {  	s0 =	rddreg [dreg:$0x0];
	s2 =	stileid.u32  }
0x7b: {  	s1 =	rddreg [dreg:$0x1];
	p0 =	sne.s32 s2, $0x0  }
0x7c: {  	s3 =	rddreg [dreg:$0x2];
	[bflag:$0x3] =	sbarrier.arrive $0xFFFF;
	s2 =	simm.s32 @!p0 $0x1C01  }
0x7d: {  	[timem:s3], [sflag:s2] =	dma.local @!p0 [hbm:s0], s1  }
0x7e: {  	s0 =	simm.s32 @!p0 $0x1  }
0x7f: {  	_ =	swait.ge @!p0 [sflag:s0], s1  }
0x80: {  	s1 =	ssub.s32 @!p0 $0x0, s1;
	[sflag:s0] =	ssyncset.done @!p0 $0x0  }
0x81: {  	[sflag:s0] =	ssyncadd.s32 @!p0 s1  }
0x82: {  	[bflag:$0x3] =	sbarrier.arrive $0xFFFF  }
0x83: {  	_ =	shalt  }

</sc_bundles>
